<compile_context>
chip_gen: v7x
topology: tpu7x:2x2x1
jax: 0.10.2.dev20260603
libtpu: 0.0.44.dev20260713+nightly
codegen_flags: <defaults>
</compile_context>

<pallas_src>
import functools

import jax
import jax.numpy as jnp
from jax import lax
from jax.experimental import pallas as pl
from jax.experimental.pallas import tpu as pltpu
from jax.experimental.pallas import tpu_sc as plsc

_DELTA = 0.5
_LOSS_WEIGHT = 0.5
_TOPK = 64
_SOFT = 6.0
_NEG_INF = float("-inf")
_K6 = _SOFT * 1.4426950408889634



def _rev16(v):
    return jnp.flip(v, axis=0)


def _merge16(a, b):
    rb = _rev16(b)
    return jnp.sort(jnp.minimum(a, rb)), jnp.sort(jnp.maximum(a, rb))


def _clean32(x0, x1):
    return jnp.sort(jnp.minimum(x0, x1)), jnp.sort(jnp.maximum(x0, x1))


def _sort64(v0, v1, v2, v3):
    lo0, hi0 = _merge16(jnp.sort(v0), jnp.sort(v1))
    lo1, hi1 = _merge16(jnp.sort(v2), jnp.sort(v3))
    rb0, rb1 = _rev16(hi1), _rev16(lo1)
    loa, lob = jnp.minimum(lo0, rb0), jnp.minimum(hi0, rb1)
    hia, hib = jnp.maximum(lo0, rb0), jnp.maximum(hi0, rb1)
    s0, s1 = _clean32(loa, lob)
    s2, s3 = _clean32(hia, hib)
    return s0, s1, s2, s3


def _merge64_top(a, b):
    z = [
        jnp.maximum(a[0], _rev16(b[3])),
        jnp.maximum(a[1], _rev16(b[2])),
        jnp.maximum(a[2], _rev16(b[1])),
        jnp.maximum(a[3], _rev16(b[0])),
    ]
    t0, t2 = jnp.minimum(z[0], z[2]), jnp.maximum(z[0], z[2])
    t1, t3 = jnp.minimum(z[1], z[3]), jnp.maximum(z[1], z[3])
    u0, u1 = jnp.minimum(t0, t1), jnp.maximum(t0, t1)
    u2, u3 = jnp.minimum(t2, t3), jnp.maximum(t2, t3)
    return jnp.sort(u0), jnp.sort(u1), jnp.sort(u2), jnp.sort(u3)


def _sc_topk_body(pred_hbm, tgt_hbm, out_hbm, prow, trow, bufa, bufb, orow):
    nc_sc = 2
    wid = lax.axis_index("s") * nc_sc + lax.axis_index("c")
    neg_inf = jnp.full((16,), _NEG_INF, jnp.float32)

    def load4(ref, base):
        return [ref[pl.ds(base + 16 * j, 16)] for j in range(4)]

    def store4(ref, base, vs):
        for j in range(4):
            ref[pl.ds(base + 16 * j, 16)] = vs[j]

    for half in range(2):
        r = wid + 32 * half
        b = r // 16
        pltpu.sync_copy(pred_hbm.at[r], prow)
        pltpu.sync_copy(tgt_hbm.at[b], trow)

        def build(i, carry):
            base = i * 64
            vs = []
            for j in range(4):
                v = prow[pl.ds(base + 16 * j, 16)]
                t = trow[pl.ds(base + 16 * j, 16)]
                vs.append(jnp.where(t == 16, v, neg_inf))
            store4(bufa, base, list(_sort64(*vs)))
            return carry

        lax.fori_loop(0, 32, build, 0)

        def make_merge(src, dst):
            def mrg(i, carry):
                a = load4(src, (2 * i) * 64)
                b4 = load4(src, (2 * i + 1) * 64)
                store4(dst, i * 64, list(_merge64_top(a, b4)))
                return carry

            return mrg

        lax.fori_loop(0, 16, make_merge(bufa, bufb), 0)
        lax.fori_loop(0, 8, make_merge(bufb, bufa), 0)
        lax.fori_loop(0, 4, make_merge(bufa, bufb), 0)
        lax.fori_loop(0, 2, make_merge(bufb, bufa), 0)
        lax.fori_loop(0, 1, make_merge(bufa, bufb), 0)

        for j in range(4):
            v = bufb[pl.ds(16 * j, 16)]
            orow[pl.ds(16 * j, 16)] = jnp.where(
                v == _NEG_INF, jnp.nan, _K6 * (v + _DELTA)
            )
        pltpu.sync_copy(orow, out_hbm.at[r])


@functools.cache
def _sc_topk():
    return pl.kernel(
        _sc_topk_body,
        out_type=jax.ShapeDtypeStruct((64, 64), jnp.float32),
        mesh=plsc.VectorSubcoreMesh(core_axis_name="c", subcore_axis_name="s"),
        scratch_types=[
            pltpu.VMEM((2048,), jnp.float32),
            pltpu.VMEM((2048,), jnp.int32),
            pltpu.VMEM((2048,), jnp.float32),
            pltpu.VMEM((1024,), jnp.float32),
            pltpu.VMEM((64,), jnp.float32),
        ],
        compiler_params=pltpu.CompilerParams(needs_layout_passes=False),
    )


def _pair_body(tp_ref, tgt_ref, a2_ref, s_ref, np_ref):
    step = pl.program_id(0)
    r, c = tp_ref.shape
    nb, k = a2_ref.shape
    bk = (nb // c) * k
    tp6 = tp_ref[...] * _K6
    acc = jnp.zeros((r, bk), jnp.float32)
    for cc in range(c):
        a2 = jnp.concatenate(
            [a2_ref[b2 * c + cc : b2 * c + cc + 1, :] for b2 in range(nb // c)],
            axis=1,
        )
        x2 = a2 - tp6[:, cc : cc + 1]
        acc = acc + jnp.log(1.0 + jnp.exp2(x2))
    rows = jnp.sum(acc, axis=1)
    m = (tgt_ref[...][:, 0] != c).astype(jnp.float32)
    s_step = jnp.sum(rows * m)
    np_step = jnp.sum(m)

    @pl.when(step == 0)
    def _():
        s_ref[...] = jnp.zeros((1, 1), jnp.float32)
        np_ref[...] = jnp.zeros((1, 1), jnp.float32)

    s_ref[...] += s_step.reshape(1, 1)
    np_ref[...] += np_step.reshape(1, 1)


@jax.jit
def kernel(pred, target):
    bsz, n, c = pred.shape
    bc = bsz * c
    bk = bsz * _TOPK

    pred_t64 = jnp.transpose(pred, (0, 2, 1)).reshape(bc, n)
    fp64 = _sc_topk()(pred_t64, target)

    rows = bsz * n
    blk = 2048
    grid = rows // blk
    s, npos = pl.pallas_call(
        _pair_body,
        grid=(grid,),
        in_specs=[
            pl.BlockSpec((blk, c), lambda i: (i, 0)),
            pl.BlockSpec((blk, 1), lambda i: (i, 0)),
            pl.BlockSpec((bc, _TOPK), lambda i: (0, 0)),
        ],
        out_specs=[
            pl.BlockSpec((1, 1), lambda i: (0, 0)),
            pl.BlockSpec((1, 1), lambda i: (0, 0)),
        ],
        out_shape=[
            jax.ShapeDtypeStruct((1, 1), jnp.float32),
            jax.ShapeDtypeStruct((1, 1), jnp.float32),
        ],
    )(pred.reshape(rows, c), target.reshape(rows, 1), fp64)

    denom = npos[0, 0] * float(bk * c)
    return (_LOSS_WEIGHT / _SOFT) * s[0, 0] / denom

# --- scband reference (transcript-rebuilt; emitter-appended) ---
"""Pipeline reference for scband-rank-loss-21045339750665 (READ-ONLY COPY).

The authoritative reference and input builder live on the scoring server;
editing this copy changes nothing except your own understanding.
"""

import jax, jax.numpy as jnp
import numpy as np

DELTA = 0.5
LOSS_WEIGHT = 0.5
TOPK = 64
SOFT = 6.0


def setup_inputs(seed: int = 0) -> dict:
    key = jax.random.key(seed)
    k1, k2 = jax.random.split(key)
    pred = jax.random.normal(k1, (4, 2048, 16), dtype=jnp.float32)
    # labels in [0, 16]; value 16 == num_classes means background
    target = jax.random.randint(k2, (4, 2048), 0, 17, dtype=jnp.int32)
    return {"pred": pred, "target": target}


def reference(pred, target):
    num_classes = pred.shape[-1]
    mask = target != num_classes  # [B, N] True where positive (non-background)
    mask_flat = mask.reshape(-1)  # [B*N]
    # tp_scores = pred[target.ne(num_classes)] -> rows of positives, [n_pos, C]
    tp_scores = pred.reshape(-1, num_classes)  # [B*N, C], all rows; masked below
    # a = pred.masked_fill(mask.unsqueeze(-1), -inf): fill positive rows with -inf
    a = jnp.where(mask[..., None], -jnp.inf, pred)  # [B, N, C]
    # a.topk(topk, dim=1): top-k over anchor dim per (batch, class)
    topv = jax.lax.top_k(jnp.transpose(a, (0, 2, 1)), TOPK)[0]  # [B, C, K]
    fp_scores = jnp.transpose(topv, (0, 2, 1)).reshape(-1, num_classes)  # [B*K, C]
    weights = jnp.where(jnp.isinf(fp_scores), 0.0, 1.0)
    loss_rank = fp_scores[None, :, :] - tp_scores[:, None, :] + DELTA  # [B*N, B*K, C]
    loss_rank = loss_rank * weights[None]
    loss_rank = (1.0 / SOFT) * jnp.log(1.0 + jnp.exp(SOFT * loss_rank))
    loss_rank = jnp.where(mask_flat[:, None, None], loss_rank, 0.0)
    n_pos = jnp.sum(mask_flat).astype(jnp.float32)
    denom = n_pos * (fp_scores.shape[0] * num_classes)
    return LOSS_WEIGHT * (jnp.sum(loss_rank) / denom)

if __name__ == "__main__":
    import jax
    _d = setup_inputs()
    print(jax.jit(kernel)(*tuple(_d.values())))

</pallas_src>

<mosaic_0001>
#map = affine_map<(d0, d1) -> (0, 0)>
module attributes {stable_mosaic.version = 14 : i64} {
  func.func @_sc_topk_body(%arg0: i32, %arg1: i32, %arg2: memref<64x2048xf32, #tpu.memory_space<hbm>>, %arg3: memref<4x2048xi32, #tpu.memory_space<hbm>>, %arg4: memref<64x64xf32, #tpu.memory_space<hbm>>, %arg5: memref<2048xf32, #tpu.memory_space<vmem>>, %arg6: memref<2048xi32, #tpu.memory_space<vmem>>, %arg7: memref<2048xf32, #tpu.memory_space<vmem>>, %arg8: memref<1024xf32, #tpu.memory_space<vmem>>, %arg9: memref<64xf32, #tpu.memory_space<vmem>>) attributes {dimension_semantics = [#tpu.dimension_semantics<core_parallel>, #tpu.dimension_semantics<subcore_parallel>], iteration_bounds = array<i64: 2, 16>, scalar_prefetch = 0 : i64, scratch_operands = 5 : i64, tpu.core_type = #tpu.core_type<sc_vector_subcore>, window_params = [{transform_indices = #map}, {transform_indices = #map}, {transform_indices = #map}]} {
    %mul3A = arith.constant 2 : i32
    %mul3A_0 = arith.muli %arg1, %mul3A : i32
    %add3A = arith.addi %mul3A_0, %arg0 : i32
    %broadcast_in_dim3A = arith.constant 0xFF800000 : f32
    %broadcast_in_dim3A_1 = vector.broadcast %broadcast_in_dim3A : f32 to vector<16xf32>
    %add3A_2 = arith.constant 0 : i32
    %add3A_3 = arith.addi %add3A, %add3A_2 : i32
    %jit3A = arith.constant 16 : i32
    %div3A = arith.divsi %add3A_3, %jit3A : i32
    %sign3A = arith.constant 0 : i32
    %sign3A_4 = arith.cmpi sgt, %add3A_3, %sign3A : i32
    %sign3A_5 = arith.extui %sign3A_4 : i1 to i32
    %sign3A_6 = arith.constant 0 : i32
    %sign3A_7 = arith.cmpi slt, %add3A_3, %sign3A_6 : i32
    %sign3A_8 = arith.extui %sign3A_7 : i1 to i32
    %sign3A_9 = arith.subi %sign3A_5, %sign3A_8 : i32
    %sign3A_10 = arith.constant 0 : i32
    %sign3A_11 = arith.cmpi sgt, %jit3A, %sign3A_10 : i32
    %sign3A_12 = arith.extui %sign3A_11 : i1 to i32
    %sign3A_13 = arith.constant 0 : i32
    %sign3A_14 = arith.cmpi slt, %jit3A, %sign3A_13 : i32
    %sign3A_15 = arith.extui %sign3A_14 : i1 to i32
    %sign3A_16 = arith.subi %sign3A_12, %sign3A_15 : i32
    %ne3A = arith.cmpi ne, %sign3A_9, %sign3A_16 : i32
    %rem3A = arith.remsi %add3A_3, %jit3A : i32
    %ne3A_17 = arith.constant 0 : i32
    %ne3A_18 = arith.cmpi ne, %rem3A, %ne3A_17 : i32
    %and3A = arith.andi %ne3A, %ne3A_18 : i1
    %sub3A = arith.constant 1 : i32
    %sub3A_19 = arith.subi %div3A, %sub3A : i32
    %select_n3A = arith.select %and3A, %sub3A_19, %div3A : i32
    "tpu.region"() ({
      %run_scoped3A = tpu.sem_alloc : memref<!tpu.dma_semaphore, #tpu.memory_space<semaphore_mem>>
      %dma_start3A = arith.constant 0 : i32
      %dma_start3A_448 = tpu.memref_slice %arg2[%add3A_3, %dma_start3A] : memref<64x2048xf32, #tpu.memory_space<hbm>> -> memref<1x2048xf32, #tpu.memory_space<hbm>>
      %dma_start3A_449 = tpu.memref_squeeze %dma_start3A_448 : memref<1x2048xf32, #tpu.memory_space<hbm>> -> memref<2048xf32, #tpu.memory_space<hbm>>
      %dma_start3A_450 = arith.constant 0 : i32
      %dma_start3A_451 = tpu.memref_slice %arg2[%add3A_3, %dma_start3A_450] : memref<64x2048xf32, #tpu.memory_space<hbm>> -> memref<1x2048xf32, #tpu.memory_space<hbm>>
      %dma_start3A_452 = tpu.memref_squeeze %dma_start3A_451 : memref<1x2048xf32, #tpu.memory_space<hbm>> -> memref<2048xf32, #tpu.memory_space<hbm>>
      tpu.enqueue_dma source(%dma_start3A_452 : memref<2048xf32, #tpu.memory_space<hbm>>) target(%arg5 : memref<2048xf32, #tpu.memory_space<vmem>>) target_semaphore(%run_scoped3A : memref<!tpu.dma_semaphore, #tpu.memory_space<semaphore_mem>>)
      %dma_wait3A = arith.constant 0 : i32
      %dma_wait3A_453 = tpu.memref_slice %arg2[%add3A_3, %dma_wait3A] : memref<64x2048xf32, #tpu.memory_space<hbm>> -> memref<1x2048xf32, #tpu.memory_space<hbm>>
      %dma_wait3A_454 = tpu.memref_squeeze %dma_wait3A_453 : memref<1x2048xf32, #tpu.memory_space<hbm>> -> memref<2048xf32, #tpu.memory_space<hbm>>
      %dma_wait3A_455 = arith.constant 0 : i32
      %dma_wait3A_456 = tpu.memref_slice %arg2[%add3A_3, %dma_wait3A_455] : memref<64x2048xf32, #tpu.memory_space<hbm>> -> memref<1x2048xf32, #tpu.memory_space<hbm>>
      %dma_wait3A_457 = tpu.memref_squeeze %dma_wait3A_456 : memref<1x2048xf32, #tpu.memory_space<hbm>> -> memref<2048xf32, #tpu.memory_space<hbm>>
      tpu.wait_dma2 semaphore(%run_scoped3A : memref<!tpu.dma_semaphore, #tpu.memory_space<semaphore_mem>>) src(%dma_wait3A_457 : memref<2048xf32, #tpu.memory_space<hbm>>) dst(%arg5 : memref<2048xf32, #tpu.memory_space<vmem>>)
      tpu.yield
    }) : () -> ()
    "tpu.region"() ({
      %run_scoped3A = tpu.sem_alloc : memref<!tpu.dma_semaphore, #tpu.memory_space<semaphore_mem>>
      %dma_start3A = arith.constant 0 : i32
      %dma_start3A_448 = tpu.memref_slice %arg3[%select_n3A, %dma_start3A] : memref<4x2048xi32, #tpu.memory_space<hbm>> -> memref<1x2048xi32, #tpu.memory_space<hbm>>
      %dma_start3A_449 = tpu.memref_squeeze %dma_start3A_448 : memref<1x2048xi32, #tpu.memory_space<hbm>> -> memref<2048xi32, #tpu.memory_space<hbm>>
      %dma_start3A_450 = arith.constant 0 : i32
      %dma_start3A_451 = tpu.memref_slice %arg3[%select_n3A, %dma_start3A_450] : memref<4x2048xi32, #tpu.memory_space<hbm>> -> memref<1x2048xi32, #tpu.memory_space<hbm>>
      %dma_start3A_452 = tpu.memref_squeeze %dma_start3A_451 : memref<1x2048xi32, #tpu.memory_space<hbm>> -> memref<2048xi32, #tpu.memory_space<hbm>>
      tpu.enqueue_dma source(%dma_start3A_452 : memref<2048xi32, #tpu.memory_space<hbm>>) target(%arg6 : memref<2048xi32, #tpu.memory_space<vmem>>) target_semaphore(%run_scoped3A : memref<!tpu.dma_semaphore, #tpu.memory_space<semaphore_mem>>)
      %dma_wait3A = arith.constant 0 : i32
      %dma_wait3A_453 = tpu.memref_slice %arg3[%select_n3A, %dma_wait3A] : memref<4x2048xi32, #tpu.memory_space<hbm>> -> memref<1x2048xi32, #tpu.memory_space<hbm>>
      %dma_wait3A_454 = tpu.memref_squeeze %dma_wait3A_453 : memref<1x2048xi32, #tpu.memory_space<hbm>> -> memref<2048xi32, #tpu.memory_space<hbm>>
      %dma_wait3A_455 = arith.constant 0 : i32
      %dma_wait3A_456 = tpu.memref_slice %arg3[%select_n3A, %dma_wait3A_455] : memref<4x2048xi32, #tpu.memory_space<hbm>> -> memref<1x2048xi32, #tpu.memory_space<hbm>>
      %dma_wait3A_457 = tpu.memref_squeeze %dma_wait3A_456 : memref<1x2048xi32, #tpu.memory_space<hbm>> -> memref<2048xi32, #tpu.memory_space<hbm>>
      tpu.wait_dma2 semaphore(%run_scoped3A : memref<!tpu.dma_semaphore, #tpu.memory_space<semaphore_mem>>) src(%dma_wait3A_457 : memref<2048xi32, #tpu.memory_space<hbm>>) dst(%arg6 : memref<2048xi32, #tpu.memory_space<vmem>>)
      tpu.yield
    }) : () -> ()
    %scan3A = arith.constant 0 : i32
    %scan3A_20 = arith.constant 0 : i32
    %scan3A_21 = arith.constant 32 : i32
    %scan3A_22 = arith.addi %scan3A_20, %scan3A_21 : i32
    %scan3A_23 = arith.constant 1 : i32
    scf.for %scan3A_448 = %scan3A_20 to %scan3A_22 step %scan3A_23  : i32 {
      %mul3A_449 = arith.constant 64 : i32
      %mul3A_450 = arith.muli %scan3A_448, %mul3A_449 : i32
      %add3A_451 = arith.constant 0 : i32
      %add3A_452 = arith.addi %mul3A_450, %add3A_451 : i32
      %get3A_453 = arith.index_cast %add3A_452 : i32 to index
      %get3A_454 = tpu.vector_load %arg5[%get3A_453] {strides = array<i32>} : memref<2048xf32, #tpu.memory_space<vmem>>, vector<16xf32>,
      %add3A_455 = arith.constant 0 : i32
      %add3A_456 = arith.addi %mul3A_450, %add3A_455 : i32
      %get3A_457 = arith.index_cast %add3A_456 : i32 to index
      %get3A_458 = tpu.vector_load %arg6[%get3A_457] {strides = array<i32>} : memref<2048xi32, #tpu.memory_space<vmem>>, vector<16xi32>,
      %eq3A_459 = arith.constant 16 : i32
      %eq3A_460 = vector.broadcast %eq3A_459 : i32 to vector<16xi32>
      %eq3A_461 = arith.cmpi eq, %get3A_458, %eq3A_460 : vector<16xi32>
      %select_n3A_462 = arith.select %eq3A_461, %get3A_454, %broadcast_in_dim3A_1 : vector<16xi1>, vector<16xf32>
      %add3A_463 = arith.constant 16 : i32
      %add3A_464 = arith.addi %mul3A_450, %add3A_463 : i32
      %get3A_465 = arith.index_cast %add3A_464 : i32 to index
      %get3A_466 = tpu.vector_load %arg5[%get3A_465] {strides = array<i32>} : memref<2048xf32, #tpu.memory_space<vmem>>, vector<16xf32>,
      %add3A_467 = arith.constant 16 : i32
      %add3A_468 = arith.addi %mul3A_450, %add3A_467 : i32
      %get3A_469 = arith.index_cast %add3A_468 : i32 to index
      %get3A_470 = tpu.vector_load %arg6[%get3A_469] {strides = array<i32>} : memref<2048xi32, #tpu.memory_space<vmem>>, vector<16xi32>,
      %eq3A_471 = arith.constant 16 : i32
      %eq3A_472 = vector.broadcast %eq3A_471 : i32 to vector<16xi32>
      %eq3A_473 = arith.cmpi eq, %get3A_470, %eq3A_472 : vector<16xi32>
      %select_n3A_474 = arith.select %eq3A_473, %get3A_466, %broadcast_in_dim3A_1 : vector<16xi1>, vector<16xf32>
      %add3A_475 = arith.constant 32 : i32
      %add3A_476 = arith.addi %mul3A_450, %add3A_475 : i32
      %get3A_477 = arith.index_cast %add3A_476 : i32 to index
      %get3A_478 = tpu.vector_load %arg5[%get3A_477] {strides = array<i32>} : memref<2048xf32, #tpu.memory_space<vmem>>, vector<16xf32>,
      %add3A_479 = arith.constant 32 : i32
      %add3A_480 = arith.addi %mul3A_450, %add3A_479 : i32
      %get3A_481 = arith.index_cast %add3A_480 : i32 to index
      %get3A_482 = tpu.vector_load %arg6[%get3A_481] {strides = array<i32>} : memref<2048xi32, #tpu.memory_space<vmem>>, vector<16xi32>,
      %eq3A_483 = arith.constant 16 : i32
      %eq3A_484 = vector.broadcast %eq3A_483 : i32 to vector<16xi32>
      %eq3A_485 = arith.cmpi eq, %get3A_482, %eq3A_484 : vector<16xi32>
      %select_n3A_486 = arith.select %eq3A_485, %get3A_478, %broadcast_in_dim3A_1 : vector<16xi1>, vector<16xf32>
      %add3A_487 = arith.constant 48 : i32
      %add3A_488 = arith.addi %mul3A_450, %add3A_487 : i32
      %get3A_489 = arith.index_cast %add3A_488 : i32 to index
      %get3A_490 = tpu.vector_load %arg5[%get3A_489] {strides = array<i32>} : memref<2048xf32, #tpu.memory_space<vmem>>, vector<16xf32>,
      %add3A_491 = arith.constant 48 : i32
      %add3A_492 = arith.addi %mul3A_450, %add3A_491 : i32
      %get3A_493 = arith.index_cast %add3A_492 : i32 to index
      %get3A_494 = tpu.vector_load %arg6[%get3A_493] {strides = array<i32>} : memref<2048xi32, #tpu.memory_space<vmem>>, vector<16xi32>,
      %eq3A_495 = arith.constant 16 : i32
      %eq3A_496 = vector.broadcast %eq3A_495 : i32 to vector<16xi32>
      %eq3A_497 = arith.cmpi eq, %get3A_494, %eq3A_496 : vector<16xi32>
      %select_n3A_498 = arith.select %eq3A_497, %get3A_490, %broadcast_in_dim3A_1 : vector<16xi1>, vector<16xf32>
      %sort3A_499 = arith.constant dense<true> : vector<16xi1>
      %sort3A_500, %sort3A_501, %sort3A_502 = tpu.sort %select_n3A_462, %select_n3A_462 masked %sort3A_499 : (vector<16xf32>, vector<16xf32>, vector<16xi1>) -> (vector<16xi1>, vector<16xf32>, vector<16xf32>)
      %sort3A_503 = arith.constant dense<true> : vector<16xi1>
      %sort3A_504, %sort3A_505, %sort3A_506 = tpu.sort %select_n3A_474, %select_n3A_474 masked %sort3A_503 : (vector<16xf32>, vector<16xf32>, vector<16xi1>) -> (vector<16xi1>, vector<16xf32>, vector<16xf32>)
      %rev3A_507 = arith.constant 15 : i32
      %rev3A_508 = vector.broadcast %rev3A_507 : i32 to vector<16xi32>
      %rev3A_509 = tpu.iota {dimensions = array<i32: 0>} : vector<16xi32>
      %rev3A_510 = arith.subi %rev3A_508, %rev3A_509 : vector<16xi32>
      %rev3A_511 = tpu.dynamic_gather %sort3A_505[%rev3A_510] in [0] : vector<16xf32>, vector<16xi32> -> vector<16xf32>
      %min3A_512 = arith.minimumf %sort3A_501, %rev3A_511 : vector<16xf32>
      %sort3A_513 = arith.constant dense<true> : vector<16xi1>
      %sort3A_514, %sort3A_515, %sort3A_516 = tpu.sort %min3A_512, %min3A_512 masked %sort3A_513 : (vector<16xf32>, vector<16xf32>, vector<16xi1>) -> (vector<16xi1>, vector<16xf32>, vector<16xf32>)
      %max3A_517 = arith.maximumf %sort3A_501, %rev3A_511 : vector<16xf32>
      %sort3A_518 = arith.constant dense<true> : vector<16xi1>
      %sort3A_519, %sort3A_520, %sort3A_521 = tpu.sort %max3A_517, %max3A_517 masked %sort3A_518 : (vector<16xf32>, vector<16xf32>, vector<16xi1>) -> (vector<16xi1>, vector<16xf32>, vector<16xf32>)
      %sort3A_522 = arith.constant dense<true> : vector<16xi1>
      %sort3A_523, %sort3A_524, %sort3A_525 = tpu.sort %select_n3A_486, %select_n3A_486 masked %sort3A_522 : (vector<16xf32>, vector<16xf32>, vector<16xi1>) -> (vector<16xi1>, vector<16xf32>, vector<16xf32>)
      %sort3A_526 = arith.constant dense<true> : vector<16xi1>
      %sort3A_527, %sort3A_528, %sort3A_529 = tpu.sort %select_n3A_498, %select_n3A_498 masked %sort3A_526 : (vector<16xf32>, vector<16xf32>, vector<16xi1>) -> (vector<16xi1>, vector<16xf32>, vector<16xf32>)
      %rev3A_530 = arith.constant 15 : i32
      %rev3A_531 = vector.broadcast %rev3A_530 : i32 to vector<16xi32>
      %rev3A_532 = tpu.iota {dimensions = array<i32: 0>} : vector<16xi32>
      %rev3A_533 = arith.subi %rev3A_531, %rev3A_532 : vector<16xi32>
      %rev3A_534 = tpu.dynamic_gather %sort3A_528[%rev3A_533] in [0] : vector<16xf32>, vector<16xi32> -> vector<16xf32>
      %min3A_535 = arith.minimumf %sort3A_524, %rev3A_534 : vector<16xf32>
      %sort3A_536 = arith.constant dense<true> : vector<16xi1>
      %sort3A_537, %sort3A_538, %sort3A_539 = tpu.sort %min3A_535, %min3A_535 masked %sort3A_536 : (vector<16xf32>, vector<16xf32>, vector<16xi1>) -> (vector<16xi1>, vector<16xf32>, vector<16xf32>)
      %max3A_540 = arith.maximumf %sort3A_524, %rev3A_534 : vector<16xf32>
      %sort3A_541 = arith.constant dense<true> : vector<16xi1>
      %sort3A_542, %sort3A_543, %sort3A_544 = tpu.sort %max3A_540, %max3A_540 masked %sort3A_541 : (vector<16xf32>, vector<16xf32>, vector<16xi1>) -> (vector<16xi1>, vector<16xf32>, vector<16xf32>)
      %rev3A_545 = arith.constant 15 : i32
      %rev3A_546 = vector.broadcast %rev3A_545 : i32 to vector<16xi32>
      %rev3A_547 = tpu.iota {dimensions = array<i32: 0>} : vector<16xi32>
      %rev3A_548 = arith.subi %rev3A_546, %rev3A_547 : vector<16xi32>
      %rev3A_549 = tpu.dynamic_gather %sort3A_543[%rev3A_548] in [0] : vector<16xf32>, vector<16xi32> -> vector<16xf32>
      %rev3A_550 = arith.constant 15 : i32
      %rev3A_551 = vector.broadcast %rev3A_550 : i32 to vector<16xi32>
      %rev3A_552 = tpu.iota {dimensions = array<i32: 0>} : vector<16xi32>
      %rev3A_553 = arith.subi %rev3A_551, %rev3A_552 : vector<16xi32>
      %rev3A_554 = tpu.dynamic_gather %sort3A_538[%rev3A_553] in [0] : vector<16xf32>, vector<16xi32> -> vector<16xf32>
      %min3A_555 = arith.minimumf %sort3A_515, %rev3A_549 : vector<16xf32>
      %min3A_556 = arith.minimumf %sort3A_520, %rev3A_554 : vector<16xf32>
      %max3A_557 = arith.maximumf %sort3A_515, %rev3A_549 : vector<16xf32>
      %max3A_558 = arith.maximumf %sort3A_520, %rev3A_554 : vector<16xf32>
      %min3A_559 = arith.minimumf %min3A_555, %min3A_556 : vector<16xf32>
      %sort3A_560 = arith.constant dense<true> : vector<16xi1>
      %sort3A_561, %sort3A_562, %sort3A_563 = tpu.sort %min3A_559, %min3A_559 masked %sort3A_560 : (vector<16xf32>, vector<16xf32>, vector<16xi1>) -> (vector<16xi1>, vector<16xf32>, vector<16xf32>)
      %max3A_564 = arith.maximumf %min3A_555, %min3A_556 : vector<16xf32>
      %sort3A_565 = arith.constant dense<true> : vector<16xi1>
      %sort3A_566, %sort3A_567, %sort3A_568 = tpu.sort %max3A_564, %max3A_564 masked %sort3A_565 : (vector<16xf32>, vector<16xf32>, vector<16xi1>) -> (vector<16xi1>, vector<16xf32>, vector<16xf32>)
      %min3A_569 = arith.minimumf %max3A_557, %max3A_558 : vector<16xf32>
      %sort3A_570 = arith.constant dense<true> : vector<16xi1>
      %sort3A_571, %sort3A_572, %sort3A_573 = tpu.sort %min3A_569, %min3A_569 masked %sort3A_570 : (vector<16xf32>, vector<16xf32>, vector<16xi1>) -> (vector<16xi1>, vector<16xf32>, vector<16xf32>)
      %max3A_574 = arith.maximumf %max3A_557, %max3A_558 : vector<16xf32>
      %sort3A_575 = arith.constant dense<true> : vector<16xi1>
      %sort3A_576, %sort3A_577, %sort3A_578 = tpu.sort %max3A_574, %max3A_574 masked %sort3A_575 : (vector<16xf32>, vector<16xf32>, vector<16xi1>) -> (vector<16xi1>, vector<16xf32>, vector<16xf32>)
      %add3A_579 = arith.constant 0 : i32
      %add3A_580 = arith.addi %mul3A_450, %add3A_579 : i32
      %swap3A_581 = arith.index_cast %add3A_580 : i32 to index
      %swap3A_582 = tpu.vector_load %arg7[%swap3A_581] {strides = array<i32>} : memref<2048xf32, #tpu.memory_space<vmem>>, vector<16xf32>,
      tpu.vector_store %arg7[%swap3A_581], %sort3A_562 {strides = array<i32>} : memref<2048xf32, #tpu.memory_space<vmem>>, vector<16xf32>,
      %add3A_583 = arith.constant 16 : i32
      %add3A_584 = arith.addi %mul3A_450, %add3A_583 : i32
      %swap3A_585 = arith.index_cast %add3A_584 : i32 to index
      %swap3A_586 = tpu.vector_load %arg7[%swap3A_585] {strides = array<i32>} : memref<2048xf32, #tpu.memory_space<vmem>>, vector<16xf32>,
      tpu.vector_store %arg7[%swap3A_585], %sort3A_567 {strides = array<i32>} : memref<2048xf32, #tpu.memory_space<vmem>>, vector<16xf32>,
      %add3A_587 = arith.constant 32 : i32
      %add3A_588 = arith.addi %mul3A_450, %add3A_587 : i32
      %swap3A_589 = arith.index_cast %add3A_588 : i32 to index
      %swap3A_590 = tpu.vector_load %arg7[%swap3A_589] {strides = array<i32>} : memref<2048xf32, #tpu.memory_space<vmem>>, vector<16xf32>,
      tpu.vector_store %arg7[%swap3A_589], %sort3A_572 {strides = array<i32>} : memref<2048xf32, #tpu.memory_space<vmem>>, vector<16xf32>,
      %add3A_591 = arith.constant 48 : i32
      %add3A_592 = arith.addi %mul3A_450, %add3A_591 : i32
      %swap3A_593 = arith.index_cast %add3A_592 : i32 to index
      %swap3A_594 = tpu.vector_load %arg7[%swap3A_593] {strides = array<i32>} : memref<2048xf32, #tpu.memory_space<vmem>>, vector<16xf32>,
      tpu.vector_store %arg7[%swap3A_593], %sort3A_577 {strides = array<i32>} : memref<2048xf32, #tpu.memory_space<vmem>>, vector<16xf32>,
    }
    %scan3A_24 = arith.constant 32 : i32
    %scan3A_25 = arith.constant 0 : i32
    %scan3A_26 = arith.constant 0 : i32
    %scan3A_27 = arith.constant 16 : i32
    %scan3A_28 = arith.addi %scan3A_26, %scan3A_27 : i32
    %scan3A_29 = arith.constant 1 : i32
    scf.for %scan3A_448 = %scan3A_26 to %scan3A_28 step %scan3A_29  : i32 {
      %mul3A_449 = arith.constant 2 : i32
      %mul3A_450 = arith.muli %mul3A_449, %scan3A_448 : i32
      %mul3A_451 = arith.constant 64 : i32
      %mul3A_452 = arith.muli %mul3A_450, %mul3A_451 : i32
      %add3A_453 = arith.constant 0 : i32
      %add3A_454 = arith.addi %mul3A_452, %add3A_453 : i32
      %get3A_455 = arith.index_cast %add3A_454 : i32 to index
      %get3A_456 = tpu.vector_load %arg7[%get3A_455] {strides = array<i32>} : memref<2048xf32, #tpu.memory_space<vmem>>, vector<16xf32>,
      %add3A_457 = arith.constant 16 : i32
      %add3A_458 = arith.addi %mul3A_452, %add3A_457 : i32
      %get3A_459 = arith.index_cast %add3A_458 : i32 to index
      %get3A_460 = tpu.vector_load %arg7[%get3A_459] {strides = array<i32>} : memref<2048xf32, #tpu.memory_space<vmem>>, vector<16xf32>,
      %add3A_461 = arith.constant 32 : i32
      %add3A_462 = arith.addi %mul3A_452, %add3A_461 : i32
      %get3A_463 = arith.index_cast %add3A_462 : i32 to index
      %get3A_464 = tpu.vector_load %arg7[%get3A_463] {strides = array<i32>} : memref<2048xf32, #tpu.memory_space<vmem>>, vector<16xf32>,
      %add3A_465 = arith.constant 48 : i32
      %add3A_466 = arith.addi %mul3A_452, %add3A_465 : i32
      %get3A_467 = arith.index_cast %add3A_466 : i32 to index
      %get3A_468 = tpu.vector_load %arg7[%get3A_467] {strides = array<i32>} : memref<2048xf32, #tpu.memory_space<vmem>>, vector<16xf32>,
      %mul3A_469 = arith.constant 2 : i32
      %mul3A_470 = arith.muli %mul3A_469, %scan3A_448 : i32
      %add3A_471 = arith.constant 1 : i32
      %add3A_472 = arith.addi %mul3A_470, %add3A_471 : i32
      %mul3A_473 = arith.constant 64 : i32
      %mul3A_474 = arith.muli %add3A_472, %mul3A_473 : i32
      %add3A_475 = arith.constant 0 : i32
      %add3A_476 = arith.addi %mul3A_474, %add3A_475 : i32
      %get3A_477 = arith.index_cast %add3A_476 : i32 to index
      %get3A_478 = tpu.vector_load %arg7[%get3A_477] {strides = array<i32>} : memref<2048xf32, #tpu.memory_space<vmem>>, vector<16xf32>,
      %add3A_479 = arith.constant 16 : i32
      %add3A_480 = arith.addi %mul3A_474, %add3A_479 : i32
      %get3A_481 = arith.index_cast %add3A_480 : i32 to index
      %get3A_482 = tpu.vector_load %arg7[%get3A_481] {strides = array<i32>} : memref<2048xf32, #tpu.memory_space<vmem>>, vector<16xf32>,
      %add3A_483 = arith.constant 32 : i32
      %add3A_484 = arith.addi %mul3A_474, %add3A_483 : i32
      %get3A_485 = arith.index_cast %add3A_484 : i32 to index
      %get3A_486 = tpu.vector_load %arg7[%get3A_485] {strides = array<i32>} : memref<2048xf32, #tpu.memory_space<vmem>>, vector<16xf32>,
      %add3A_487 = arith.constant 48 : i32
      %add3A_488 = arith.addi %mul3A_474, %add3A_487 : i32
      %get3A_489 = arith.index_cast %add3A_488 : i32 to index
      %get3A_490 = tpu.vector_load %arg7[%get3A_489] {strides = array<i32>} : memref<2048xf32, #tpu.memory_space<vmem>>, vector<16xf32>,
      %mul3A_491 = arith.constant 64 : i32
      %mul3A_492 = arith.muli %scan3A_448, %mul3A_491 : i32
      %rev3A_493 = arith.constant 15 : i32
      %rev3A_494 = vector.broadcast %rev3A_493 : i32 to vector<16xi32>
      %rev3A_495 = tpu.iota {dimensions = array<i32: 0>} : vector<16xi32>
      %rev3A_496 = arith.subi %rev3A_494, %rev3A_495 : vector<16xi32>
      %rev3A_497 = tpu.dynamic_gather %get3A_490[%rev3A_496] in [0] : vector<16xf32>, vector<16xi32> -> vector<16xf32>
      %max3A_498 = arith.maximumf %get3A_456, %rev3A_497 : vector<16xf32>
      %rev3A_499 = arith.constant 15 : i32
      %rev3A_500 = vector.broadcast %rev3A_499 : i32 to vector<16xi32>
      %rev3A_501 = tpu.iota {dimensions = array<i32: 0>} : vector<16xi32>
      %rev3A_502 = arith.subi %rev3A_500, %rev3A_501 : vector<16xi32>
      %rev3A_503 = tpu.dynamic_gather %get3A_486[%rev3A_502] in [0] : vector<16xf32>, vector<16xi32> -> vector<16xf32>
      %max3A_504 = arith.maximumf %get3A_460, %rev3A_503 : vector<16xf32>
      %rev3A_505 = arith.constant 15 : i32
      %rev3A_506 = vector.broadcast %rev3A_505 : i32 to vector<16xi32>
      %rev3A_507 = tpu.iota {dimensions = array<i32: 0>} : vector<16xi32>
      %rev3A_508 = arith.subi %rev3A_506, %rev3A_507 : vector<16xi32>
      %rev3A_509 = tpu.dynamic_gather %get3A_482[%rev3A_508] in [0] : vector<16xf32>, vector<16xi32> -> vector<16xf32>
      %max3A_510 = arith.maximumf %get3A_464, %rev3A_509 : vector<16xf32>
      %rev3A_511 = arith.constant 15 : i32
      %rev3A_512 = vector.broadcast %rev3A_511 : i32 to vector<16xi32>
      %rev3A_513 = tpu.iota {dimensions = array<i32: 0>} : vector<16xi32>
      %rev3A_514 = arith.subi %rev3A_512, %rev3A_513 : vector<16xi32>
      %rev3A_515 = tpu.dynamic_gather %get3A_478[%rev3A_514] in [0] : vector<16xf32>, vector<16xi32> -> vector<16xf32>
      %max3A_516 = arith.maximumf %get3A_468, %rev3A_515 : vector<16xf32>
      %min3A_517 = arith.minimumf %max3A_498, %max3A_510 : vector<16xf32>
      %max3A_518 = arith.maximumf %max3A_498, %max3A_510 : vector<16xf32>
      %min3A_519 = arith.minimumf %max3A_504, %max3A_516 : vector<16xf32>
      %max3A_520 = arith.maximumf %max3A_504, %max3A_516 : vector<16xf32>
      %min3A_521 = arith.minimumf %min3A_517, %min3A_519 : vector<16xf32>
      %max3A_522 = arith.maximumf %min3A_517, %min3A_519 : vector<16xf32>
      %min3A_523 = arith.minimumf %max3A_518, %max3A_520 : vector<16xf32>
      %max3A_524 = arith.maximumf %max3A_518, %max3A_520 : vector<16xf32>
      %sort3A_525 = arith.constant dense<true> : vector<16xi1>
      %sort3A_526, %sort3A_527, %sort3A_528 = tpu.sort %min3A_521, %min3A_521 masked %sort3A_525 : (vector<16xf32>, vector<16xf32>, vector<16xi1>) -> (vector<16xi1>, vector<16xf32>, vector<16xf32>)
      %sort3A_529 = arith.constant dense<true> : vector<16xi1>
      %sort3A_530, %sort3A_531, %sort3A_532 = tpu.sort %max3A_522, %max3A_522 masked %sort3A_529 : (vector<16xf32>, vector<16xf32>, vector<16xi1>) -> (vector<16xi1>, vector<16xf32>, vector<16xf32>)
      %sort3A_533 = arith.constant dense<true> : vector<16xi1>
      %sort3A_534, %sort3A_535, %sort3A_536 = tpu.sort %min3A_523, %min3A_523 masked %sort3A_533 : (vector<16xf32>, vector<16xf32>, vector<16xi1>) -> (vector<16xi1>, vector<16xf32>, vector<16xf32>)
      %sort3A_537 = arith.constant dense<true> : vector<16xi1>
      %sort3A_538, %sort3A_539, %sort3A_540 = tpu.sort %max3A_524, %max3A_524 masked %sort3A_537 : (vector<16xf32>, vector<16xf32>, vector<16xi1>) -> (vector<16xi1>, vector<16xf32>, vector<16xf32>)
      %add3A_541 = arith.constant 0 : i32
      %add3A_542 = arith.addi %mul3A_492, %add3A_541 : i32
      %swap3A_543 = arith.index_cast %add3A_542 : i32 to index
      %swap3A_544 = tpu.vector_load %arg8[%swap3A_543] {strides = array<i32>} : memref<1024xf32, #tpu.memory_space<vmem>>, vector<16xf32>,
      tpu.vector_store %arg8[%swap3A_543], %sort3A_527 {strides = array<i32>} : memref<1024xf32, #tpu.memory_space<vmem>>, vector<16xf32>,
      %add3A_545 = arith.constant 16 : i32
      %add3A_546 = arith.addi %mul3A_492, %add3A_545 : i32
      %swap3A_547 = arith.index_cast %add3A_546 : i32 to index
      %swap3A_548 = tpu.vector_load %arg8[%swap3A_547] {strides = array<i32>} : memref<1024xf32, #tpu.memory_space<vmem>>, vector<16xf32>,
      tpu.vector_store %arg8[%swap3A_547], %sort3A_531 {strides = array<i32>} : memref<1024xf32, #tpu.memory_space<vmem>>, vector<16xf32>,
      %add3A_549 = arith.constant 32 : i32
      %add3A_550 = arith.addi %mul3A_492, %add3A_549 : i32
      %swap3A_551 = arith.index_cast %add3A_550 : i32 to index
      %swap3A_552 = tpu.vector_load %arg8[%swap3A_551] {strides = array<i32>} : memref<1024xf32, #tpu.memory_space<vmem>>, vector<16xf32>,
      tpu.vector_store %arg8[%swap3A_551], %sort3A_535 {strides = array<i32>} : memref<1024xf32, #tpu.memory_space<vmem>>, vector<16xf32>,
      %add3A_553 = arith.constant 48 : i32
      %add3A_554 = arith.addi %mul3A_492, %add3A_553 : i32
      %swap3A_555 = arith.index_cast %add3A_554 : i32 to index
      %swap3A_556 = tpu.vector_load %arg8[%swap3A_555] {strides = array<i32>} : memref<1024xf32, #tpu.memory_space<vmem>>, vector<16xf32>,
      tpu.vector_store %arg8[%swap3A_555], %sort3A_539 {strides = array<i32>} : memref<1024xf32, #tpu.memory_space<vmem>>, vector<16xf32>,
    }
    %scan3A_30 = arith.constant 16 : i32
    %scan3A_31 = arith.constant 0 : i32
    %scan3A_32 = arith.constant 0 : i32
    %scan3A_33 = arith.constant 8 : i32
    %scan3A_34 = arith.addi %scan3A_32, %scan3A_33 : i32
    %scan3A_35 = arith.constant 1 : i32
    scf.for %scan3A_448 = %scan3A_32 to %scan3A_34 step %scan3A_35  : i32 {
      %mul3A_449 = arith.constant 2 : i32
      %mul3A_450 = arith.muli %mul3A_449, %scan3A_448 : i32
      %mul3A_451 = arith.constant 64 : i32
      %mul3A_452 = arith.muli %mul3A_450, %mul3A_451 : i32
      %add3A_453 = arith.constant 0 : i32
      %add3A_454 = arith.addi %mul3A_452, %add3A_453 : i32
      %get3A_455 = arith.index_cast %add3A_454 : i32 to index
      %get3A_456 = tpu.vector_load %arg8[%get3A_455] {strides = array<i32>} : memref<1024xf32, #tpu.memory_space<vmem>>, vector<16xf32>,
      %add3A_457 = arith.constant 16 : i32
      %add3A_458 = arith.addi %mul3A_452, %add3A_457 : i32
      %get3A_459 = arith.index_cast %add3A_458 : i32 to index
      %get3A_460 = tpu.vector_load %arg8[%get3A_459] {strides = array<i32>} : memref<1024xf32, #tpu.memory_space<vmem>>, vector<16xf32>,
      %add3A_461 = arith.constant 32 : i32
      %add3A_462 = arith.addi %mul3A_452, %add3A_461 : i32
      %get3A_463 = arith.index_cast %add3A_462 : i32 to index
      %get3A_464 = tpu.vector_load %arg8[%get3A_463] {strides = array<i32>} : memref<1024xf32, #tpu.memory_space<vmem>>, vector<16xf32>,
      %add3A_465 = arith.constant 48 : i32
      %add3A_466 = arith.addi %mul3A_452, %add3A_465 : i32
      %get3A_467 = arith.index_cast %add3A_466 : i32 to index
      %get3A_468 = tpu.vector_load %arg8[%get3A_467] {strides = array<i32>} : memref<1024xf32, #tpu.memory_space<vmem>>, vector<16xf32>,
      %mul3A_469 = arith.constant 2 : i32
      %mul3A_470 = arith.muli %mul3A_469, %scan3A_448 : i32
      %add3A_471 = arith.constant 1 : i32
      %add3A_472 = arith.addi %mul3A_470, %add3A_471 : i32
      %mul3A_473 = arith.constant 64 : i32
      %mul3A_474 = arith.muli %add3A_472, %mul3A_473 : i32
      %add3A_475 = arith.constant 0 : i32
      %add3A_476 = arith.addi %mul3A_474, %add3A_475 : i32
      %get3A_477 = arith.index_cast %add3A_476 : i32 to index
      %get3A_478 = tpu.vector_load %arg8[%get3A_477] {strides = array<i32>} : memref<1024xf32, #tpu.memory_space<vmem>>, vector<16xf32>,
      %add3A_479 = arith.constant 16 : i32
      %add3A_480 = arith.addi %mul3A_474, %add3A_479 : i32
      %get3A_481 = arith.index_cast %add3A_480 : i32 to index
      %get3A_482 = tpu.vector_load %arg8[%get3A_481] {strides = array<i32>} : memref<1024xf32, #tpu.memory_space<vmem>>, vector<16xf32>,
      %add3A_483 = arith.constant 32 : i32
      %add3A_484 = arith.addi %mul3A_474, %add3A_483 : i32
      %get3A_485 = arith.index_cast %add3A_484 : i32 to index
      %get3A_486 = tpu.vector_load %arg8[%get3A_485] {strides = array<i32>} : memref<1024xf32, #tpu.memory_space<vmem>>, vector<16xf32>,
      %add3A_487 = arith.constant 48 : i32
      %add3A_488 = arith.addi %mul3A_474, %add3A_487 : i32
      %get3A_489 = arith.index_cast %add3A_488 : i32 to index
      %get3A_490 = tpu.vector_load %arg8[%get3A_489] {strides = array<i32>} : memref<1024xf32, #tpu.memory_space<vmem>>, vector<16xf32>,
      %mul3A_491 = arith.constant 64 : i32
      %mul3A_492 = arith.muli %scan3A_448, %mul3A_491 : i32
      %rev3A_493 = arith.constant 15 : i32
      %rev3A_494 = vector.broadcast %rev3A_493 : i32 to vector<16xi32>
      %rev3A_495 = tpu.iota {dimensions = array<i32: 0>} : vector<16xi32>
      %rev3A_496 = arith.subi %rev3A_494, %rev3A_495 : vector<16xi32>
      %rev3A_497 = tpu.dynamic_gather %get3A_490[%rev3A_496] in [0] : vector<16xf32>, vector<16xi32> -> vector<16xf32>
      %max3A_498 = arith.maximumf %get3A_456, %rev3A_497 : vector<16xf32>
      %rev3A_499 = arith.constant 15 : i32
      %rev3A_500 = vector.broadcast %rev3A_499 : i32 to vector<16xi32>
      %rev3A_501 = tpu.iota {dimensions = array<i32: 0>} : vector<16xi32>
      %rev3A_502 = arith.subi %rev3A_500, %rev3A_501 : vector<16xi32>
      %rev3A_503 = tpu.dynamic_gather %get3A_486[%rev3A_502] in [0] : vector<16xf32>, vector<16xi32> -> vector<16xf32>
      %max3A_504 = arith.maximumf %get3A_460, %rev3A_503 : vector<16xf32>
      %rev3A_505 = arith.constant 15 : i32
      %rev3A_506 = vector.broadcast %rev3A_505 : i32 to vector<16xi32>
      %rev3A_507 = tpu.iota {dimensions = array<i32: 0>} : vector<16xi32>
      %rev3A_508 = arith.subi %rev3A_506, %rev3A_507 : vector<16xi32>
      %rev3A_509 = tpu.dynamic_gather %get3A_482[%rev3A_508] in [0] : vector<16xf32>, vector<16xi32> -> vector<16xf32>
      %max3A_510 = arith.maximumf %get3A_464, %rev3A_509 : vector<16xf32>
      %rev3A_511 = arith.constant 15 : i32
      %rev3A_512 = vector.broadcast %rev3A_511 : i32 to vector<16xi32>
      %rev3A_513 = tpu.iota {dimensions = array<i32: 0>} : vector<16xi32>
      %rev3A_514 = arith.subi %rev3A_512, %rev3A_513 : vector<16xi32>
      %rev3A_515 = tpu.dynamic_gather %get3A_478[%rev3A_514] in [0] : vector<16xf32>, vector<16xi32> -> vector<16xf32>
      %max3A_516 = arith.maximumf %get3A_468, %rev3A_515 : vector<16xf32>
      %min3A_517 = arith.minimumf %max3A_498, %max3A_510 : vector<16xf32>
      %max3A_518 = arith.maximumf %max3A_498, %max3A_510 : vector<16xf32>
      %min3A_519 = arith.minimumf %max3A_504, %max3A_516 : vector<16xf32>
      %max3A_520 = arith.maximumf %max3A_504, %max3A_516 : vector<16xf32>
      %min3A_521 = arith.minimumf %min3A_517, %min3A_519 : vector<16xf32>
      %max3A_522 = arith.maximumf %min3A_517, %min3A_519 : vector<16xf32>
      %min3A_523 = arith.minimumf %max3A_518, %max3A_520 : vector<16xf32>
      %max3A_524 = arith.maximumf %max3A_518, %max3A_520 : vector<16xf32>
      %sort3A_525 = arith.constant dense<true> : vector<16xi1>
      %sort3A_526, %sort3A_527, %sort3A_528 = tpu.sort %min3A_521, %min3A_521 masked %sort3A_525 : (vector<16xf32>, vector<16xf32>, vector<16xi1>) -> (vector<16xi1>, vector<16xf32>, vector<16xf32>)
      %sort3A_529 = arith.constant dense<true> : vector<16xi1>
      %sort3A_530, %sort3A_531, %sort3A_532 = tpu.sort %max3A_522, %max3A_522 masked %sort3A_529 : (vector<16xf32>, vector<16xf32>, vector<16xi1>) -> (vector<16xi1>, vector<16xf32>, vector<16xf32>)
      %sort3A_533 = arith.constant dense<true> : vector<16xi1>
      %sort3A_534, %sort3A_535, %sort3A_536 = tpu.sort %min3A_523, %min3A_523 masked %sort3A_533 : (vector<16xf32>, vector<16xf32>, vector<16xi1>) -> (vector<16xi1>, vector<16xf32>, vector<16xf32>)
      %sort3A_537 = arith.constant dense<true> : vector<16xi1>
      %sort3A_538, %sort3A_539, %sort3A_540 = tpu.sort %max3A_524, %max3A_524 masked %sort3A_537 : (vector<16xf32>, vector<16xf32>, vector<16xi1>) -> (vector<16xi1>, vector<16xf32>, vector<16xf32>)
      %add3A_541 = arith.constant 0 : i32
      %add3A_542 = arith.addi %mul3A_492, %add3A_541 : i32
      %swap3A_543 = arith.index_cast %add3A_542 : i32 to index
      %swap3A_544 = tpu.vector_load %arg7[%swap3A_543] {strides = array<i32>} : memref<2048xf32, #tpu.memory_space<vmem>>, vector<16xf32>,
      tpu.vector_store %arg7[%swap3A_543], %sort3A_527 {strides = array<i32>} : memref<2048xf32, #tpu.memory_space<vmem>>, vector<16xf32>,
      %add3A_545 = arith.constant 16 : i32
      %add3A_546 = arith.addi %mul3A_492, %add3A_545 : i32
      %swap3A_547 = arith.index_cast %add3A_546 : i32 to index
      %swap3A_548 = tpu.vector_load %arg7[%swap3A_547] {strides = array<i32>} : memref<2048xf32, #tpu.memory_space<vmem>>, vector<16xf32>,
      tpu.vector_store %arg7[%swap3A_547], %sort3A_531 {strides = array<i32>} : memref<2048xf32, #tpu.memory_space<vmem>>, vector<16xf32>,
      %add3A_549 = arith.constant 32 : i32
      %add3A_550 = arith.addi %mul3A_492, %add3A_549 : i32
      %swap3A_551 = arith.index_cast %add3A_550 : i32 to index
      %swap3A_552 = tpu.vector_load %arg7[%swap3A_551] {strides = array<i32>} : memref<2048xf32, #tpu.memory_space<vmem>>, vector<16xf32>,
      tpu.vector_store %arg7[%swap3A_551], %sort3A_535 {strides = array<i32>} : memref<2048xf32, #tpu.memory_space<vmem>>, vector<16xf32>,
      %add3A_553 = arith.constant 48 : i32
      %add3A_554 = arith.addi %mul3A_492, %add3A_553 : i32
      %swap3A_555 = arith.index_cast %add3A_554 : i32 to index
      %swap3A_556 = tpu.vector_load %arg7[%swap3A_555] {strides = array<i32>} : memref<2048xf32, #tpu.memory_space<vmem>>, vector<16xf32>,
      tpu.vector_store %arg7[%swap3A_555], %sort3A_539 {strides = array<i32>} : memref<2048xf32, #tpu.memory_space<vmem>>, vector<16xf32>,
    }
    %scan3A_36 = arith.constant 8 : i32
    %scan3A_37 = arith.constant 0 : i32
    %scan3A_38 = arith.constant 0 : i32
    %scan3A_39 = arith.constant 4 : i32
    %scan3A_40 = arith.addi %scan3A_38, %scan3A_39 : i32
    %scan3A_41 = arith.constant 1 : i32
    scf.for %scan3A_448 = %scan3A_38 to %scan3A_40 step %scan3A_41  : i32 {
      %mul3A_449 = arith.constant 2 : i32
      %mul3A_450 = arith.muli %mul3A_449, %scan3A_448 : i32
      %mul3A_451 = arith.constant 64 : i32
      %mul3A_452 = arith.muli %mul3A_450, %mul3A_451 : i32
      %add3A_453 = arith.constant 0 : i32
      %add3A_454 = arith.addi %mul3A_452, %add3A_453 : i32
      %get3A_455 = arith.index_cast %add3A_454 : i32 to index
      %get3A_456 = tpu.vector_load %arg7[%get3A_455] {strides = array<i32>} : memref<2048xf32, #tpu.memory_space<vmem>>, vector<16xf32>,
      %add3A_457 = arith.constant 16 : i32
      %add3A_458 = arith.addi %mul3A_452, %add3A_457 : i32
      %get3A_459 = arith.index_cast %add3A_458 : i32 to index
      %get3A_460 = tpu.vector_load %arg7[%get3A_459] {strides = array<i32>} : memref<2048xf32, #tpu.memory_space<vmem>>, vector<16xf32>,
      %add3A_461 = arith.constant 32 : i32
      %add3A_462 = arith.addi %mul3A_452, %add3A_461 : i32
      %get3A_463 = arith.index_cast %add3A_462 : i32 to index
      %get3A_464 = tpu.vector_load %arg7[%get3A_463] {strides = array<i32>} : memref<2048xf32, #tpu.memory_space<vmem>>, vector<16xf32>,
      %add3A_465 = arith.constant 48 : i32
      %add3A_466 = arith.addi %mul3A_452, %add3A_465 : i32
      %get3A_467 = arith.index_cast %add3A_466 : i32 to index
      %get3A_468 = tpu.vector_load %arg7[%get3A_467] {strides = array<i32>} : memref<2048xf32, #tpu.memory_space<vmem>>, vector<16xf32>,
      %mul3A_469 = arith.constant 2 : i32
      %mul3A_470 = arith.muli %mul3A_469, %scan3A_448 : i32
      %add3A_471 = arith.constant 1 : i32
      %add3A_472 = arith.addi %mul3A_470, %add3A_471 : i32
      %mul3A_473 = arith.constant 64 : i32
      %mul3A_474 = arith.muli %add3A_472, %mul3A_473 : i32
      %add3A_475 = arith.constant 0 : i32
      %add3A_476 = arith.addi %mul3A_474, %add3A_475 : i32
      %get3A_477 = arith.index_cast %add3A_476 : i32 to index
      %get3A_478 = tpu.vector_load %arg7[%get3A_477] {strides = array<i32>} : memref<2048xf32, #tpu.memory_space<vmem>>, vector<16xf32>,
      %add3A_479 = arith.constant 16 : i32
      %add3A_480 = arith.addi %mul3A_474, %add3A_479 : i32
      %get3A_481 = arith.index_cast %add3A_480 : i32 to index
      %get3A_482 = tpu.vector_load %arg7[%get3A_481] {strides = array<i32>} : memref<2048xf32, #tpu.memory_space<vmem>>, vector<16xf32>,
      %add3A_483 = arith.constant 32 : i32
      %add3A_484 = arith.addi %mul3A_474, %add3A_483 : i32
      %get3A_485 = arith.index_cast %add3A_484 : i32 to index
      %get3A_486 = tpu.vector_load %arg7[%get3A_485] {strides = array<i32>} : memref<2048xf32, #tpu.memory_space<vmem>>, vector<16xf32>,
      %add3A_487 = arith.constant 48 : i32
      %add3A_488 = arith.addi %mul3A_474, %add3A_487 : i32
      %get3A_489 = arith.index_cast %add3A_488 : i32 to index
      %get3A_490 = tpu.vector_load %arg7[%get3A_489] {strides = array<i32>} : memref<2048xf32, #tpu.memory_space<vmem>>, vector<16xf32>,
      %mul3A_491 = arith.constant 64 : i32
      %mul3A_492 = arith.muli %scan3A_448, %mul3A_491 : i32
      %rev3A_493 = arith.constant 15 : i32
      %rev3A_494 = vector.broadcast %rev3A_493 : i32 to vector<16xi32>
      %rev3A_495 = tpu.iota {dimensions = array<i32: 0>} : vector<16xi32>
      %rev3A_496 = arith.subi %rev3A_494, %rev3A_495 : vector<16xi32>
      %rev3A_497 = tpu.dynamic_gather %get3A_490[%rev3A_496] in [0] : vector<16xf32>, vector<16xi32> -> vector<16xf32>
      %max3A_498 = arith.maximumf %get3A_456, %rev3A_497 : vector<16xf32>
      %rev3A_499 = arith.constant 15 : i32
      %rev3A_500 = vector.broadcast %rev3A_499 : i32 to vector<16xi32>
      %rev3A_501 = tpu.iota {dimensions = array<i32: 0>} : vector<16xi32>
      %rev3A_502 = arith.subi %rev3A_500, %rev3A_501 : vector<16xi32>
      %rev3A_503 = tpu.dynamic_gather %get3A_486[%rev3A_502] in [0] : vector<16xf32>, vector<16xi32> -> vector<16xf32>
      %max3A_504 = arith.maximumf %get3A_460, %rev3A_503 : vector<16xf32>
      %rev3A_505 = arith.constant 15 : i32
      %rev3A_506 = vector.broadcast %rev3A_505 : i32 to vector<16xi32>
      %rev3A_507 = tpu.iota {dimensions = array<i32: 0>} : vector<16xi32>
      %rev3A_508 = arith.subi %rev3A_506, %rev3A_507 : vector<16xi32>
      %rev3A_509 = tpu.dynamic_gather %get3A_482[%rev3A_508] in [0] : vector<16xf32>, vector<16xi32> -> vector<16xf32>
      %max3A_510 = arith.maximumf %get3A_464, %rev3A_509 : vector<16xf32>
      %rev3A_511 = arith.constant 15 : i32
      %rev3A_512 = vector.broadcast %rev3A_511 : i32 to vector<16xi32>
      %rev3A_513 = tpu.iota {dimensions = array<i32: 0>} : vector<16xi32>
      %rev3A_514 = arith.subi %rev3A_512, %rev3A_513 : vector<16xi32>
      %rev3A_515 = tpu.dynamic_gather %get3A_478[%rev3A_514] in [0] : vector<16xf32>, vector<16xi32> -> vector<16xf32>
      %max3A_516 = arith.maximumf %get3A_468, %rev3A_515 : vector<16xf32>
      %min3A_517 = arith.minimumf %max3A_498, %max3A_510 : vector<16xf32>
      %max3A_518 = arith.maximumf %max3A_498, %max3A_510 : vector<16xf32>
      %min3A_519 = arith.minimumf %max3A_504, %max3A_516 : vector<16xf32>
      %max3A_520 = arith.maximumf %max3A_504, %max3A_516 : vector<16xf32>
      %min3A_521 = arith.minimumf %min3A_517, %min3A_519 : vector<16xf32>
      %max3A_522 = arith.maximumf %min3A_517, %min3A_519 : vector<16xf32>
      %min3A_523 = arith.minimumf %max3A_518, %max3A_520 : vector<16xf32>
      %max3A_524 = arith.maximumf %max3A_518, %max3A_520 : vector<16xf32>
      %sort3A_525 = arith.constant dense<true> : vector<16xi1>
      %sort3A_526, %sort3A_527, %sort3A_528 = tpu.sort %min3A_521, %min3A_521 masked %sort3A_525 : (vector<16xf32>, vector<16xf32>, vector<16xi1>) -> (vector<16xi1>, vector<16xf32>, vector<16xf32>)
      %sort3A_529 = arith.constant dense<true> : vector<16xi1>
      %sort3A_530, %sort3A_531, %sort3A_532 = tpu.sort %max3A_522, %max3A_522 masked %sort3A_529 : (vector<16xf32>, vector<16xf32>, vector<16xi1>) -> (vector<16xi1>, vector<16xf32>, vector<16xf32>)
      %sort3A_533 = arith.constant dense<true> : vector<16xi1>
      %sort3A_534, %sort3A_535, %sort3A_536 = tpu.sort %min3A_523, %min3A_523 masked %sort3A_533 : (vector<16xf32>, vector<16xf32>, vector<16xi1>) -> (vector<16xi1>, vector<16xf32>, vector<16xf32>)
      %sort3A_537 = arith.constant dense<true> : vector<16xi1>
      %sort3A_538, %sort3A_539, %sort3A_540 = tpu.sort %max3A_524, %max3A_524 masked %sort3A_537 : (vector<16xf32>, vector<16xf32>, vector<16xi1>) -> (vector<16xi1>, vector<16xf32>, vector<16xf32>)
      %add3A_541 = arith.constant 0 : i32
      %add3A_542 = arith.addi %mul3A_492, %add3A_541 : i32
      %swap3A_543 = arith.index_cast %add3A_542 : i32 to index
      %swap3A_544 = tpu.vector_load %arg8[%swap3A_543] {strides = array<i32>} : memref<1024xf32, #tpu.memory_space<vmem>>, vector<16xf32>,
      tpu.vector_store %arg8[%swap3A_543], %sort3A_527 {strides = array<i32>} : memref<1024xf32, #tpu.memory_space<vmem>>, vector<16xf32>,
      %add3A_545 = arith.constant 16 : i32
      %add3A_546 = arith.addi %mul3A_492, %add3A_545 : i32
      %swap3A_547 = arith.index_cast %add3A_546 : i32 to index
      %swap3A_548 = tpu.vector_load %arg8[%swap3A_547] {strides = array<i32>} : memref<1024xf32, #tpu.memory_space<vmem>>, vector<16xf32>,
      tpu.vector_store %arg8[%swap3A_547], %sort3A_531 {strides = array<i32>} : memref<1024xf32, #tpu.memory_space<vmem>>, vector<16xf32>,
      %add3A_549 = arith.constant 32 : i32
      %add3A_550 = arith.addi %mul3A_492, %add3A_549 : i32
      %swap3A_551 = arith.index_cast %add3A_550 : i32 to index
      %swap3A_552 = tpu.vector_load %arg8[%swap3A_551] {strides = array<i32>} : memref<1024xf32, #tpu.memory_space<vmem>>, vector<16xf32>,
      tpu.vector_store %arg8[%swap3A_551], %sort3A_535 {strides = array<i32>} : memref<1024xf32, #tpu.memory_space<vmem>>, vector<16xf32>,
      %add3A_553 = arith.constant 48 : i32
      %add3A_554 = arith.addi %mul3A_492, %add3A_553 : i32
      %swap3A_555 = arith.index_cast %add3A_554 : i32 to index
      %swap3A_556 = tpu.vector_load %arg8[%swap3A_555] {strides = array<i32>} : memref<1024xf32, #tpu.memory_space<vmem>>, vector<16xf32>,
      tpu.vector_store %arg8[%swap3A_555], %sort3A_539 {strides = array<i32>} : memref<1024xf32, #tpu.memory_space<vmem>>, vector<16xf32>,
    }
    %scan3A_42 = arith.constant 4 : i32
    %scan3A_43 = arith.constant 0 : i32
    %scan3A_44 = arith.constant 0 : i32
    %scan3A_45 = arith.constant 2 : i32
    %scan3A_46 = arith.addi %scan3A_44, %scan3A_45 : i32
    %scan3A_47 = arith.constant 1 : i32
    scf.for %scan3A_448 = %scan3A_44 to %scan3A_46 step %scan3A_47  : i32 {
      %mul3A_449 = arith.constant 2 : i32
      %mul3A_450 = arith.muli %mul3A_449, %scan3A_448 : i32
      %mul3A_451 = arith.constant 64 : i32
      %mul3A_452 = arith.muli %mul3A_450, %mul3A_451 : i32
      %add3A_453 = arith.constant 0 : i32
      %add3A_454 = arith.addi %mul3A_452, %add3A_453 : i32
      %get3A_455 = arith.index_cast %add3A_454 : i32 to index
      %get3A_456 = tpu.vector_load %arg8[%get3A_455] {strides = array<i32>} : memref<1024xf32, #tpu.memory_space<vmem>>, vector<16xf32>,
      %add3A_457 = arith.constant 16 : i32
      %add3A_458 = arith.addi %mul3A_452, %add3A_457 : i32
      %get3A_459 = arith.index_cast %add3A_458 : i32 to index
      %get3A_460 = tpu.vector_load %arg8[%get3A_459] {strides = array<i32>} : memref<1024xf32, #tpu.memory_space<vmem>>, vector<16xf32>,
      %add3A_461 = arith.constant 32 : i32
      %add3A_462 = arith.addi %mul3A_452, %add3A_461 : i32
      %get3A_463 = arith.index_cast %add3A_462 : i32 to index
      %get3A_464 = tpu.vector_load %arg8[%get3A_463] {strides = array<i32>} : memref<1024xf32, #tpu.memory_space<vmem>>, vector<16xf32>,
      %add3A_465 = arith.constant 48 : i32
      %add3A_466 = arith.addi %mul3A_452, %add3A_465 : i32
      %get3A_467 = arith.index_cast %add3A_466 : i32 to index
      %get3A_468 = tpu.vector_load %arg8[%get3A_467] {strides = array<i32>} : memref<1024xf32, #tpu.memory_space<vmem>>, vector<16xf32>,
      %mul3A_469 = arith.constant 2 : i32
      %mul3A_470 = arith.muli %mul3A_469, %scan3A_448 : i32
      %add3A_471 = arith.constant 1 : i32
      %add3A_472 = arith.addi %mul3A_470, %add3A_471 : i32
      %mul3A_473 = arith.constant 64 : i32
      %mul3A_474 = arith.muli %add3A_472, %mul3A_473 : i32
      %add3A_475 = arith.constant 0 : i32
      %add3A_476 = arith.addi %mul3A_474, %add3A_475 : i32
      %get3A_477 = arith.index_cast %add3A_476 : i32 to index
      %get3A_478 = tpu.vector_load %arg8[%get3A_477] {strides = array<i32>} : memref<1024xf32, #tpu.memory_space<vmem>>, vector<16xf32>,
      %add3A_479 = arith.constant 16 : i32
      %add3A_480 = arith.addi %mul3A_474, %add3A_479 : i32
      %get3A_481 = arith.index_cast %add3A_480 : i32 to index
      %get3A_482 = tpu.vector_load %arg8[%get3A_481] {strides = array<i32>} : memref<1024xf32, #tpu.memory_space<vmem>>, vector<16xf32>,
      %add3A_483 = arith.constant 32 : i32
      %add3A_484 = arith.addi %mul3A_474, %add3A_483 : i32
      %get3A_485 = arith.index_cast %add3A_484 : i32 to index
      %get3A_486 = tpu.vector_load %arg8[%get3A_485] {strides = array<i32>} : memref<1024xf32, #tpu.memory_space<vmem>>, vector<16xf32>,
      %add3A_487 = arith.constant 48 : i32
      %add3A_488 = arith.addi %mul3A_474, %add3A_487 : i32
      %get3A_489 = arith.index_cast %add3A_488 : i32 to index
      %get3A_490 = tpu.vector_load %arg8[%get3A_489] {strides = array<i32>} : memref<1024xf32, #tpu.memory_space<vmem>>, vector<16xf32>,
      %mul3A_491 = arith.constant 64 : i32
      %mul3A_492 = arith.muli %scan3A_448, %mul3A_491 : i32
      %rev3A_493 = arith.constant 15 : i32
      %rev3A_494 = vector.broadcast %rev3A_493 : i32 to vector<16xi32>
      %rev3A_495 = tpu.iota {dimensions = array<i32: 0>} : vector<16xi32>
      %rev3A_496 = arith.subi %rev3A_494, %rev3A_495 : vector<16xi32>
      %rev3A_497 = tpu.dynamic_gather %get3A_490[%rev3A_496] in [0] : vector<16xf32>, vector<16xi32> -> vector<16xf32>
      %max3A_498 = arith.maximumf %get3A_456, %rev3A_497 : vector<16xf32>
      %rev3A_499 = arith.constant 15 : i32
      %rev3A_500 = vector.broadcast %rev3A_499 : i32 to vector<16xi32>
      %rev3A_501 = tpu.iota {dimensions = array<i32: 0>} : vector<16xi32>
      %rev3A_502 = arith.subi %rev3A_500, %rev3A_501 : vector<16xi32>
      %rev3A_503 = tpu.dynamic_gather %get3A_486[%rev3A_502] in [0] : vector<16xf32>, vector<16xi32> -> vector<16xf32>
      %max3A_504 = arith.maximumf %get3A_460, %rev3A_503 : vector<16xf32>
      %rev3A_505 = arith.constant 15 : i32
      %rev3A_506 = vector.broadcast %rev3A_505 : i32 to vector<16xi32>
      %rev3A_507 = tpu.iota {dimensions = array<i32: 0>} : vector<16xi32>
      %rev3A_508 = arith.subi %rev3A_506, %rev3A_507 : vector<16xi32>
      %rev3A_509 = tpu.dynamic_gather %get3A_482[%rev3A_508] in [0] : vector<16xf32>, vector<16xi32> -> vector<16xf32>
      %max3A_510 = arith.maximumf %get3A_464, %rev3A_509 : vector<16xf32>
      %rev3A_511 = arith.constant 15 : i32
      %rev3A_512 = vector.broadcast %rev3A_511 : i32 to vector<16xi32>
      %rev3A_513 = tpu.iota {dimensions = array<i32: 0>} : vector<16xi32>
      %rev3A_514 = arith.subi %rev3A_512, %rev3A_513 : vector<16xi32>
      %rev3A_515 = tpu.dynamic_gather %get3A_478[%rev3A_514] in [0] : vector<16xf32>, vector<16xi32> -> vector<16xf32>
      %max3A_516 = arith.maximumf %get3A_468, %rev3A_515 : vector<16xf32>
      %min3A_517 = arith.minimumf %max3A_498, %max3A_510 : vector<16xf32>
      %max3A_518 = arith.maximumf %max3A_498, %max3A_510 : vector<16xf32>
      %min3A_519 = arith.minimumf %max3A_504, %max3A_516 : vector<16xf32>
      %max3A_520 = arith.maximumf %max3A_504, %max3A_516 : vector<16xf32>
      %min3A_521 = arith.minimumf %min3A_517, %min3A_519 : vector<16xf32>
      %max3A_522 = arith.maximumf %min3A_517, %min3A_519 : vector<16xf32>
      %min3A_523 = arith.minimumf %max3A_518, %max3A_520 : vector<16xf32>
      %max3A_524 = arith.maximumf %max3A_518, %max3A_520 : vector<16xf32>
      %sort3A_525 = arith.constant dense<true> : vector<16xi1>
      %sort3A_526, %sort3A_527, %sort3A_528 = tpu.sort %min3A_521, %min3A_521 masked %sort3A_525 : (vector<16xf32>, vector<16xf32>, vector<16xi1>) -> (vector<16xi1>, vector<16xf32>, vector<16xf32>)
      %sort3A_529 = arith.constant dense<true> : vector<16xi1>
      %sort3A_530, %sort3A_531, %sort3A_532 = tpu.sort %max3A_522, %max3A_522 masked %sort3A_529 : (vector<16xf32>, vector<16xf32>, vector<16xi1>) -> (vector<16xi1>, vector<16xf32>, vector<16xf32>)
      %sort3A_533 = arith.constant dense<true> : vector<16xi1>
      %sort3A_534, %sort3A_535, %sort3A_536 = tpu.sort %min3A_523, %min3A_523 masked %sort3A_533 : (vector<16xf32>, vector<16xf32>, vector<16xi1>) -> (vector<16xi1>, vector<16xf32>, vector<16xf32>)
      %sort3A_537 = arith.constant dense<true> : vector<16xi1>
      %sort3A_538, %sort3A_539, %sort3A_540 = tpu.sort %max3A_524, %max3A_524 masked %sort3A_537 : (vector<16xf32>, vector<16xf32>, vector<16xi1>) -> (vector<16xi1>, vector<16xf32>, vector<16xf32>)
      %add3A_541 = arith.constant 0 : i32
      %add3A_542 = arith.addi %mul3A_492, %add3A_541 : i32
      %swap3A_543 = arith.index_cast %add3A_542 : i32 to index
      %swap3A_544 = tpu.vector_load %arg7[%swap3A_543] {strides = array<i32>} : memref<2048xf32, #tpu.memory_space<vmem>>, vector<16xf32>,
      tpu.vector_store %arg7[%swap3A_543], %sort3A_527 {strides = array<i32>} : memref<2048xf32, #tpu.memory_space<vmem>>, vector<16xf32>,
      %add3A_545 = arith.constant 16 : i32
      %add3A_546 = arith.addi %mul3A_492, %add3A_545 : i32
      %swap3A_547 = arith.index_cast %add3A_546 : i32 to index
      %swap3A_548 = tpu.vector_load %arg7[%swap3A_547] {strides = array<i32>} : memref<2048xf32, #tpu.memory_space<vmem>>, vector<16xf32>,
      tpu.vector_store %arg7[%swap3A_547], %sort3A_531 {strides = array<i32>} : memref<2048xf32, #tpu.memory_space<vmem>>, vector<16xf32>,
      %add3A_549 = arith.constant 32 : i32
      %add3A_550 = arith.addi %mul3A_492, %add3A_549 : i32
      %swap3A_551 = arith.index_cast %add3A_550 : i32 to index
      %swap3A_552 = tpu.vector_load %arg7[%swap3A_551] {strides = array<i32>} : memref<2048xf32, #tpu.memory_space<vmem>>, vector<16xf32>,
      tpu.vector_store %arg7[%swap3A_551], %sort3A_535 {strides = array<i32>} : memref<2048xf32, #tpu.memory_space<vmem>>, vector<16xf32>,
      %add3A_553 = arith.constant 48 : i32
      %add3A_554 = arith.addi %mul3A_492, %add3A_553 : i32
      %swap3A_555 = arith.index_cast %add3A_554 : i32 to index
      %swap3A_556 = tpu.vector_load %arg7[%swap3A_555] {strides = array<i32>} : memref<2048xf32, #tpu.memory_space<vmem>>, vector<16xf32>,
      tpu.vector_store %arg7[%swap3A_555], %sort3A_539 {strides = array<i32>} : memref<2048xf32, #tpu.memory_space<vmem>>, vector<16xf32>,
    }
    %scan3A_48 = arith.constant 2 : i32
    %scan3A_49 = arith.constant 0 : i32
    %scan3A_50 = arith.constant 0 : i32
    %mul3A_51 = arith.constant 2 : i32
    %mul3A_52 = arith.muli %mul3A_51, %scan3A_50 : i32
    %mul3A_53 = arith.constant 64 : i32
    %mul3A_54 = arith.muli %mul3A_52, %mul3A_53 : i32
    %add3A_55 = arith.constant 0 : i32
    %add3A_56 = arith.addi %mul3A_54, %add3A_55 : i32
    %get3A = arith.index_cast %add3A_56 : i32 to index
    %get3A_57 = tpu.vector_load %arg7[%get3A] {strides = array<i32>} : memref<2048xf32, #tpu.memory_space<vmem>>, vector<16xf32>,
    %add3A_58 = arith.constant 16 : i32
    %add3A_59 = arith.addi %mul3A_54, %add3A_58 : i32
    %get3A_60 = arith.index_cast %add3A_59 : i32 to index
    %get3A_61 = tpu.vector_load %arg7[%get3A_60] {strides = array<i32>} : memref<2048xf32, #tpu.memory_space<vmem>>, vector<16xf32>,
    %add3A_62 = arith.constant 32 : i32
    %add3A_63 = arith.addi %mul3A_54, %add3A_62 : i32
    %get3A_64 = arith.index_cast %add3A_63 : i32 to index
    %get3A_65 = tpu.vector_load %arg7[%get3A_64] {strides = array<i32>} : memref<2048xf32, #tpu.memory_space<vmem>>, vector<16xf32>,
    %add3A_66 = arith.constant 48 : i32
    %add3A_67 = arith.addi %mul3A_54, %add3A_66 : i32
    %get3A_68 = arith.index_cast %add3A_67 : i32 to index
    %get3A_69 = tpu.vector_load %arg7[%get3A_68] {strides = array<i32>} : memref<2048xf32, #tpu.memory_space<vmem>>, vector<16xf32>,
    %mul3A_70 = arith.constant 2 : i32
    %mul3A_71 = arith.muli %mul3A_70, %scan3A_50 : i32
    %add3A_72 = arith.constant 1 : i32
    %add3A_73 = arith.addi %mul3A_71, %add3A_72 : i32
    %mul3A_74 = arith.constant 64 : i32
    %mul3A_75 = arith.muli %add3A_73, %mul3A_74 : i32
    %add3A_76 = arith.constant 0 : i32
    %add3A_77 = arith.addi %mul3A_75, %add3A_76 : i32
    %get3A_78 = arith.index_cast %add3A_77 : i32 to index
    %get3A_79 = tpu.vector_load %arg7[%get3A_78] {strides = array<i32>} : memref<2048xf32, #tpu.memory_space<vmem>>, vector<16xf32>,
    %add3A_80 = arith.constant 16 : i32
    %add3A_81 = arith.addi %mul3A_75, %add3A_80 : i32
    %get3A_82 = arith.index_cast %add3A_81 : i32 to index
    %get3A_83 = tpu.vector_load %arg7[%get3A_82] {strides = array<i32>} : memref<2048xf32, #tpu.memory_space<vmem>>, vector<16xf32>,
    %add3A_84 = arith.constant 32 : i32
    %add3A_85 = arith.addi %mul3A_75, %add3A_84 : i32
    %get3A_86 = arith.index_cast %add3A_85 : i32 to index
    %get3A_87 = tpu.vector_load %arg7[%get3A_86] {strides = array<i32>} : memref<2048xf32, #tpu.memory_space<vmem>>, vector<16xf32>,
    %add3A_88 = arith.constant 48 : i32
    %add3A_89 = arith.addi %mul3A_75, %add3A_88 : i32
    %get3A_90 = arith.index_cast %add3A_89 : i32 to index
    %get3A_91 = tpu.vector_load %arg7[%get3A_90] {strides = array<i32>} : memref<2048xf32, #tpu.memory_space<vmem>>, vector<16xf32>,
    %mul3A_92 = arith.constant 64 : i32
    %mul3A_93 = arith.muli %scan3A_50, %mul3A_92 : i32
    %rev3A = arith.constant 15 : i32
    %rev3A_94 = vector.broadcast %rev3A : i32 to vector<16xi32>
    %rev3A_95 = tpu.iota {dimensions = array<i32: 0>} : vector<16xi32>
    %rev3A_96 = arith.subi %rev3A_94, %rev3A_95 : vector<16xi32>
    %rev3A_97 = tpu.dynamic_gather %get3A_91[%rev3A_96] in [0] : vector<16xf32>, vector<16xi32> -> vector<16xf32>
    %max3A = arith.maximumf %get3A_57, %rev3A_97 : vector<16xf32>
    %rev3A_98 = arith.constant 15 : i32
    %rev3A_99 = vector.broadcast %rev3A_98 : i32 to vector<16xi32>
    %rev3A_100 = tpu.iota {dimensions = array<i32: 0>} : vector<16xi32>
    %rev3A_101 = arith.subi %rev3A_99, %rev3A_100 : vector<16xi32>
    %rev3A_102 = tpu.dynamic_gather %get3A_87[%rev3A_101] in [0] : vector<16xf32>, vector<16xi32> -> vector<16xf32>
    %max3A_103 = arith.maximumf %get3A_61, %rev3A_102 : vector<16xf32>
    %rev3A_104 = arith.constant 15 : i32
    %rev3A_105 = vector.broadcast %rev3A_104 : i32 to vector<16xi32>
    %rev3A_106 = tpu.iota {dimensions = array<i32: 0>} : vector<16xi32>
    %rev3A_107 = arith.subi %rev3A_105, %rev3A_106 : vector<16xi32>
    %rev3A_108 = tpu.dynamic_gather %get3A_83[%rev3A_107] in [0] : vector<16xf32>, vector<16xi32> -> vector<16xf32>
    %max3A_109 = arith.maximumf %get3A_65, %rev3A_108 : vector<16xf32>
    %rev3A_110 = arith.constant 15 : i32
    %rev3A_111 = vector.broadcast %rev3A_110 : i32 to vector<16xi32>
    %rev3A_112 = tpu.iota {dimensions = array<i32: 0>} : vector<16xi32>
    %rev3A_113 = arith.subi %rev3A_111, %rev3A_112 : vector<16xi32>
    %rev3A_114 = tpu.dynamic_gather %get3A_79[%rev3A_113] in [0] : vector<16xf32>, vector<16xi32> -> vector<16xf32>
    %max3A_115 = arith.maximumf %get3A_69, %rev3A_114 : vector<16xf32>
    %min3A = arith.minimumf %max3A, %max3A_109 : vector<16xf32>
    %max3A_116 = arith.maximumf %max3A, %max3A_109 : vector<16xf32>
    %min3A_117 = arith.minimumf %max3A_103, %max3A_115 : vector<16xf32>
    %max3A_118 = arith.maximumf %max3A_103, %max3A_115 : vector<16xf32>
    %min3A_119 = arith.minimumf %min3A, %min3A_117 : vector<16xf32>
    %max3A_120 = arith.maximumf %min3A, %min3A_117 : vector<16xf32>
    %min3A_121 = arith.minimumf %max3A_116, %max3A_118 : vector<16xf32>
    %max3A_122 = arith.maximumf %max3A_116, %max3A_118 : vector<16xf32>
    %sort3A = arith.constant dense<true> : vector<16xi1>
    %sort3A_123, %sort3A_124, %sort3A_125 = tpu.sort %min3A_119, %min3A_119 masked %sort3A : (vector<16xf32>, vector<16xf32>, vector<16xi1>) -> (vector<16xi1>, vector<16xf32>, vector<16xf32>)
    %sort3A_126 = arith.constant dense<true> : vector<16xi1>
    %sort3A_127, %sort3A_128, %sort3A_129 = tpu.sort %max3A_120, %max3A_120 masked %sort3A_126 : (vector<16xf32>, vector<16xf32>, vector<16xi1>) -> (vector<16xi1>, vector<16xf32>, vector<16xf32>)
    %sort3A_130 = arith.constant dense<true> : vector<16xi1>
    %sort3A_131, %sort3A_132, %sort3A_133 = tpu.sort %min3A_121, %min3A_121 masked %sort3A_130 : (vector<16xf32>, vector<16xf32>, vector<16xi1>) -> (vector<16xi1>, vector<16xf32>, vector<16xf32>)
    %sort3A_134 = arith.constant dense<true> : vector<16xi1>
    %sort3A_135, %sort3A_136, %sort3A_137 = tpu.sort %max3A_122, %max3A_122 masked %sort3A_134 : (vector<16xf32>, vector<16xf32>, vector<16xi1>) -> (vector<16xi1>, vector<16xf32>, vector<16xf32>)
    %add3A_138 = arith.constant 0 : i32
    %add3A_139 = arith.addi %mul3A_93, %add3A_138 : i32
    %swap3A = arith.index_cast %add3A_139 : i32 to index
    %swap3A_140 = tpu.vector_load %arg8[%swap3A] {strides = array<i32>} : memref<1024xf32, #tpu.memory_space<vmem>>, vector<16xf32>,
    tpu.vector_store %arg8[%swap3A], %sort3A_124 {strides = array<i32>} : memref<1024xf32, #tpu.memory_space<vmem>>, vector<16xf32>,
    %add3A_141 = arith.constant 16 : i32
    %add3A_142 = arith.addi %mul3A_93, %add3A_141 : i32
    %swap3A_143 = arith.index_cast %add3A_142 : i32 to index
    %swap3A_144 = tpu.vector_load %arg8[%swap3A_143] {strides = array<i32>} : memref<1024xf32, #tpu.memory_space<vmem>>, vector<16xf32>,
    tpu.vector_store %arg8[%swap3A_143], %sort3A_128 {strides = array<i32>} : memref<1024xf32, #tpu.memory_space<vmem>>, vector<16xf32>,
    %add3A_145 = arith.constant 32 : i32
    %add3A_146 = arith.addi %mul3A_93, %add3A_145 : i32
    %swap3A_147 = arith.index_cast %add3A_146 : i32 to index
    %swap3A_148 = tpu.vector_load %arg8[%swap3A_147] {strides = array<i32>} : memref<1024xf32, #tpu.memory_space<vmem>>, vector<16xf32>,
    tpu.vector_store %arg8[%swap3A_147], %sort3A_132 {strides = array<i32>} : memref<1024xf32, #tpu.memory_space<vmem>>, vector<16xf32>,
    %add3A_149 = arith.constant 48 : i32
    %add3A_150 = arith.addi %mul3A_93, %add3A_149 : i32
    %swap3A_151 = arith.index_cast %add3A_150 : i32 to index
    %swap3A_152 = tpu.vector_load %arg8[%swap3A_151] {strides = array<i32>} : memref<1024xf32, #tpu.memory_space<vmem>>, vector<16xf32>,
    tpu.vector_store %arg8[%swap3A_151], %sort3A_136 {strides = array<i32>} : memref<1024xf32, #tpu.memory_space<vmem>>, vector<16xf32>,
    %scan3A_153 = arith.constant 1 : i32
    %get3A_154 = arith.constant 0 : index
    %get3A_155 = tpu.vector_load %arg8[%get3A_154] {strides = array<i32>} : memref<1024xf32, #tpu.memory_space<vmem>>, vector<16xf32>,
    %eq3A = arith.constant 0xFF800000 : f32
    %eq3A_156 = vector.broadcast %eq3A : f32 to vector<16xf32>
    %eq3A_157 = arith.cmpf oeq, %get3A_155, %eq3A_156 : vector<16xf32>
    %add3A_158 = arith.constant 5.000000e-01 : f32
    %add3A_159 = vector.broadcast %add3A_158 : f32 to vector<16xf32>
    %add3A_160 = arith.addf %get3A_155, %add3A_159 : vector<16xf32>
    %mul3A_161 = arith.constant 8.656170e+00 : f32
    %mul3A_162 = vector.broadcast %mul3A_161 : f32 to vector<16xf32>
    %mul3A_163 = arith.mulf %mul3A_162, %add3A_160 : vector<16xf32>
    %jit3A_164 = arith.constant 0x7FC00000 : f32
    %broadcast_in_dim3A_165 = vector.broadcast %jit3A_164 : f32 to vector<16xf32>
    %select_n3A_166 = arith.select %eq3A_157, %broadcast_in_dim3A_165, %mul3A_163 : vector<16xi1>, vector<16xf32>
    %swap3A_167 = arith.constant 0 : index
    %swap3A_168 = tpu.vector_load %arg9[%swap3A_167] {strides = array<i32>} : memref<64xf32, #tpu.memory_space<vmem>>, vector<16xf32>,
    tpu.vector_store %arg9[%swap3A_167], %select_n3A_166 {strides = array<i32>} : memref<64xf32, #tpu.memory_space<vmem>>, vector<16xf32>,
    %get3A_169 = arith.constant 16 : index
    %get3A_170 = tpu.vector_load %arg8[%get3A_169] {strides = array<i32>} : memref<1024xf32, #tpu.memory_space<vmem>>, vector<16xf32>,
    %eq3A_171 = arith.constant 0xFF800000 : f32
    %eq3A_172 = vector.broadcast %eq3A_171 : f32 to vector<16xf32>
    %eq3A_173 = arith.cmpf oeq, %get3A_170, %eq3A_172 : vector<16xf32>
    %add3A_174 = arith.constant 5.000000e-01 : f32
    %add3A_175 = vector.broadcast %add3A_174 : f32 to vector<16xf32>
    %add3A_176 = arith.addf %get3A_170, %add3A_175 : vector<16xf32>
    %mul3A_177 = arith.constant 8.656170e+00 : f32
    %mul3A_178 = vector.broadcast %mul3A_177 : f32 to vector<16xf32>
    %mul3A_179 = arith.mulf %mul3A_178, %add3A_176 : vector<16xf32>
    %jit3A_180 = arith.constant 0x7FC00000 : f32
    %broadcast_in_dim3A_181 = vector.broadcast %jit3A_180 : f32 to vector<16xf32>
    %select_n3A_182 = arith.select %eq3A_173, %broadcast_in_dim3A_181, %mul3A_179 : vector<16xi1>, vector<16xf32>
    %swap3A_183 = arith.constant 16 : index
    %swap3A_184 = tpu.vector_load %arg9[%swap3A_183] {strides = array<i32>} : memref<64xf32, #tpu.memory_space<vmem>>, vector<16xf32>,
    tpu.vector_store %arg9[%swap3A_183], %select_n3A_182 {strides = array<i32>} : memref<64xf32, #tpu.memory_space<vmem>>, vector<16xf32>,
    %get3A_185 = arith.constant 32 : index
    %get3A_186 = tpu.vector_load %arg8[%get3A_185] {strides = array<i32>} : memref<1024xf32, #tpu.memory_space<vmem>>, vector<16xf32>,
    %eq3A_187 = arith.constant 0xFF800000 : f32
    %eq3A_188 = vector.broadcast %eq3A_187 : f32 to vector<16xf32>
    %eq3A_189 = arith.cmpf oeq, %get3A_186, %eq3A_188 : vector<16xf32>
    %add3A_190 = arith.constant 5.000000e-01 : f32
    %add3A_191 = vector.broadcast %add3A_190 : f32 to vector<16xf32>
    %add3A_192 = arith.addf %get3A_186, %add3A_191 : vector<16xf32>
    %mul3A_193 = arith.constant 8.656170e+00 : f32
    %mul3A_194 = vector.broadcast %mul3A_193 : f32 to vector<16xf32>
    %mul3A_195 = arith.mulf %mul3A_194, %add3A_192 : vector<16xf32>
    %jit3A_196 = arith.constant 0x7FC00000 : f32
    %broadcast_in_dim3A_197 = vector.broadcast %jit3A_196 : f32 to vector<16xf32>
    %select_n3A_198 = arith.select %eq3A_189, %broadcast_in_dim3A_197, %mul3A_195 : vector<16xi1>, vector<16xf32>
    %swap3A_199 = arith.constant 32 : index
    %swap3A_200 = tpu.vector_load %arg9[%swap3A_199] {strides = array<i32>} : memref<64xf32, #tpu.memory_space<vmem>>, vector<16xf32>,
    tpu.vector_store %arg9[%swap3A_199], %select_n3A_198 {strides = array<i32>} : memref<64xf32, #tpu.memory_space<vmem>>, vector<16xf32>,
    %get3A_201 = arith.constant 48 : index
    %get3A_202 = tpu.vector_load %arg8[%get3A_201] {strides = array<i32>} : memref<1024xf32, #tpu.memory_space<vmem>>, vector<16xf32>,
    %eq3A_203 = arith.constant 0xFF800000 : f32
    %eq3A_204 = vector.broadcast %eq3A_203 : f32 to vector<16xf32>
    %eq3A_205 = arith.cmpf oeq, %get3A_202, %eq3A_204 : vector<16xf32>
    %add3A_206 = arith.constant 5.000000e-01 : f32
    %add3A_207 = vector.broadcast %add3A_206 : f32 to vector<16xf32>
    %add3A_208 = arith.addf %get3A_202, %add3A_207 : vector<16xf32>
    %mul3A_209 = arith.constant 8.656170e+00 : f32
    %mul3A_210 = vector.broadcast %mul3A_209 : f32 to vector<16xf32>
    %mul3A_211 = arith.mulf %mul3A_210, %add3A_208 : vector<16xf32>
    %jit3A_212 = arith.constant 0x7FC00000 : f32
    %broadcast_in_dim3A_213 = vector.broadcast %jit3A_212 : f32 to vector<16xf32>
    %select_n3A_214 = arith.select %eq3A_205, %broadcast_in_dim3A_213, %mul3A_211 : vector<16xi1>, vector<16xf32>
    %swap3A_215 = arith.constant 48 : index
    %swap3A_216 = tpu.vector_load %arg9[%swap3A_215] {strides = array<i32>} : memref<64xf32, #tpu.memory_space<vmem>>, vector<16xf32>,
    tpu.vector_store %arg9[%swap3A_215], %select_n3A_214 {strides = array<i32>} : memref<64xf32, #tpu.memory_space<vmem>>, vector<16xf32>,
    "tpu.region"() ({
      %run_scoped3A = tpu.sem_alloc : memref<!tpu.dma_semaphore, #tpu.memory_space<semaphore_mem>>
      %dma_start3A = arith.constant 0 : i32
      %dma_start3A_448 = tpu.memref_slice %arg4[%add3A_3, %dma_start3A] : memref<64x64xf32, #tpu.memory_space<hbm>> -> memref<1x64xf32, #tpu.memory_space<hbm>>
      %dma_start3A_449 = tpu.memref_squeeze %dma_start3A_448 : memref<1x64xf32, #tpu.memory_space<hbm>> -> memref<64xf32, #tpu.memory_space<hbm>>
      %dma_start3A_450 = arith.constant 0 : i32
      %dma_start3A_451 = tpu.memref_slice %arg4[%add3A_3, %dma_start3A_450] : memref<64x64xf32, #tpu.memory_space<hbm>> -> memref<1x64xf32, #tpu.memory_space<hbm>>
      %dma_start3A_452 = tpu.memref_squeeze %dma_start3A_451 : memref<1x64xf32, #tpu.memory_space<hbm>> -> memref<64xf32, #tpu.memory_space<hbm>>
      tpu.enqueue_dma source(%arg9 : memref<64xf32, #tpu.memory_space<vmem>>) target(%dma_start3A_452 : memref<64xf32, #tpu.memory_space<hbm>>) target_semaphore(%run_scoped3A : memref<!tpu.dma_semaphore, #tpu.memory_space<semaphore_mem>>)
      %dma_wait3A = arith.constant 0 : i32
      %dma_wait3A_453 = tpu.memref_slice %arg4[%add3A_3, %dma_wait3A] : memref<64x64xf32, #tpu.memory_space<hbm>> -> memref<1x64xf32, #tpu.memory_space<hbm>>
      %dma_wait3A_454 = tpu.memref_squeeze %dma_wait3A_453 : memref<1x64xf32, #tpu.memory_space<hbm>> -> memref<64xf32, #tpu.memory_space<hbm>>
      %dma_wait3A_455 = arith.constant 0 : i32
      %dma_wait3A_456 = tpu.memref_slice %arg4[%add3A_3, %dma_wait3A_455] : memref<64x64xf32, #tpu.memory_space<hbm>> -> memref<1x64xf32, #tpu.memory_space<hbm>>
      %dma_wait3A_457 = tpu.memref_squeeze %dma_wait3A_456 : memref<1x64xf32, #tpu.memory_space<hbm>> -> memref<64xf32, #tpu.memory_space<hbm>>
      tpu.wait_dma2 semaphore(%run_scoped3A : memref<!tpu.dma_semaphore, #tpu.memory_space<semaphore_mem>>) src(%arg9 : memref<64xf32, #tpu.memory_space<vmem>>) dst(%dma_wait3A_457 : memref<64xf32, #tpu.memory_space<hbm>>)
      tpu.yield
    }) : () -> ()
    %add3A_217 = arith.constant 32 : i32
    %add3A_218 = arith.addi %add3A, %add3A_217 : i32
    %jit3A_219 = arith.constant 16 : i32
    %div3A_220 = arith.divsi %add3A_218, %jit3A_219 : i32
    %sign3A_221 = arith.constant 0 : i32
    %sign3A_222 = arith.cmpi sgt, %add3A_218, %sign3A_221 : i32
    %sign3A_223 = arith.extui %sign3A_222 : i1 to i32
    %sign3A_224 = arith.constant 0 : i32
    %sign3A_225 = arith.cmpi slt, %add3A_218, %sign3A_224 : i32
    %sign3A_226 = arith.extui %sign3A_225 : i1 to i32
    %sign3A_227 = arith.subi %sign3A_223, %sign3A_226 : i32
    %sign3A_228 = arith.constant 0 : i32
    %sign3A_229 = arith.cmpi sgt, %jit3A_219, %sign3A_228 : i32
    %sign3A_230 = arith.extui %sign3A_229 : i1 to i32
    %sign3A_231 = arith.constant 0 : i32
    %sign3A_232 = arith.cmpi slt, %jit3A_219, %sign3A_231 : i32
    %sign3A_233 = arith.extui %sign3A_232 : i1 to i32
    %sign3A_234 = arith.subi %sign3A_230, %sign3A_233 : i32
    %ne3A_235 = arith.cmpi ne, %sign3A_227, %sign3A_234 : i32
    %rem3A_236 = arith.remsi %add3A_218, %jit3A_219 : i32
    %ne3A_237 = arith.constant 0 : i32
    %ne3A_238 = arith.cmpi ne, %rem3A_236, %ne3A_237 : i32
    %and3A_239 = arith.andi %ne3A_235, %ne3A_238 : i1
    %sub3A_240 = arith.constant 1 : i32
    %sub3A_241 = arith.subi %div3A_220, %sub3A_240 : i32
    %select_n3A_242 = arith.select %and3A_239, %sub3A_241, %div3A_220 : i32
    "tpu.region"() ({
      %run_scoped3A = tpu.sem_alloc : memref<!tpu.dma_semaphore, #tpu.memory_space<semaphore_mem>>
      %dma_start3A = arith.constant 0 : i32
      %dma_start3A_448 = tpu.memref_slice %arg2[%add3A_218, %dma_start3A] : memref<64x2048xf32, #tpu.memory_space<hbm>> -> memref<1x2048xf32, #tpu.memory_space<hbm>>
      %dma_start3A_449 = tpu.memref_squeeze %dma_start3A_448 : memref<1x2048xf32, #tpu.memory_space<hbm>> -> memref<2048xf32, #tpu.memory_space<hbm>>
      %dma_start3A_450 = arith.constant 0 : i32
      %dma_start3A_451 = tpu.memref_slice %arg2[%add3A_218, %dma_start3A_450] : memref<64x2048xf32, #tpu.memory_space<hbm>> -> memref<1x2048xf32, #tpu.memory_space<hbm>>
      %dma_start3A_452 = tpu.memref_squeeze %dma_start3A_451 : memref<1x2048xf32, #tpu.memory_space<hbm>> -> memref<2048xf32, #tpu.memory_space<hbm>>
      tpu.enqueue_dma source(%dma_start3A_452 : memref<2048xf32, #tpu.memory_space<hbm>>) target(%arg5 : memref<2048xf32, #tpu.memory_space<vmem>>) target_semaphore(%run_scoped3A : memref<!tpu.dma_semaphore, #tpu.memory_space<semaphore_mem>>)
      %dma_wait3A = arith.constant 0 : i32
      %dma_wait3A_453 = tpu.memref_slice %arg2[%add3A_218, %dma_wait3A] : memref<64x2048xf32, #tpu.memory_space<hbm>> -> memref<1x2048xf32, #tpu.memory_space<hbm>>
      %dma_wait3A_454 = tpu.memref_squeeze %dma_wait3A_453 : memref<1x2048xf32, #tpu.memory_space<hbm>> -> memref<2048xf32, #tpu.memory_space<hbm>>
      %dma_wait3A_455 = arith.constant 0 : i32
      %dma_wait3A_456 = tpu.memref_slice %arg2[%add3A_218, %dma_wait3A_455] : memref<64x2048xf32, #tpu.memory_space<hbm>> -> memref<1x2048xf32, #tpu.memory_space<hbm>>
      %dma_wait3A_457 = tpu.memref_squeeze %dma_wait3A_456 : memref<1x2048xf32, #tpu.memory_space<hbm>> -> memref<2048xf32, #tpu.memory_space<hbm>>
      tpu.wait_dma2 semaphore(%run_scoped3A : memref<!tpu.dma_semaphore, #tpu.memory_space<semaphore_mem>>) src(%dma_wait3A_457 : memref<2048xf32, #tpu.memory_space<hbm>>) dst(%arg5 : memref<2048xf32, #tpu.memory_space<vmem>>)
      tpu.yield
    }) : () -> ()
    "tpu.region"() ({
      %run_scoped3A = tpu.sem_alloc : memref<!tpu.dma_semaphore, #tpu.memory_space<semaphore_mem>>
      %dma_start3A = arith.constant 0 : i32
      %dma_start3A_448 = tpu.memref_slice %arg3[%select_n3A_242, %dma_start3A] : memref<4x2048xi32, #tpu.memory_space<hbm>> -> memref<1x2048xi32, #tpu.memory_space<hbm>>
      %dma_start3A_449 = tpu.memref_squeeze %dma_start3A_448 : memref<1x2048xi32, #tpu.memory_space<hbm>> -> memref<2048xi32, #tpu.memory_space<hbm>>
      %dma_start3A_450 = arith.constant 0 : i32
      %dma_start3A_451 = tpu.memref_slice %arg3[%select_n3A_242, %dma_start3A_450] : memref<4x2048xi32, #tpu.memory_space<hbm>> -> memref<1x2048xi32, #tpu.memory_space<hbm>>
      %dma_start3A_452 = tpu.memref_squeeze %dma_start3A_451 : memref<1x2048xi32, #tpu.memory_space<hbm>> -> memref<2048xi32, #tpu.memory_space<hbm>>
      tpu.enqueue_dma source(%dma_start3A_452 : memref<2048xi32, #tpu.memory_space<hbm>>) target(%arg6 : memref<2048xi32, #tpu.memory_space<vmem>>) target_semaphore(%run_scoped3A : memref<!tpu.dma_semaphore, #tpu.memory_space<semaphore_mem>>)
      %dma_wait3A = arith.constant 0 : i32
      %dma_wait3A_453 = tpu.memref_slice %arg3[%select_n3A_242, %dma_wait3A] : memref<4x2048xi32, #tpu.memory_space<hbm>> -> memref<1x2048xi32, #tpu.memory_space<hbm>>
      %dma_wait3A_454 = tpu.memref_squeeze %dma_wait3A_453 : memref<1x2048xi32, #tpu.memory_space<hbm>> -> memref<2048xi32, #tpu.memory_space<hbm>>
      %dma_wait3A_455 = arith.constant 0 : i32
      %dma_wait3A_456 = tpu.memref_slice %arg3[%select_n3A_242, %dma_wait3A_455] : memref<4x2048xi32, #tpu.memory_space<hbm>> -> memref<1x2048xi32, #tpu.memory_space<hbm>>
      %dma_wait3A_457 = tpu.memref_squeeze %dma_wait3A_456 : memref<1x2048xi32, #tpu.memory_space<hbm>> -> memref<2048xi32, #tpu.memory_space<hbm>>
      tpu.wait_dma2 semaphore(%run_scoped3A : memref<!tpu.dma_semaphore, #tpu.memory_space<semaphore_mem>>) src(%dma_wait3A_457 : memref<2048xi32, #tpu.memory_space<hbm>>) dst(%arg6 : memref<2048xi32, #tpu.memory_space<vmem>>)
      tpu.yield
    }) : () -> ()
    %scan3A_243 = arith.constant 0 : i32
    %scan3A_244 = arith.constant 0 : i32
    %scan3A_245 = arith.constant 32 : i32
    %scan3A_246 = arith.addi %scan3A_244, %scan3A_245 : i32
    %scan3A_247 = arith.constant 1 : i32
    scf.for %scan3A_448 = %scan3A_244 to %scan3A_246 step %scan3A_247  : i32 {
      %mul3A_449 = arith.constant 64 : i32
      %mul3A_450 = arith.muli %scan3A_448, %mul3A_449 : i32
      %add3A_451 = arith.constant 0 : i32
      %add3A_452 = arith.addi %mul3A_450, %add3A_451 : i32
      %get3A_453 = arith.index_cast %add3A_452 : i32 to index
      %get3A_454 = tpu.vector_load %arg5[%get3A_453] {strides = array<i32>} : memref<2048xf32, #tpu.memory_space<vmem>>, vector<16xf32>,
      %add3A_455 = arith.constant 0 : i32
      %add3A_456 = arith.addi %mul3A_450, %add3A_455 : i32
      %get3A_457 = arith.index_cast %add3A_456 : i32 to index
      %get3A_458 = tpu.vector_load %arg6[%get3A_457] {strides = array<i32>} : memref<2048xi32, #tpu.memory_space<vmem>>, vector<16xi32>,
      %eq3A_459 = arith.constant 16 : i32
      %eq3A_460 = vector.broadcast %eq3A_459 : i32 to vector<16xi32>
      %eq3A_461 = arith.cmpi eq, %get3A_458, %eq3A_460 : vector<16xi32>
      %select_n3A_462 = arith.select %eq3A_461, %get3A_454, %broadcast_in_dim3A_1 : vector<16xi1>, vector<16xf32>
      %add3A_463 = arith.constant 16 : i32
      %add3A_464 = arith.addi %mul3A_450, %add3A_463 : i32
      %get3A_465 = arith.index_cast %add3A_464 : i32 to index
      %get3A_466 = tpu.vector_load %arg5[%get3A_465] {strides = array<i32>} : memref<2048xf32, #tpu.memory_space<vmem>>, vector<16xf32>,
      %add3A_467 = arith.constant 16 : i32
      %add3A_468 = arith.addi %mul3A_450, %add3A_467 : i32
      %get3A_469 = arith.index_cast %add3A_468 : i32 to index
      %get3A_470 = tpu.vector_load %arg6[%get3A_469] {strides = array<i32>} : memref<2048xi32, #tpu.memory_space<vmem>>, vector<16xi32>,
      %eq3A_471 = arith.constant 16 : i32
      %eq3A_472 = vector.broadcast %eq3A_471 : i32 to vector<16xi32>
      %eq3A_473 = arith.cmpi eq, %get3A_470, %eq3A_472 : vector<16xi32>
      %select_n3A_474 = arith.select %eq3A_473, %get3A_466, %broadcast_in_dim3A_1 : vector<16xi1>, vector<16xf32>
      %add3A_475 = arith.constant 32 : i32
      %add3A_476 = arith.addi %mul3A_450, %add3A_475 : i32
      %get3A_477 = arith.index_cast %add3A_476 : i32 to index
      %get3A_478 = tpu.vector_load %arg5[%get3A_477] {strides = array<i32>} : memref<2048xf32, #tpu.memory_space<vmem>>, vector<16xf32>,
      %add3A_479 = arith.constant 32 : i32
      %add3A_480 = arith.addi %mul3A_450, %add3A_479 : i32
      %get3A_481 = arith.index_cast %add3A_480 : i32 to index
      %get3A_482 = tpu.vector_load %arg6[%get3A_481] {strides = array<i32>} : memref<2048xi32, #tpu.memory_space<vmem>>, vector<16xi32>,
      %eq3A_483 = arith.constant 16 : i32
      %eq3A_484 = vector.broadcast %eq3A_483 : i32 to vector<16xi32>
      %eq3A_485 = arith.cmpi eq, %get3A_482, %eq3A_484 : vector<16xi32>
      %select_n3A_486 = arith.select %eq3A_485, %get3A_478, %broadcast_in_dim3A_1 : vector<16xi1>, vector<16xf32>
      %add3A_487 = arith.constant 48 : i32
      %add3A_488 = arith.addi %mul3A_450, %add3A_487 : i32
      %get3A_489 = arith.index_cast %add3A_488 : i32 to index
      %get3A_490 = tpu.vector_load %arg5[%get3A_489] {strides = array<i32>} : memref<2048xf32, #tpu.memory_space<vmem>>, vector<16xf32>,
      %add3A_491 = arith.constant 48 : i32
      %add3A_492 = arith.addi %mul3A_450, %add3A_491 : i32
      %get3A_493 = arith.index_cast %add3A_492 : i32 to index
      %get3A_494 = tpu.vector_load %arg6[%get3A_493] {strides = array<i32>} : memref<2048xi32, #tpu.memory_space<vmem>>, vector<16xi32>,
      %eq3A_495 = arith.constant 16 : i32
      %eq3A_496 = vector.broadcast %eq3A_495 : i32 to vector<16xi32>
      %eq3A_497 = arith.cmpi eq, %get3A_494, %eq3A_496 : vector<16xi32>
      %select_n3A_498 = arith.select %eq3A_497, %get3A_490, %broadcast_in_dim3A_1 : vector<16xi1>, vector<16xf32>
      %sort3A_499 = arith.constant dense<true> : vector<16xi1>
      %sort3A_500, %sort3A_501, %sort3A_502 = tpu.sort %select_n3A_462, %select_n3A_462 masked %sort3A_499 : (vector<16xf32>, vector<16xf32>, vector<16xi1>) -> (vector<16xi1>, vector<16xf32>, vector<16xf32>)
      %sort3A_503 = arith.constant dense<true> : vector<16xi1>
      %sort3A_504, %sort3A_505, %sort3A_506 = tpu.sort %select_n3A_474, %select_n3A_474 masked %sort3A_503 : (vector<16xf32>, vector<16xf32>, vector<16xi1>) -> (vector<16xi1>, vector<16xf32>, vector<16xf32>)
      %rev3A_507 = arith.constant 15 : i32
      %rev3A_508 = vector.broadcast %rev3A_507 : i32 to vector<16xi32>
      %rev3A_509 = tpu.iota {dimensions = array<i32: 0>} : vector<16xi32>
      %rev3A_510 = arith.subi %rev3A_508, %rev3A_509 : vector<16xi32>
      %rev3A_511 = tpu.dynamic_gather %sort3A_505[%rev3A_510] in [0] : vector<16xf32>, vector<16xi32> -> vector<16xf32>
      %min3A_512 = arith.minimumf %sort3A_501, %rev3A_511 : vector<16xf32>
      %sort3A_513 = arith.constant dense<true> : vector<16xi1>
      %sort3A_514, %sort3A_515, %sort3A_516 = tpu.sort %min3A_512, %min3A_512 masked %sort3A_513 : (vector<16xf32>, vector<16xf32>, vector<16xi1>) -> (vector<16xi1>, vector<16xf32>, vector<16xf32>)
      %max3A_517 = arith.maximumf %sort3A_501, %rev3A_511 : vector<16xf32>
      %sort3A_518 = arith.constant dense<true> : vector<16xi1>
      %sort3A_519, %sort3A_520, %sort3A_521 = tpu.sort %max3A_517, %max3A_517 masked %sort3A_518 : (vector<16xf32>, vector<16xf32>, vector<16xi1>) -> (vector<16xi1>, vector<16xf32>, vector<16xf32>)
      %sort3A_522 = arith.constant dense<true> : vector<16xi1>
      %sort3A_523, %sort3A_524, %sort3A_525 = tpu.sort %select_n3A_486, %select_n3A_486 masked %sort3A_522 : (vector<16xf32>, vector<16xf32>, vector<16xi1>) -> (vector<16xi1>, vector<16xf32>, vector<16xf32>)
      %sort3A_526 = arith.constant dense<true> : vector<16xi1>
      %sort3A_527, %sort3A_528, %sort3A_529 = tpu.sort %select_n3A_498, %select_n3A_498 masked %sort3A_526 : (vector<16xf32>, vector<16xf32>, vector<16xi1>) -> (vector<16xi1>, vector<16xf32>, vector<16xf32>)
      %rev3A_530 = arith.constant 15 : i32
      %rev3A_531 = vector.broadcast %rev3A_530 : i32 to vector<16xi32>
      %rev3A_532 = tpu.iota {dimensions = array<i32: 0>} : vector<16xi32>
      %rev3A_533 = arith.subi %rev3A_531, %rev3A_532 : vector<16xi32>
      %rev3A_534 = tpu.dynamic_gather %sort3A_528[%rev3A_533] in [0] : vector<16xf32>, vector<16xi32> -> vector<16xf32>
      %min3A_535 = arith.minimumf %sort3A_524, %rev3A_534 : vector<16xf32>
      %sort3A_536 = arith.constant dense<true> : vector<16xi1>
      %sort3A_537, %sort3A_538, %sort3A_539 = tpu.sort %min3A_535, %min3A_535 masked %sort3A_536 : (vector<16xf32>, vector<16xf32>, vector<16xi1>) -> (vector<16xi1>, vector<16xf32>, vector<16xf32>)
      %max3A_540 = arith.maximumf %sort3A_524, %rev3A_534 : vector<16xf32>
      %sort3A_541 = arith.constant dense<true> : vector<16xi1>
      %sort3A_542, %sort3A_543, %sort3A_544 = tpu.sort %max3A_540, %max3A_540 masked %sort3A_541 : (vector<16xf32>, vector<16xf32>, vector<16xi1>) -> (vector<16xi1>, vector<16xf32>, vector<16xf32>)
      %rev3A_545 = arith.constant 15 : i32
      %rev3A_546 = vector.broadcast %rev3A_545 : i32 to vector<16xi32>
      %rev3A_547 = tpu.iota {dimensions = array<i32: 0>} : vector<16xi32>
      %rev3A_548 = arith.subi %rev3A_546, %rev3A_547 : vector<16xi32>
      %rev3A_549 = tpu.dynamic_gather %sort3A_543[%rev3A_548] in [0] : vector<16xf32>, vector<16xi32> -> vector<16xf32>
      %rev3A_550 = arith.constant 15 : i32
      %rev3A_551 = vector.broadcast %rev3A_550 : i32 to vector<16xi32>
      %rev3A_552 = tpu.iota {dimensions = array<i32: 0>} : vector<16xi32>
      %rev3A_553 = arith.subi %rev3A_551, %rev3A_552 : vector<16xi32>
      %rev3A_554 = tpu.dynamic_gather %sort3A_538[%rev3A_553] in [0] : vector<16xf32>, vector<16xi32> -> vector<16xf32>
      %min3A_555 = arith.minimumf %sort3A_515, %rev3A_549 : vector<16xf32>
      %min3A_556 = arith.minimumf %sort3A_520, %rev3A_554 : vector<16xf32>
      %max3A_557 = arith.maximumf %sort3A_515, %rev3A_549 : vector<16xf32>
      %max3A_558 = arith.maximumf %sort3A_520, %rev3A_554 : vector<16xf32>
      %min3A_559 = arith.minimumf %min3A_555, %min3A_556 : vector<16xf32>
      %sort3A_560 = arith.constant dense<true> : vector<16xi1>
      %sort3A_561, %sort3A_562, %sort3A_563 = tpu.sort %min3A_559, %min3A_559 masked %sort3A_560 : (vector<16xf32>, vector<16xf32>, vector<16xi1>) -> (vector<16xi1>, vector<16xf32>, vector<16xf32>)
      %max3A_564 = arith.maximumf %min3A_555, %min3A_556 : vector<16xf32>
      %sort3A_565 = arith.constant dense<true> : vector<16xi1>
      %sort3A_566, %sort3A_567, %sort3A_568 = tpu.sort %max3A_564, %max3A_564 masked %sort3A_565 : (vector<16xf32>, vector<16xf32>, vector<16xi1>) -> (vector<16xi1>, vector<16xf32>, vector<16xf32>)
      %min3A_569 = arith.minimumf %max3A_557, %max3A_558 : vector<16xf32>
      %sort3A_570 = arith.constant dense<true> : vector<16xi1>
      %sort3A_571, %sort3A_572, %sort3A_573 = tpu.sort %min3A_569, %min3A_569 masked %sort3A_570 : (vector<16xf32>, vector<16xf32>, vector<16xi1>) -> (vector<16xi1>, vector<16xf32>, vector<16xf32>)
      %max3A_574 = arith.maximumf %max3A_557, %max3A_558 : vector<16xf32>
      %sort3A_575 = arith.constant dense<true> : vector<16xi1>
      %sort3A_576, %sort3A_577, %sort3A_578 = tpu.sort %max3A_574, %max3A_574 masked %sort3A_575 : (vector<16xf32>, vector<16xf32>, vector<16xi1>) -> (vector<16xi1>, vector<16xf32>, vector<16xf32>)
      %add3A_579 = arith.constant 0 : i32
      %add3A_580 = arith.addi %mul3A_450, %add3A_579 : i32
      %swap3A_581 = arith.index_cast %add3A_580 : i32 to index
      %swap3A_582 = tpu.vector_load %arg7[%swap3A_581] {strides = array<i32>} : memref<2048xf32, #tpu.memory_space<vmem>>, vector<16xf32>,
      tpu.vector_store %arg7[%swap3A_581], %sort3A_562 {strides = array<i32>} : memref<2048xf32, #tpu.memory_space<vmem>>, vector<16xf32>,
      %add3A_583 = arith.constant 16 : i32
      %add3A_584 = arith.addi %mul3A_450, %add3A_583 : i32
      %swap3A_585 = arith.index_cast %add3A_584 : i32 to index
      %swap3A_586 = tpu.vector_load %arg7[%swap3A_585] {strides = array<i32>} : memref<2048xf32, #tpu.memory_space<vmem>>, vector<16xf32>,
      tpu.vector_store %arg7[%swap3A_585], %sort3A_567 {strides = array<i32>} : memref<2048xf32, #tpu.memory_space<vmem>>, vector<16xf32>,
      %add3A_587 = arith.constant 32 : i32
      %add3A_588 = arith.addi %mul3A_450, %add3A_587 : i32
      %swap3A_589 = arith.index_cast %add3A_588 : i32 to index
      %swap3A_590 = tpu.vector_load %arg7[%swap3A_589] {strides = array<i32>} : memref<2048xf32, #tpu.memory_space<vmem>>, vector<16xf32>,
      tpu.vector_store %arg7[%swap3A_589], %sort3A_572 {strides = array<i32>} : memref<2048xf32, #tpu.memory_space<vmem>>, vector<16xf32>,
      %add3A_591 = arith.constant 48 : i32
      %add3A_592 = arith.addi %mul3A_450, %add3A_591 : i32
      %swap3A_593 = arith.index_cast %add3A_592 : i32 to index
      %swap3A_594 = tpu.vector_load %arg7[%swap3A_593] {strides = array<i32>} : memref<2048xf32, #tpu.memory_space<vmem>>, vector<16xf32>,
      tpu.vector_store %arg7[%swap3A_593], %sort3A_577 {strides = array<i32>} : memref<2048xf32, #tpu.memory_space<vmem>>, vector<16xf32>,
    }
    %scan3A_248 = arith.constant 32 : i32
    %scan3A_249 = arith.constant 0 : i32
    %scan3A_250 = arith.constant 0 : i32
    %scan3A_251 = arith.constant 16 : i32
    %scan3A_252 = arith.addi %scan3A_250, %scan3A_251 : i32
    %scan3A_253 = arith.constant 1 : i32
    scf.for %scan3A_448 = %scan3A_250 to %scan3A_252 step %scan3A_253  : i32 {
      %mul3A_449 = arith.constant 2 : i32
      %mul3A_450 = arith.muli %mul3A_449, %scan3A_448 : i32
      %mul3A_451 = arith.constant 64 : i32
      %mul3A_452 = arith.muli %mul3A_450, %mul3A_451 : i32
      %add3A_453 = arith.constant 0 : i32
      %add3A_454 = arith.addi %mul3A_452, %add3A_453 : i32
      %get3A_455 = arith.index_cast %add3A_454 : i32 to index
      %get3A_456 = tpu.vector_load %arg7[%get3A_455] {strides = array<i32>} : memref<2048xf32, #tpu.memory_space<vmem>>, vector<16xf32>,
      %add3A_457 = arith.constant 16 : i32
      %add3A_458 = arith.addi %mul3A_452, %add3A_457 : i32
      %get3A_459 = arith.index_cast %add3A_458 : i32 to index
      %get3A_460 = tpu.vector_load %arg7[%get3A_459] {strides = array<i32>} : memref<2048xf32, #tpu.memory_space<vmem>>, vector<16xf32>,
      %add3A_461 = arith.constant 32 : i32
      %add3A_462 = arith.addi %mul3A_452, %add3A_461 : i32
      %get3A_463 = arith.index_cast %add3A_462 : i32 to index
      %get3A_464 = tpu.vector_load %arg7[%get3A_463] {strides = array<i32>} : memref<2048xf32, #tpu.memory_space<vmem>>, vector<16xf32>,
      %add3A_465 = arith.constant 48 : i32
      %add3A_466 = arith.addi %mul3A_452, %add3A_465 : i32
      %get3A_467 = arith.index_cast %add3A_466 : i32 to index
      %get3A_468 = tpu.vector_load %arg7[%get3A_467] {strides = array<i32>} : memref<2048xf32, #tpu.memory_space<vmem>>, vector<16xf32>,
      %mul3A_469 = arith.constant 2 : i32
      %mul3A_470 = arith.muli %mul3A_469, %scan3A_448 : i32
      %add3A_471 = arith.constant 1 : i32
      %add3A_472 = arith.addi %mul3A_470, %add3A_471 : i32
      %mul3A_473 = arith.constant 64 : i32
      %mul3A_474 = arith.muli %add3A_472, %mul3A_473 : i32
      %add3A_475 = arith.constant 0 : i32
      %add3A_476 = arith.addi %mul3A_474, %add3A_475 : i32
      %get3A_477 = arith.index_cast %add3A_476 : i32 to index
      %get3A_478 = tpu.vector_load %arg7[%get3A_477] {strides = array<i32>} : memref<2048xf32, #tpu.memory_space<vmem>>, vector<16xf32>,
      %add3A_479 = arith.constant 16 : i32
      %add3A_480 = arith.addi %mul3A_474, %add3A_479 : i32
      %get3A_481 = arith.index_cast %add3A_480 : i32 to index
      %get3A_482 = tpu.vector_load %arg7[%get3A_481] {strides = array<i32>} : memref<2048xf32, #tpu.memory_space<vmem>>, vector<16xf32>,
      %add3A_483 = arith.constant 32 : i32
      %add3A_484 = arith.addi %mul3A_474, %add3A_483 : i32
      %get3A_485 = arith.index_cast %add3A_484 : i32 to index
      %get3A_486 = tpu.vector_load %arg7[%get3A_485] {strides = array<i32>} : memref<2048xf32, #tpu.memory_space<vmem>>, vector<16xf32>,
      %add3A_487 = arith.constant 48 : i32
      %add3A_488 = arith.addi %mul3A_474, %add3A_487 : i32
      %get3A_489 = arith.index_cast %add3A_488 : i32 to index
      %get3A_490 = tpu.vector_load %arg7[%get3A_489] {strides = array<i32>} : memref<2048xf32, #tpu.memory_space<vmem>>, vector<16xf32>,
      %mul3A_491 = arith.constant 64 : i32
      %mul3A_492 = arith.muli %scan3A_448, %mul3A_491 : i32
      %rev3A_493 = arith.constant 15 : i32
      %rev3A_494 = vector.broadcast %rev3A_493 : i32 to vector<16xi32>
      %rev3A_495 = tpu.iota {dimensions = array<i32: 0>} : vector<16xi32>
      %rev3A_496 = arith.subi %rev3A_494, %rev3A_495 : vector<16xi32>
      %rev3A_497 = tpu.dynamic_gather %get3A_490[%rev3A_496] in [0] : vector<16xf32>, vector<16xi32> -> vector<16xf32>
      %max3A_498 = arith.maximumf %get3A_456, %rev3A_497 : vector<16xf32>
      %rev3A_499 = arith.constant 15 : i32
      %rev3A_500 = vector.broadcast %rev3A_499 : i32 to vector<16xi32>
      %rev3A_501 = tpu.iota {dimensions = array<i32: 0>} : vector<16xi32>
      %rev3A_502 = arith.subi %rev3A_500, %rev3A_501 : vector<16xi32>
      %rev3A_503 = tpu.dynamic_gather %get3A_486[%rev3A_502] in [0] : vector<16xf32>, vector<16xi32> -> vector<16xf32>
      %max3A_504 = arith.maximumf %get3A_460, %rev3A_503 : vector<16xf32>
      %rev3A_505 = arith.constant 15 : i32
      %rev3A_506 = vector.broadcast %rev3A_505 : i32 to vector<16xi32>
      %rev3A_507 = tpu.iota {dimensions = array<i32: 0>} : vector<16xi32>
      %rev3A_508 = arith.subi %rev3A_506, %rev3A_507 : vector<16xi32>
      %rev3A_509 = tpu.dynamic_gather %get3A_482[%rev3A_508] in [0] : vector<16xf32>, vector<16xi32> -> vector<16xf32>
      %max3A_510 = arith.maximumf %get3A_464, %rev3A_509 : vector<16xf32>
      %rev3A_511 = arith.constant 15 : i32
      %rev3A_512 = vector.broadcast %rev3A_511 : i32 to vector<16xi32>
      %rev3A_513 = tpu.iota {dimensions = array<i32: 0>} : vector<16xi32>
      %rev3A_514 = arith.subi %rev3A_512, %rev3A_513 : vector<16xi32>
      %rev3A_515 = tpu.dynamic_gather %get3A_478[%rev3A_514] in [0] : vector<16xf32>, vector<16xi32> -> vector<16xf32>
      %max3A_516 = arith.maximumf %get3A_468, %rev3A_515 : vector<16xf32>
      %min3A_517 = arith.minimumf %max3A_498, %max3A_510 : vector<16xf32>
      %max3A_518 = arith.maximumf %max3A_498, %max3A_510 : vector<16xf32>
      %min3A_519 = arith.minimumf %max3A_504, %max3A_516 : vector<16xf32>
      %max3A_520 = arith.maximumf %max3A_504, %max3A_516 : vector<16xf32>
      %min3A_521 = arith.minimumf %min3A_517, %min3A_519 : vector<16xf32>
      %max3A_522 = arith.maximumf %min3A_517, %min3A_519 : vector<16xf32>
      %min3A_523 = arith.minimumf %max3A_518, %max3A_520 : vector<16xf32>
      %max3A_524 = arith.maximumf %max3A_518, %max3A_520 : vector<16xf32>
      %sort3A_525 = arith.constant dense<true> : vector<16xi1>
      %sort3A_526, %sort3A_527, %sort3A_528 = tpu.sort %min3A_521, %min3A_521 masked %sort3A_525 : (vector<16xf32>, vector<16xf32>, vector<16xi1>) -> (vector<16xi1>, vector<16xf32>, vector<16xf32>)
      %sort3A_529 = arith.constant dense<true> : vector<16xi1>
      %sort3A_530, %sort3A_531, %sort3A_532 = tpu.sort %max3A_522, %max3A_522 masked %sort3A_529 : (vector<16xf32>, vector<16xf32>, vector<16xi1>) -> (vector<16xi1>, vector<16xf32>, vector<16xf32>)
      %sort3A_533 = arith.constant dense<true> : vector<16xi1>
      %sort3A_534, %sort3A_535, %sort3A_536 = tpu.sort %min3A_523, %min3A_523 masked %sort3A_533 : (vector<16xf32>, vector<16xf32>, vector<16xi1>) -> (vector<16xi1>, vector<16xf32>, vector<16xf32>)
      %sort3A_537 = arith.constant dense<true> : vector<16xi1>
      %sort3A_538, %sort3A_539, %sort3A_540 = tpu.sort %max3A_524, %max3A_524 masked %sort3A_537 : (vector<16xf32>, vector<16xf32>, vector<16xi1>) -> (vector<16xi1>, vector<16xf32>, vector<16xf32>)
      %add3A_541 = arith.constant 0 : i32
      %add3A_542 = arith.addi %mul3A_492, %add3A_541 : i32
      %swap3A_543 = arith.index_cast %add3A_542 : i32 to index
      %swap3A_544 = tpu.vector_load %arg8[%swap3A_543] {strides = array<i32>} : memref<1024xf32, #tpu.memory_space<vmem>>, vector<16xf32>,
      tpu.vector_store %arg8[%swap3A_543], %sort3A_527 {strides = array<i32>} : memref<1024xf32, #tpu.memory_space<vmem>>, vector<16xf32>,
      %add3A_545 = arith.constant 16 : i32
      %add3A_546 = arith.addi %mul3A_492, %add3A_545 : i32
      %swap3A_547 = arith.index_cast %add3A_546 : i32 to index
      %swap3A_548 = tpu.vector_load %arg8[%swap3A_547] {strides = array<i32>} : memref<1024xf32, #tpu.memory_space<vmem>>, vector<16xf32>,
      tpu.vector_store %arg8[%swap3A_547], %sort3A_531 {strides = array<i32>} : memref<1024xf32, #tpu.memory_space<vmem>>, vector<16xf32>,
      %add3A_549 = arith.constant 32 : i32
      %add3A_550 = arith.addi %mul3A_492, %add3A_549 : i32
      %swap3A_551 = arith.index_cast %add3A_550 : i32 to index
      %swap3A_552 = tpu.vector_load %arg8[%swap3A_551] {strides = array<i32>} : memref<1024xf32, #tpu.memory_space<vmem>>, vector<16xf32>,
      tpu.vector_store %arg8[%swap3A_551], %sort3A_535 {strides = array<i32>} : memref<1024xf32, #tpu.memory_space<vmem>>, vector<16xf32>,
      %add3A_553 = arith.constant 48 : i32
      %add3A_554 = arith.addi %mul3A_492, %add3A_553 : i32
      %swap3A_555 = arith.index_cast %add3A_554 : i32 to index
      %swap3A_556 = tpu.vector_load %arg8[%swap3A_555] {strides = array<i32>} : memref<1024xf32, #tpu.memory_space<vmem>>, vector<16xf32>,
      tpu.vector_store %arg8[%swap3A_555], %sort3A_539 {strides = array<i32>} : memref<1024xf32, #tpu.memory_space<vmem>>, vector<16xf32>,
    }
    %scan3A_254 = arith.constant 16 : i32
    %scan3A_255 = arith.constant 0 : i32
    %scan3A_256 = arith.constant 0 : i32
    %scan3A_257 = arith.constant 8 : i32
    %scan3A_258 = arith.addi %scan3A_256, %scan3A_257 : i32
    %scan3A_259 = arith.constant 1 : i32
    scf.for %scan3A_448 = %scan3A_256 to %scan3A_258 step %scan3A_259  : i32 {
      %mul3A_449 = arith.constant 2 : i32
      %mul3A_450 = arith.muli %mul3A_449, %scan3A_448 : i32
      %mul3A_451 = arith.constant 64 : i32
      %mul3A_452 = arith.muli %mul3A_450, %mul3A_451 : i32
      %add3A_453 = arith.constant 0 : i32
      %add3A_454 = arith.addi %mul3A_452, %add3A_453 : i32
      %get3A_455 = arith.index_cast %add3A_454 : i32 to index
      %get3A_456 = tpu.vector_load %arg8[%get3A_455] {strides = array<i32>} : memref<1024xf32, #tpu.memory_space<vmem>>, vector<16xf32>,
      %add3A_457 = arith.constant 16 : i32
      %add3A_458 = arith.addi %mul3A_452, %add3A_457 : i32
      %get3A_459 = arith.index_cast %add3A_458 : i32 to index
      %get3A_460 = tpu.vector_load %arg8[%get3A_459] {strides = array<i32>} : memref<1024xf32, #tpu.memory_space<vmem>>, vector<16xf32>,
      %add3A_461 = arith.constant 32 : i32
      %add3A_462 = arith.addi %mul3A_452, %add3A_461 : i32
      %get3A_463 = arith.index_cast %add3A_462 : i32 to index
      %get3A_464 = tpu.vector_load %arg8[%get3A_463] {strides = array<i32>} : memref<1024xf32, #tpu.memory_space<vmem>>, vector<16xf32>,
      %add3A_465 = arith.constant 48 : i32
      %add3A_466 = arith.addi %mul3A_452, %add3A_465 : i32
      %get3A_467 = arith.index_cast %add3A_466 : i32 to index
      %get3A_468 = tpu.vector_load %arg8[%get3A_467] {strides = array<i32>} : memref<1024xf32, #tpu.memory_space<vmem>>, vector<16xf32>,
      %mul3A_469 = arith.constant 2 : i32
      %mul3A_470 = arith.muli %mul3A_469, %scan3A_448 : i32
      %add3A_471 = arith.constant 1 : i32
      %add3A_472 = arith.addi %mul3A_470, %add3A_471 : i32
      %mul3A_473 = arith.constant 64 : i32
      %mul3A_474 = arith.muli %add3A_472, %mul3A_473 : i32
      %add3A_475 = arith.constant 0 : i32
      %add3A_476 = arith.addi %mul3A_474, %add3A_475 : i32
      %get3A_477 = arith.index_cast %add3A_476 : i32 to index
      %get3A_478 = tpu.vector_load %arg8[%get3A_477] {strides = array<i32>} : memref<1024xf32, #tpu.memory_space<vmem>>, vector<16xf32>,
      %add3A_479 = arith.constant 16 : i32
      %add3A_480 = arith.addi %mul3A_474, %add3A_479 : i32
      %get3A_481 = arith.index_cast %add3A_480 : i32 to index
      %get3A_482 = tpu.vector_load %arg8[%get3A_481] {strides = array<i32>} : memref<1024xf32, #tpu.memory_space<vmem>>, vector<16xf32>,
      %add3A_483 = arith.constant 32 : i32
      %add3A_484 = arith.addi %mul3A_474, %add3A_483 : i32
      %get3A_485 = arith.index_cast %add3A_484 : i32 to index
      %get3A_486 = tpu.vector_load %arg8[%get3A_485] {strides = array<i32>} : memref<1024xf32, #tpu.memory_space<vmem>>, vector<16xf32>,
      %add3A_487 = arith.constant 48 : i32
      %add3A_488 = arith.addi %mul3A_474, %add3A_487 : i32
      %get3A_489 = arith.index_cast %add3A_488 : i32 to index
      %get3A_490 = tpu.vector_load %arg8[%get3A_489] {strides = array<i32>} : memref<1024xf32, #tpu.memory_space<vmem>>, vector<16xf32>,
      %mul3A_491 = arith.constant 64 : i32
      %mul3A_492 = arith.muli %scan3A_448, %mul3A_491 : i32
      %rev3A_493 = arith.constant 15 : i32
      %rev3A_494 = vector.broadcast %rev3A_493 : i32 to vector<16xi32>
      %rev3A_495 = tpu.iota {dimensions = array<i32: 0>} : vector<16xi32>
      %rev3A_496 = arith.subi %rev3A_494, %rev3A_495 : vector<16xi32>
      %rev3A_497 = tpu.dynamic_gather %get3A_490[%rev3A_496] in [0] : vector<16xf32>, vector<16xi32> -> vector<16xf32>
      %max3A_498 = arith.maximumf %get3A_456, %rev3A_497 : vector<16xf32>
      %rev3A_499 = arith.constant 15 : i32
      %rev3A_500 = vector.broadcast %rev3A_499 : i32 to vector<16xi32>
      %rev3A_501 = tpu.iota {dimensions = array<i32: 0>} : vector<16xi32>
      %rev3A_502 = arith.subi %rev3A_500, %rev3A_501 : vector<16xi32>
      %rev3A_503 = tpu.dynamic_gather %get3A_486[%rev3A_502] in [0] : vector<16xf32>, vector<16xi32> -> vector<16xf32>
      %max3A_504 = arith.maximumf %get3A_460, %rev3A_503 : vector<16xf32>
      %rev3A_505 = arith.constant 15 : i32
      %rev3A_506 = vector.broadcast %rev3A_505 : i32 to vector<16xi32>
      %rev3A_507 = tpu.iota {dimensions = array<i32: 0>} : vector<16xi32>
      %rev3A_508 = arith.subi %rev3A_506, %rev3A_507 : vector<16xi32>
      %rev3A_509 = tpu.dynamic_gather %get3A_482[%rev3A_508] in [0] : vector<16xf32>, vector<16xi32> -> vector<16xf32>
      %max3A_510 = arith.maximumf %get3A_464, %rev3A_509 : vector<16xf32>
      %rev3A_511 = arith.constant 15 : i32
      %rev3A_512 = vector.broadcast %rev3A_511 : i32 to vector<16xi32>
      %rev3A_513 = tpu.iota {dimensions = array<i32: 0>} : vector<16xi32>
      %rev3A_514 = arith.subi %rev3A_512, %rev3A_513 : vector<16xi32>
      %rev3A_515 = tpu.dynamic_gather %get3A_478[%rev3A_514] in [0] : vector<16xf32>, vector<16xi32> -> vector<16xf32>
      %max3A_516 = arith.maximumf %get3A_468, %rev3A_515 : vector<16xf32>
      %min3A_517 = arith.minimumf %max3A_498, %max3A_510 : vector<16xf32>
      %max3A_518 = arith.maximumf %max3A_498, %max3A_510 : vector<16xf32>
      %min3A_519 = arith.minimumf %max3A_504, %max3A_516 : vector<16xf32>
      %max3A_520 = arith.maximumf %max3A_504, %max3A_516 : vector<16xf32>
      %min3A_521 = arith.minimumf %min3A_517, %min3A_519 : vector<16xf32>
      %max3A_522 = arith.maximumf %min3A_517, %min3A_519 : vector<16xf32>
      %min3A_523 = arith.minimumf %max3A_518, %max3A_520 : vector<16xf32>
      %max3A_524 = arith.maximumf %max3A_518, %max3A_520 : vector<16xf32>
      %sort3A_525 = arith.constant dense<true> : vector<16xi1>
      %sort3A_526, %sort3A_527, %sort3A_528 = tpu.sort %min3A_521, %min3A_521 masked %sort3A_525 : (vector<16xf32>, vector<16xf32>, vector<16xi1>) -> (vector<16xi1>, vector<16xf32>, vector<16xf32>)
      %sort3A_529 = arith.constant dense<true> : vector<16xi1>
      %sort3A_530, %sort3A_531, %sort3A_532 = tpu.sort %max3A_522, %max3A_522 masked %sort3A_529 : (vector<16xf32>, vector<16xf32>, vector<16xi1>) -> (vector<16xi1>, vector<16xf32>, vector<16xf32>)
      %sort3A_533 = arith.constant dense<true> : vector<16xi1>
      %sort3A_534, %sort3A_535, %sort3A_536 = tpu.sort %min3A_523, %min3A_523 masked %sort3A_533 : (vector<16xf32>, vector<16xf32>, vector<16xi1>) -> (vector<16xi1>, vector<16xf32>, vector<16xf32>)
      %sort3A_537 = arith.constant dense<true> : vector<16xi1>
      %sort3A_538, %sort3A_539, %sort3A_540 = tpu.sort %max3A_524, %max3A_524 masked %sort3A_537 : (vector<16xf32>, vector<16xf32>, vector<16xi1>) -> (vector<16xi1>, vector<16xf32>, vector<16xf32>)
      %add3A_541 = arith.constant 0 : i32
      %add3A_542 = arith.addi %mul3A_492, %add3A_541 : i32
      %swap3A_543 = arith.index_cast %add3A_542 : i32 to index
      %swap3A_544 = tpu.vector_load %arg7[%swap3A_543] {strides = array<i32>} : memref<2048xf32, #tpu.memory_space<vmem>>, vector<16xf32>,
      tpu.vector_store %arg7[%swap3A_543], %sort3A_527 {strides = array<i32>} : memref<2048xf32, #tpu.memory_space<vmem>>, vector<16xf32>,
      %add3A_545 = arith.constant 16 : i32
      %add3A_546 = arith.addi %mul3A_492, %add3A_545 : i32
      %swap3A_547 = arith.index_cast %add3A_546 : i32 to index
      %swap3A_548 = tpu.vector_load %arg7[%swap3A_547] {strides = array<i32>} : memref<2048xf32, #tpu.memory_space<vmem>>, vector<16xf32>,
      tpu.vector_store %arg7[%swap3A_547], %sort3A_531 {strides = array<i32>} : memref<2048xf32, #tpu.memory_space<vmem>>, vector<16xf32>,
      %add3A_549 = arith.constant 32 : i32
      %add3A_550 = arith.addi %mul3A_492, %add3A_549 : i32
      %swap3A_551 = arith.index_cast %add3A_550 : i32 to index
      %swap3A_552 = tpu.vector_load %arg7[%swap3A_551] {strides = array<i32>} : memref<2048xf32, #tpu.memory_space<vmem>>, vector<16xf32>,
      tpu.vector_store %arg7[%swap3A_551], %sort3A_535 {strides = array<i32>} : memref<2048xf32, #tpu.memory_space<vmem>>, vector<16xf32>,
      %add3A_553 = arith.constant 48 : i32
      %add3A_554 = arith.addi %mul3A_492, %add3A_553 : i32
      %swap3A_555 = arith.index_cast %add3A_554 : i32 to index
      %swap3A_556 = tpu.vector_load %arg7[%swap3A_555] {strides = array<i32>} : memref<2048xf32, #tpu.memory_space<vmem>>, vector<16xf32>,
      tpu.vector_store %arg7[%swap3A_555], %sort3A_539 {strides = array<i32>} : memref<2048xf32, #tpu.memory_space<vmem>>, vector<16xf32>,
    }
    %scan3A_260 = arith.constant 8 : i32
    %scan3A_261 = arith.constant 0 : i32
    %scan3A_262 = arith.constant 0 : i32
    %scan3A_263 = arith.constant 4 : i32
    %scan3A_264 = arith.addi %scan3A_262, %scan3A_263 : i32
    %scan3A_265 = arith.constant 1 : i32
    scf.for %scan3A_448 = %scan3A_262 to %scan3A_264 step %scan3A_265  : i32 {
      %mul3A_449 = arith.constant 2 : i32
      %mul3A_450 = arith.muli %mul3A_449, %scan3A_448 : i32
      %mul3A_451 = arith.constant 64 : i32
      %mul3A_452 = arith.muli %mul3A_450, %mul3A_451 : i32
      %add3A_453 = arith.constant 0 : i32
      %add3A_454 = arith.addi %mul3A_452, %add3A_453 : i32
      %get3A_455 = arith.index_cast %add3A_454 : i32 to index
      %get3A_456 = tpu.vector_load %arg7[%get3A_455] {strides = array<i32>} : memref<2048xf32, #tpu.memory_space<vmem>>, vector<16xf32>,
      %add3A_457 = arith.constant 16 : i32
      %add3A_458 = arith.addi %mul3A_452, %add3A_457 : i32
      %get3A_459 = arith.index_cast %add3A_458 : i32 to index
      %get3A_460 = tpu.vector_load %arg7[%get3A_459] {strides = array<i32>} : memref<2048xf32, #tpu.memory_space<vmem>>, vector<16xf32>,
      %add3A_461 = arith.constant 32 : i32
      %add3A_462 = arith.addi %mul3A_452, %add3A_461 : i32
      %get3A_463 = arith.index_cast %add3A_462 : i32 to index
      %get3A_464 = tpu.vector_load %arg7[%get3A_463] {strides = array<i32>} : memref<2048xf32, #tpu.memory_space<vmem>>, vector<16xf32>,
      %add3A_465 = arith.constant 48 : i32
      %add3A_466 = arith.addi %mul3A_452, %add3A_465 : i32
      %get3A_467 = arith.index_cast %add3A_466 : i32 to index
      %get3A_468 = tpu.vector_load %arg7[%get3A_467] {strides = array<i32>} : memref<2048xf32, #tpu.memory_space<vmem>>, vector<16xf32>,
      %mul3A_469 = arith.constant 2 : i32
      %mul3A_470 = arith.muli %mul3A_469, %scan3A_448 : i32
      %add3A_471 = arith.constant 1 : i32
      %add3A_472 = arith.addi %mul3A_470, %add3A_471 : i32
      %mul3A_473 = arith.constant 64 : i32
      %mul3A_474 = arith.muli %add3A_472, %mul3A_473 : i32
      %add3A_475 = arith.constant 0 : i32
      %add3A_476 = arith.addi %mul3A_474, %add3A_475 : i32
      %get3A_477 = arith.index_cast %add3A_476 : i32 to index
      %get3A_478 = tpu.vector_load %arg7[%get3A_477] {strides = array<i32>} : memref<2048xf32, #tpu.memory_space<vmem>>, vector<16xf32>,
      %add3A_479 = arith.constant 16 : i32
      %add3A_480 = arith.addi %mul3A_474, %add3A_479 : i32
      %get3A_481 = arith.index_cast %add3A_480 : i32 to index
      %get3A_482 = tpu.vector_load %arg7[%get3A_481] {strides = array<i32>} : memref<2048xf32, #tpu.memory_space<vmem>>, vector<16xf32>,
      %add3A_483 = arith.constant 32 : i32
      %add3A_484 = arith.addi %mul3A_474, %add3A_483 : i32
      %get3A_485 = arith.index_cast %add3A_484 : i32 to index
      %get3A_486 = tpu.vector_load %arg7[%get3A_485] {strides = array<i32>} : memref<2048xf32, #tpu.memory_space<vmem>>, vector<16xf32>,
      %add3A_487 = arith.constant 48 : i32
      %add3A_488 = arith.addi %mul3A_474, %add3A_487 : i32
      %get3A_489 = arith.index_cast %add3A_488 : i32 to index
      %get3A_490 = tpu.vector_load %arg7[%get3A_489] {strides = array<i32>} : memref<2048xf32, #tpu.memory_space<vmem>>, vector<16xf32>,
      %mul3A_491 = arith.constant 64 : i32
      %mul3A_492 = arith.muli %scan3A_448, %mul3A_491 : i32
      %rev3A_493 = arith.constant 15 : i32
      %rev3A_494 = vector.broadcast %rev3A_493 : i32 to vector<16xi32>
      %rev3A_495 = tpu.iota {dimensions = array<i32: 0>} : vector<16xi32>
      %rev3A_496 = arith.subi %rev3A_494, %rev3A_495 : vector<16xi32>
      %rev3A_497 = tpu.dynamic_gather %get3A_490[%rev3A_496] in [0] : vector<16xf32>, vector<16xi32> -> vector<16xf32>
      %max3A_498 = arith.maximumf %get3A_456, %rev3A_497 : vector<16xf32>
      %rev3A_499 = arith.constant 15 : i32
      %rev3A_500 = vector.broadcast %rev3A_499 : i32 to vector<16xi32>
      %rev3A_501 = tpu.iota {dimensions = array<i32: 0>} : vector<16xi32>
      %rev3A_502 = arith.subi %rev3A_500, %rev3A_501 : vector<16xi32>
      %rev3A_503 = tpu.dynamic_gather %get3A_486[%rev3A_502] in [0] : vector<16xf32>, vector<16xi32> -> vector<16xf32>
      %max3A_504 = arith.maximumf %get3A_460, %rev3A_503 : vector<16xf32>
      %rev3A_505 = arith.constant 15 : i32
      %rev3A_506 = vector.broadcast %rev3A_505 : i32 to vector<16xi32>
      %rev3A_507 = tpu.iota {dimensions = array<i32: 0>} : vector<16xi32>
      %rev3A_508 = arith.subi %rev3A_506, %rev3A_507 : vector<16xi32>
      %rev3A_509 = tpu.dynamic_gather %get3A_482[%rev3A_508] in [0] : vector<16xf32>, vector<16xi32> -> vector<16xf32>
      %max3A_510 = arith.maximumf %get3A_464, %rev3A_509 : vector<16xf32>
      %rev3A_511 = arith.constant 15 : i32
      %rev3A_512 = vector.broadcast %rev3A_511 : i32 to vector<16xi32>
      %rev3A_513 = tpu.iota {dimensions = array<i32: 0>} : vector<16xi32>
      %rev3A_514 = arith.subi %rev3A_512, %rev3A_513 : vector<16xi32>
      %rev3A_515 = tpu.dynamic_gather %get3A_478[%rev3A_514] in [0] : vector<16xf32>, vector<16xi32> -> vector<16xf32>
      %max3A_516 = arith.maximumf %get3A_468, %rev3A_515 : vector<16xf32>
      %min3A_517 = arith.minimumf %max3A_498, %max3A_510 : vector<16xf32>
      %max3A_518 = arith.maximumf %max3A_498, %max3A_510 : vector<16xf32>
      %min3A_519 = arith.minimumf %max3A_504, %max3A_516 : vector<16xf32>
      %max3A_520 = arith.maximumf %max3A_504, %max3A_516 : vector<16xf32>
      %min3A_521 = arith.minimumf %min3A_517, %min3A_519 : vector<16xf32>
      %max3A_522 = arith.maximumf %min3A_517, %min3A_519 : vector<16xf32>
      %min3A_523 = arith.minimumf %max3A_518, %max3A_520 : vector<16xf32>
      %max3A_524 = arith.maximumf %max3A_518, %max3A_520 : vector<16xf32>
      %sort3A_525 = arith.constant dense<true> : vector<16xi1>
      %sort3A_526, %sort3A_527, %sort3A_528 = tpu.sort %min3A_521, %min3A_521 masked %sort3A_525 : (vector<16xf32>, vector<16xf32>, vector<16xi1>) -> (vector<16xi1>, vector<16xf32>, vector<16xf32>)
      %sort3A_529 = arith.constant dense<true> : vector<16xi1>
      %sort3A_530, %sort3A_531, %sort3A_532 = tpu.sort %max3A_522, %max3A_522 masked %sort3A_529 : (vector<16xf32>, vector<16xf32>, vector<16xi1>) -> (vector<16xi1>, vector<16xf32>, vector<16xf32>)
      %sort3A_533 = arith.constant dense<true> : vector<16xi1>
      %sort3A_534, %sort3A_535, %sort3A_536 = tpu.sort %min3A_523, %min3A_523 masked %sort3A_533 : (vector<16xf32>, vector<16xf32>, vector<16xi1>) -> (vector<16xi1>, vector<16xf32>, vector<16xf32>)
      %sort3A_537 = arith.constant dense<true> : vector<16xi1>
      %sort3A_538, %sort3A_539, %sort3A_540 = tpu.sort %max3A_524, %max3A_524 masked %sort3A_537 : (vector<16xf32>, vector<16xf32>, vector<16xi1>) -> (vector<16xi1>, vector<16xf32>, vector<16xf32>)
      %add3A_541 = arith.constant 0 : i32
      %add3A_542 = arith.addi %mul3A_492, %add3A_541 : i32
      %swap3A_543 = arith.index_cast %add3A_542 : i32 to index
      %swap3A_544 = tpu.vector_load %arg8[%swap3A_543] {strides = array<i32>} : memref<1024xf32, #tpu.memory_space<vmem>>, vector<16xf32>,
      tpu.vector_store %arg8[%swap3A_543], %sort3A_527 {strides = array<i32>} : memref<1024xf32, #tpu.memory_space<vmem>>, vector<16xf32>,
      %add3A_545 = arith.constant 16 : i32
      %add3A_546 = arith.addi %mul3A_492, %add3A_545 : i32
      %swap3A_547 = arith.index_cast %add3A_546 : i32 to index
      %swap3A_548 = tpu.vector_load %arg8[%swap3A_547] {strides = array<i32>} : memref<1024xf32, #tpu.memory_space<vmem>>, vector<16xf32>,
      tpu.vector_store %arg8[%swap3A_547], %sort3A_531 {strides = array<i32>} : memref<1024xf32, #tpu.memory_space<vmem>>, vector<16xf32>,
      %add3A_549 = arith.constant 32 : i32
      %add3A_550 = arith.addi %mul3A_492, %add3A_549 : i32
      %swap3A_551 = arith.index_cast %add3A_550 : i32 to index
      %swap3A_552 = tpu.vector_load %arg8[%swap3A_551] {strides = array<i32>} : memref<1024xf32, #tpu.memory_space<vmem>>, vector<16xf32>,
      tpu.vector_store %arg8[%swap3A_551], %sort3A_535 {strides = array<i32>} : memref<1024xf32, #tpu.memory_space<vmem>>, vector<16xf32>,
      %add3A_553 = arith.constant 48 : i32
      %add3A_554 = arith.addi %mul3A_492, %add3A_553 : i32
      %swap3A_555 = arith.index_cast %add3A_554 : i32 to index
      %swap3A_556 = tpu.vector_load %arg8[%swap3A_555] {strides = array<i32>} : memref<1024xf32, #tpu.memory_space<vmem>>, vector<16xf32>,
      tpu.vector_store %arg8[%swap3A_555], %sort3A_539 {strides = array<i32>} : memref<1024xf32, #tpu.memory_space<vmem>>, vector<16xf32>,
    }
    %scan3A_266 = arith.constant 4 : i32
    %scan3A_267 = arith.constant 0 : i32
    %scan3A_268 = arith.constant 0 : i32
    %scan3A_269 = arith.constant 2 : i32
    %scan3A_270 = arith.addi %scan3A_268, %scan3A_269 : i32
    %scan3A_271 = arith.constant 1 : i32
    scf.for %scan3A_448 = %scan3A_268 to %scan3A_270 step %scan3A_271  : i32 {
      %mul3A_449 = arith.constant 2 : i32
      %mul3A_450 = arith.muli %mul3A_449, %scan3A_448 : i32
      %mul3A_451 = arith.constant 64 : i32
      %mul3A_452 = arith.muli %mul3A_450, %mul3A_451 : i32
      %add3A_453 = arith.constant 0 : i32
      %add3A_454 = arith.addi %mul3A_452, %add3A_453 : i32
      %get3A_455 = arith.index_cast %add3A_454 : i32 to index
      %get3A_456 = tpu.vector_load %arg8[%get3A_455] {strides = array<i32>} : memref<1024xf32, #tpu.memory_space<vmem>>, vector<16xf32>,
      %add3A_457 = arith.constant 16 : i32
      %add3A_458 = arith.addi %mul3A_452, %add3A_457 : i32
      %get3A_459 = arith.index_cast %add3A_458 : i32 to index
      %get3A_460 = tpu.vector_load %arg8[%get3A_459] {strides = array<i32>} : memref<1024xf32, #tpu.memory_space<vmem>>, vector<16xf32>,
      %add3A_461 = arith.constant 32 : i32
      %add3A_462 = arith.addi %mul3A_452, %add3A_461 : i32
      %get3A_463 = arith.index_cast %add3A_462 : i32 to index
      %get3A_464 = tpu.vector_load %arg8[%get3A_463] {strides = array<i32>} : memref<1024xf32, #tpu.memory_space<vmem>>, vector<16xf32>,
      %add3A_465 = arith.constant 48 : i32
      %add3A_466 = arith.addi %mul3A_452, %add3A_465 : i32
      %get3A_467 = arith.index_cast %add3A_466 : i32 to index
      %get3A_468 = tpu.vector_load %arg8[%get3A_467] {strides = array<i32>} : memref<1024xf32, #tpu.memory_space<vmem>>, vector<16xf32>,
      %mul3A_469 = arith.constant 2 : i32
      %mul3A_470 = arith.muli %mul3A_469, %scan3A_448 : i32
      %add3A_471 = arith.constant 1 : i32
      %add3A_472 = arith.addi %mul3A_470, %add3A_471 : i32
      %mul3A_473 = arith.constant 64 : i32
      %mul3A_474 = arith.muli %add3A_472, %mul3A_473 : i32
      %add3A_475 = arith.constant 0 : i32
      %add3A_476 = arith.addi %mul3A_474, %add3A_475 : i32
      %get3A_477 = arith.index_cast %add3A_476 : i32 to index
      %get3A_478 = tpu.vector_load %arg8[%get3A_477] {strides = array<i32>} : memref<1024xf32, #tpu.memory_space<vmem>>, vector<16xf32>,
      %add3A_479 = arith.constant 16 : i32
      %add3A_480 = arith.addi %mul3A_474, %add3A_479 : i32
      %get3A_481 = arith.index_cast %add3A_480 : i32 to index
      %get3A_482 = tpu.vector_load %arg8[%get3A_481] {strides = array<i32>} : memref<1024xf32, #tpu.memory_space<vmem>>, vector<16xf32>,
      %add3A_483 = arith.constant 32 : i32
      %add3A_484 = arith.addi %mul3A_474, %add3A_483 : i32
      %get3A_485 = arith.index_cast %add3A_484 : i32 to index
      %get3A_486 = tpu.vector_load %arg8[%get3A_485] {strides = array<i32>} : memref<1024xf32, #tpu.memory_space<vmem>>, vector<16xf32>,
      %add3A_487 = arith.constant 48 : i32
      %add3A_488 = arith.addi %mul3A_474, %add3A_487 : i32
      %get3A_489 = arith.index_cast %add3A_488 : i32 to index
      %get3A_490 = tpu.vector_load %arg8[%get3A_489] {strides = array<i32>} : memref<1024xf32, #tpu.memory_space<vmem>>, vector<16xf32>,
      %mul3A_491 = arith.constant 64 : i32
      %mul3A_492 = arith.muli %scan3A_448, %mul3A_491 : i32
      %rev3A_493 = arith.constant 15 : i32
      %rev3A_494 = vector.broadcast %rev3A_493 : i32 to vector<16xi32>
      %rev3A_495 = tpu.iota {dimensions = array<i32: 0>} : vector<16xi32>
      %rev3A_496 = arith.subi %rev3A_494, %rev3A_495 : vector<16xi32>
      %rev3A_497 = tpu.dynamic_gather %get3A_490[%rev3A_496] in [0] : vector<16xf32>, vector<16xi32> -> vector<16xf32>
      %max3A_498 = arith.maximumf %get3A_456, %rev3A_497 : vector<16xf32>
      %rev3A_499 = arith.constant 15 : i32
      %rev3A_500 = vector.broadcast %rev3A_499 : i32 to vector<16xi32>
      %rev3A_501 = tpu.iota {dimensions = array<i32: 0>} : vector<16xi32>
      %rev3A_502 = arith.subi %rev3A_500, %rev3A_501 : vector<16xi32>
      %rev3A_503 = tpu.dynamic_gather %get3A_486[%rev3A_502] in [0] : vector<16xf32>, vector<16xi32> -> vector<16xf32>
      %max3A_504 = arith.maximumf %get3A_460, %rev3A_503 : vector<16xf32>
      %rev3A_505 = arith.constant 15 : i32
      %rev3A_506 = vector.broadcast %rev3A_505 : i32 to vector<16xi32>
      %rev3A_507 = tpu.iota {dimensions = array<i32: 0>} : vector<16xi32>
      %rev3A_508 = arith.subi %rev3A_506, %rev3A_507 : vector<16xi32>
      %rev3A_509 = tpu.dynamic_gather %get3A_482[%rev3A_508] in [0] : vector<16xf32>, vector<16xi32> -> vector<16xf32>
      %max3A_510 = arith.maximumf %get3A_464, %rev3A_509 : vector<16xf32>
      %rev3A_511 = arith.constant 15 : i32
      %rev3A_512 = vector.broadcast %rev3A_511 : i32 to vector<16xi32>
      %rev3A_513 = tpu.iota {dimensions = array<i32: 0>} : vector<16xi32>
      %rev3A_514 = arith.subi %rev3A_512, %rev3A_513 : vector<16xi32>
      %rev3A_515 = tpu.dynamic_gather %get3A_478[%rev3A_514] in [0] : vector<16xf32>, vector<16xi32> -> vector<16xf32>
      %max3A_516 = arith.maximumf %get3A_468, %rev3A_515 : vector<16xf32>
      %min3A_517 = arith.minimumf %max3A_498, %max3A_510 : vector<16xf32>
      %max3A_518 = arith.maximumf %max3A_498, %max3A_510 : vector<16xf32>
      %min3A_519 = arith.minimumf %max3A_504, %max3A_516 : vector<16xf32>
      %max3A_520 = arith.maximumf %max3A_504, %max3A_516 : vector<16xf32>
      %min3A_521 = arith.minimumf %min3A_517, %min3A_519 : vector<16xf32>
      %max3A_522 = arith.maximumf %min3A_517, %min3A_519 : vector<16xf32>
      %min3A_523 = arith.minimumf %max3A_518, %max3A_520 : vector<16xf32>
      %max3A_524 = arith.maximumf %max3A_518, %max3A_520 : vector<16xf32>
      %sort3A_525 = arith.constant dense<true> : vector<16xi1>
      %sort3A_526, %sort3A_527, %sort3A_528 = tpu.sort %min3A_521, %min3A_521 masked %sort3A_525 : (vector<16xf32>, vector<16xf32>, vector<16xi1>) -> (vector<16xi1>, vector<16xf32>, vector<16xf32>)
      %sort3A_529 = arith.constant dense<true> : vector<16xi1>
      %sort3A_530, %sort3A_531, %sort3A_532 = tpu.sort %max3A_522, %max3A_522 masked %sort3A_529 : (vector<16xf32>, vector<16xf32>, vector<16xi1>) -> (vector<16xi1>, vector<16xf32>, vector<16xf32>)
      %sort3A_533 = arith.constant dense<true> : vector<16xi1>
      %sort3A_534, %sort3A_535, %sort3A_536 = tpu.sort %min3A_523, %min3A_523 masked %sort3A_533 : (vector<16xf32>, vector<16xf32>, vector<16xi1>) -> (vector<16xi1>, vector<16xf32>, vector<16xf32>)
      %sort3A_537 = arith.constant dense<true> : vector<16xi1>
      %sort3A_538, %sort3A_539, %sort3A_540 = tpu.sort %max3A_524, %max3A_524 masked %sort3A_537 : (vector<16xf32>, vector<16xf32>, vector<16xi1>) -> (vector<16xi1>, vector<16xf32>, vector<16xf32>)
      %add3A_541 = arith.constant 0 : i32
      %add3A_542 = arith.addi %mul3A_492, %add3A_541 : i32
      %swap3A_543 = arith.index_cast %add3A_542 : i32 to index
      %swap3A_544 = tpu.vector_load %arg7[%swap3A_543] {strides = array<i32>} : memref<2048xf32, #tpu.memory_space<vmem>>, vector<16xf32>,
      tpu.vector_store %arg7[%swap3A_543], %sort3A_527 {strides = array<i32>} : memref<2048xf32, #tpu.memory_space<vmem>>, vector<16xf32>,
      %add3A_545 = arith.constant 16 : i32
      %add3A_546 = arith.addi %mul3A_492, %add3A_545 : i32
      %swap3A_547 = arith.index_cast %add3A_546 : i32 to index
      %swap3A_548 = tpu.vector_load %arg7[%swap3A_547] {strides = array<i32>} : memref<2048xf32, #tpu.memory_space<vmem>>, vector<16xf32>,
      tpu.vector_store %arg7[%swap3A_547], %sort3A_531 {strides = array<i32>} : memref<2048xf32, #tpu.memory_space<vmem>>, vector<16xf32>,
      %add3A_549 = arith.constant 32 : i32
      %add3A_550 = arith.addi %mul3A_492, %add3A_549 : i32
      %swap3A_551 = arith.index_cast %add3A_550 : i32 to index
      %swap3A_552 = tpu.vector_load %arg7[%swap3A_551] {strides = array<i32>} : memref<2048xf32, #tpu.memory_space<vmem>>, vector<16xf32>,
      tpu.vector_store %arg7[%swap3A_551], %sort3A_535 {strides = array<i32>} : memref<2048xf32, #tpu.memory_space<vmem>>, vector<16xf32>,
      %add3A_553 = arith.constant 48 : i32
      %add3A_554 = arith.addi %mul3A_492, %add3A_553 : i32
      %swap3A_555 = arith.index_cast %add3A_554 : i32 to index
      %swap3A_556 = tpu.vector_load %arg7[%swap3A_555] {strides = array<i32>} : memref<2048xf32, #tpu.memory_space<vmem>>, vector<16xf32>,
      tpu.vector_store %arg7[%swap3A_555], %sort3A_539 {strides = array<i32>} : memref<2048xf32, #tpu.memory_space<vmem>>, vector<16xf32>,
    }
    %scan3A_272 = arith.constant 2 : i32
    %scan3A_273 = arith.constant 0 : i32
    %scan3A_274 = arith.constant 0 : i32
    %mul3A_275 = arith.constant 2 : i32
    %mul3A_276 = arith.muli %mul3A_275, %scan3A_274 : i32
    %mul3A_277 = arith.constant 64 : i32
    %mul3A_278 = arith.muli %mul3A_276, %mul3A_277 : i32
    %add3A_279 = arith.constant 0 : i32
    %add3A_280 = arith.addi %mul3A_278, %add3A_279 : i32
    %get3A_281 = arith.index_cast %add3A_280 : i32 to index
    %get3A_282 = tpu.vector_load %arg7[%get3A_281] {strides = array<i32>} : memref<2048xf32, #tpu.memory_space<vmem>>, vector<16xf32>,
    %add3A_283 = arith.constant 16 : i32
    %add3A_284 = arith.addi %mul3A_278, %add3A_283 : i32
    %get3A_285 = arith.index_cast %add3A_284 : i32 to index
    %get3A_286 = tpu.vector_load %arg7[%get3A_285] {strides = array<i32>} : memref<2048xf32, #tpu.memory_space<vmem>>, vector<16xf32>,
    %add3A_287 = arith.constant 32 : i32
    %add3A_288 = arith.addi %mul3A_278, %add3A_287 : i32
    %get3A_289 = arith.index_cast %add3A_288 : i32 to index
    %get3A_290 = tpu.vector_load %arg7[%get3A_289] {strides = array<i32>} : memref<2048xf32, #tpu.memory_space<vmem>>, vector<16xf32>,
    %add3A_291 = arith.constant 48 : i32
    %add3A_292 = arith.addi %mul3A_278, %add3A_291 : i32
    %get3A_293 = arith.index_cast %add3A_292 : i32 to index
    %get3A_294 = tpu.vector_load %arg7[%get3A_293] {strides = array<i32>} : memref<2048xf32, #tpu.memory_space<vmem>>, vector<16xf32>,
    %mul3A_295 = arith.constant 2 : i32
    %mul3A_296 = arith.muli %mul3A_295, %scan3A_274 : i32
    %add3A_297 = arith.constant 1 : i32
    %add3A_298 = arith.addi %mul3A_296, %add3A_297 : i32
    %mul3A_299 = arith.constant 64 : i32
    %mul3A_300 = arith.muli %add3A_298, %mul3A_299 : i32
    %add3A_301 = arith.constant 0 : i32
    %add3A_302 = arith.addi %mul3A_300, %add3A_301 : i32
    %get3A_303 = arith.index_cast %add3A_302 : i32 to index
    %get3A_304 = tpu.vector_load %arg7[%get3A_303] {strides = array<i32>} : memref<2048xf32, #tpu.memory_space<vmem>>, vector<16xf32>,
    %add3A_305 = arith.constant 16 : i32
    %add3A_306 = arith.addi %mul3A_300, %add3A_305 : i32
    %get3A_307 = arith.index_cast %add3A_306 : i32 to index
    %get3A_308 = tpu.vector_load %arg7[%get3A_307] {strides = array<i32>} : memref<2048xf32, #tpu.memory_space<vmem>>, vector<16xf32>,
    %add3A_309 = arith.constant 32 : i32
    %add3A_310 = arith.addi %mul3A_300, %add3A_309 : i32
    %get3A_311 = arith.index_cast %add3A_310 : i32 to index
    %get3A_312 = tpu.vector_load %arg7[%get3A_311] {strides = array<i32>} : memref<2048xf32, #tpu.memory_space<vmem>>, vector<16xf32>,
    %add3A_313 = arith.constant 48 : i32
    %add3A_314 = arith.addi %mul3A_300, %add3A_313 : i32
    %get3A_315 = arith.index_cast %add3A_314 : i32 to index
    %get3A_316 = tpu.vector_load %arg7[%get3A_315] {strides = array<i32>} : memref<2048xf32, #tpu.memory_space<vmem>>, vector<16xf32>,
    %mul3A_317 = arith.constant 64 : i32
    %mul3A_318 = arith.muli %scan3A_274, %mul3A_317 : i32
    %rev3A_319 = arith.constant 15 : i32
    %rev3A_320 = vector.broadcast %rev3A_319 : i32 to vector<16xi32>
    %rev3A_321 = tpu.iota {dimensions = array<i32: 0>} : vector<16xi32>
    %rev3A_322 = arith.subi %rev3A_320, %rev3A_321 : vector<16xi32>
    %rev3A_323 = tpu.dynamic_gather %get3A_316[%rev3A_322] in [0] : vector<16xf32>, vector<16xi32> -> vector<16xf32>
    %max3A_324 = arith.maximumf %get3A_282, %rev3A_323 : vector<16xf32>
    %rev3A_325 = arith.constant 15 : i32
    %rev3A_326 = vector.broadcast %rev3A_325 : i32 to vector<16xi32>
    %rev3A_327 = tpu.iota {dimensions = array<i32: 0>} : vector<16xi32>
    %rev3A_328 = arith.subi %rev3A_326, %rev3A_327 : vector<16xi32>
    %rev3A_329 = tpu.dynamic_gather %get3A_312[%rev3A_328] in [0] : vector<16xf32>, vector<16xi32> -> vector<16xf32>
    %max3A_330 = arith.maximumf %get3A_286, %rev3A_329 : vector<16xf32>
    %rev3A_331 = arith.constant 15 : i32
    %rev3A_332 = vector.broadcast %rev3A_331 : i32 to vector<16xi32>
    %rev3A_333 = tpu.iota {dimensions = array<i32: 0>} : vector<16xi32>
    %rev3A_334 = arith.subi %rev3A_332, %rev3A_333 : vector<16xi32>
    %rev3A_335 = tpu.dynamic_gather %get3A_308[%rev3A_334] in [0] : vector<16xf32>, vector<16xi32> -> vector<16xf32>
    %max3A_336 = arith.maximumf %get3A_290, %rev3A_335 : vector<16xf32>
    %rev3A_337 = arith.constant 15 : i32
    %rev3A_338 = vector.broadcast %rev3A_337 : i32 to vector<16xi32>
    %rev3A_339 = tpu.iota {dimensions = array<i32: 0>} : vector<16xi32>
    %rev3A_340 = arith.subi %rev3A_338, %rev3A_339 : vector<16xi32>
    %rev3A_341 = tpu.dynamic_gather %get3A_304[%rev3A_340] in [0] : vector<16xf32>, vector<16xi32> -> vector<16xf32>
    %max3A_342 = arith.maximumf %get3A_294, %rev3A_341 : vector<16xf32>
    %min3A_343 = arith.minimumf %max3A_324, %max3A_336 : vector<16xf32>
    %max3A_344 = arith.maximumf %max3A_324, %max3A_336 : vector<16xf32>
    %min3A_345 = arith.minimumf %max3A_330, %max3A_342 : vector<16xf32>
    %max3A_346 = arith.maximumf %max3A_330, %max3A_342 : vector<16xf32>
    %min3A_347 = arith.minimumf %min3A_343, %min3A_345 : vector<16xf32>
    %max3A_348 = arith.maximumf %min3A_343, %min3A_345 : vector<16xf32>
    %min3A_349 = arith.minimumf %max3A_344, %max3A_346 : vector<16xf32>
    %max3A_350 = arith.maximumf %max3A_344, %max3A_346 : vector<16xf32>
    %sort3A_351 = arith.constant dense<true> : vector<16xi1>
    %sort3A_352, %sort3A_353, %sort3A_354 = tpu.sort %min3A_347, %min3A_347 masked %sort3A_351 : (vector<16xf32>, vector<16xf32>, vector<16xi1>) -> (vector<16xi1>, vector<16xf32>, vector<16xf32>)
    %sort3A_355 = arith.constant dense<true> : vector<16xi1>
    %sort3A_356, %sort3A_357, %sort3A_358 = tpu.sort %max3A_348, %max3A_348 masked %sort3A_355 : (vector<16xf32>, vector<16xf32>, vector<16xi1>) -> (vector<16xi1>, vector<16xf32>, vector<16xf32>)
    %sort3A_359 = arith.constant dense<true> : vector<16xi1>
    %sort3A_360, %sort3A_361, %sort3A_362 = tpu.sort %min3A_349, %min3A_349 masked %sort3A_359 : (vector<16xf32>, vector<16xf32>, vector<16xi1>) -> (vector<16xi1>, vector<16xf32>, vector<16xf32>)
    %sort3A_363 = arith.constant dense<true> : vector<16xi1>
    %sort3A_364, %sort3A_365, %sort3A_366 = tpu.sort %max3A_350, %max3A_350 masked %sort3A_363 : (vector<16xf32>, vector<16xf32>, vector<16xi1>) -> (vector<16xi1>, vector<16xf32>, vector<16xf32>)
    %add3A_367 = arith.constant 0 : i32
    %add3A_368 = arith.addi %mul3A_318, %add3A_367 : i32
    %swap3A_369 = arith.index_cast %add3A_368 : i32 to index
    %swap3A_370 = tpu.vector_load %arg8[%swap3A_369] {strides = array<i32>} : memref<1024xf32, #tpu.memory_space<vmem>>, vector<16xf32>,
    tpu.vector_store %arg8[%swap3A_369], %sort3A_353 {strides = array<i32>} : memref<1024xf32, #tpu.memory_space<vmem>>, vector<16xf32>,
    %add3A_371 = arith.constant 16 : i32
    %add3A_372 = arith.addi %mul3A_318, %add3A_371 : i32
    %swap3A_373 = arith.index_cast %add3A_372 : i32 to index
    %swap3A_374 = tpu.vector_load %arg8[%swap3A_373] {strides = array<i32>} : memref<1024xf32, #tpu.memory_space<vmem>>, vector<16xf32>,
    tpu.vector_store %arg8[%swap3A_373], %sort3A_357 {strides = array<i32>} : memref<1024xf32, #tpu.memory_space<vmem>>, vector<16xf32>,
    %add3A_375 = arith.constant 32 : i32
    %add3A_376 = arith.addi %mul3A_318, %add3A_375 : i32
    %swap3A_377 = arith.index_cast %add3A_376 : i32 to index
    %swap3A_378 = tpu.vector_load %arg8[%swap3A_377] {strides = array<i32>} : memref<1024xf32, #tpu.memory_space<vmem>>, vector<16xf32>,
    tpu.vector_store %arg8[%swap3A_377], %sort3A_361 {strides = array<i32>} : memref<1024xf32, #tpu.memory_space<vmem>>, vector<16xf32>,
    %add3A_379 = arith.constant 48 : i32
    %add3A_380 = arith.addi %mul3A_318, %add3A_379 : i32
    %swap3A_381 = arith.index_cast %add3A_380 : i32 to index
    %swap3A_382 = tpu.vector_load %arg8[%swap3A_381] {strides = array<i32>} : memref<1024xf32, #tpu.memory_space<vmem>>, vector<16xf32>,
    tpu.vector_store %arg8[%swap3A_381], %sort3A_365 {strides = array<i32>} : memref<1024xf32, #tpu.memory_space<vmem>>, vector<16xf32>,
    %scan3A_383 = arith.constant 1 : i32
    %get3A_384 = arith.constant 0 : index
    %get3A_385 = tpu.vector_load %arg8[%get3A_384] {strides = array<i32>} : memref<1024xf32, #tpu.memory_space<vmem>>, vector<16xf32>,
    %eq3A_386 = arith.constant 0xFF800000 : f32
    %eq3A_387 = vector.broadcast %eq3A_386 : f32 to vector<16xf32>
    %eq3A_388 = arith.cmpf oeq, %get3A_385, %eq3A_387 : vector<16xf32>
    %add3A_389 = arith.constant 5.000000e-01 : f32
    %add3A_390 = vector.broadcast %add3A_389 : f32 to vector<16xf32>
    %add3A_391 = arith.addf %get3A_385, %add3A_390 : vector<16xf32>
    %mul3A_392 = arith.constant 8.656170e+00 : f32
    %mul3A_393 = vector.broadcast %mul3A_392 : f32 to vector<16xf32>
    %mul3A_394 = arith.mulf %mul3A_393, %add3A_391 : vector<16xf32>
    %jit3A_395 = arith.constant 0x7FC00000 : f32
    %broadcast_in_dim3A_396 = vector.broadcast %jit3A_395 : f32 to vector<16xf32>
    %select_n3A_397 = arith.select %eq3A_388, %broadcast_in_dim3A_396, %mul3A_394 : vector<16xi1>, vector<16xf32>
    %swap3A_398 = arith.constant 0 : index
    %swap3A_399 = tpu.vector_load %arg9[%swap3A_398] {strides = array<i32>} : memref<64xf32, #tpu.memory_space<vmem>>, vector<16xf32>,
    tpu.vector_store %arg9[%swap3A_398], %select_n3A_397 {strides = array<i32>} : memref<64xf32, #tpu.memory_space<vmem>>, vector<16xf32>,
    %get3A_400 = arith.constant 16 : index
    %get3A_401 = tpu.vector_load %arg8[%get3A_400] {strides = array<i32>} : memref<1024xf32, #tpu.memory_space<vmem>>, vector<16xf32>,
    %eq3A_402 = arith.constant 0xFF800000 : f32
    %eq3A_403 = vector.broadcast %eq3A_402 : f32 to vector<16xf32>
    %eq3A_404 = arith.cmpf oeq, %get3A_401, %eq3A_403 : vector<16xf32>
    %add3A_405 = arith.constant 5.000000e-01 : f32
    %add3A_406 = vector.broadcast %add3A_405 : f32 to vector<16xf32>
    %add3A_407 = arith.addf %get3A_401, %add3A_406 : vector<16xf32>
    %mul3A_408 = arith.constant 8.656170e+00 : f32
    %mul3A_409 = vector.broadcast %mul3A_408 : f32 to vector<16xf32>
    %mul3A_410 = arith.mulf %mul3A_409, %add3A_407 : vector<16xf32>
    %jit3A_411 = arith.constant 0x7FC00000 : f32
    %broadcast_in_dim3A_412 = vector.broadcast %jit3A_411 : f32 to vector<16xf32>
    %select_n3A_413 = arith.select %eq3A_404, %broadcast_in_dim3A_412, %mul3A_410 : vector<16xi1>, vector<16xf32>
    %swap3A_414 = arith.constant 16 : index
    %swap3A_415 = tpu.vector_load %arg9[%swap3A_414] {strides = array<i32>} : memref<64xf32, #tpu.memory_space<vmem>>, vector<16xf32>,
    tpu.vector_store %arg9[%swap3A_414], %select_n3A_413 {strides = array<i32>} : memref<64xf32, #tpu.memory_space<vmem>>, vector<16xf32>,
    %get3A_416 = arith.constant 32 : index
    %get3A_417 = tpu.vector_load %arg8[%get3A_416] {strides = array<i32>} : memref<1024xf32, #tpu.memory_space<vmem>>, vector<16xf32>,
    %eq3A_418 = arith.constant 0xFF800000 : f32
    %eq3A_419 = vector.broadcast %eq3A_418 : f32 to vector<16xf32>
    %eq3A_420 = arith.cmpf oeq, %get3A_417, %eq3A_419 : vector<16xf32>
    %add3A_421 = arith.constant 5.000000e-01 : f32
    %add3A_422 = vector.broadcast %add3A_421 : f32 to vector<16xf32>
    %add3A_423 = arith.addf %get3A_417, %add3A_422 : vector<16xf32>
    %mul3A_424 = arith.constant 8.656170e+00 : f32
    %mul3A_425 = vector.broadcast %mul3A_424 : f32 to vector<16xf32>
    %mul3A_426 = arith.mulf %mul3A_425, %add3A_423 : vector<16xf32>
    %jit3A_427 = arith.constant 0x7FC00000 : f32
    %broadcast_in_dim3A_428 = vector.broadcast %jit3A_427 : f32 to vector<16xf32>
    %select_n3A_429 = arith.select %eq3A_420, %broadcast_in_dim3A_428, %mul3A_426 : vector<16xi1>, vector<16xf32>
    %swap3A_430 = arith.constant 32 : index
    %swap3A_431 = tpu.vector_load %arg9[%swap3A_430] {strides = array<i32>} : memref<64xf32, #tpu.memory_space<vmem>>, vector<16xf32>,
    tpu.vector_store %arg9[%swap3A_430], %select_n3A_429 {strides = array<i32>} : memref<64xf32, #tpu.memory_space<vmem>>, vector<16xf32>,
    %get3A_432 = arith.constant 48 : index
    %get3A_433 = tpu.vector_load %arg8[%get3A_432] {strides = array<i32>} : memref<1024xf32, #tpu.memory_space<vmem>>, vector<16xf32>,
    %eq3A_434 = arith.constant 0xFF800000 : f32
    %eq3A_435 = vector.broadcast %eq3A_434 : f32 to vector<16xf32>
    %eq3A_436 = arith.cmpf oeq, %get3A_433, %eq3A_435 : vector<16xf32>
    %add3A_437 = arith.constant 5.000000e-01 : f32
    %add3A_438 = vector.broadcast %add3A_437 : f32 to vector<16xf32>
    %add3A_439 = arith.addf %get3A_433, %add3A_438 : vector<16xf32>
    %mul3A_440 = arith.constant 8.656170e+00 : f32
    %mul3A_441 = vector.broadcast %mul3A_440 : f32 to vector<16xf32>
    %mul3A_442 = arith.mulf %mul3A_441, %add3A_439 : vector<16xf32>
    %jit3A_443 = arith.constant 0x7FC00000 : f32
    %broadcast_in_dim3A_444 = vector.broadcast %jit3A_443 : f32 to vector<16xf32>
    %select_n3A_445 = arith.select %eq3A_436, %broadcast_in_dim3A_444, %mul3A_442 : vector<16xi1>, vector<16xf32>
    %swap3A_446 = arith.constant 48 : index
    %swap3A_447 = tpu.vector_load %arg9[%swap3A_446] {strides = array<i32>} : memref<64xf32, #tpu.memory_space<vmem>>, vector<16xf32>,
    tpu.vector_store %arg9[%swap3A_446], %select_n3A_445 {strides = array<i32>} : memref<64xf32, #tpu.memory_space<vmem>>, vector<16xf32>,
    "tpu.region"() ({
      %run_scoped3A = tpu.sem_alloc : memref<!tpu.dma_semaphore, #tpu.memory_space<semaphore_mem>>
      %dma_start3A = arith.constant 0 : i32
      %dma_start3A_448 = tpu.memref_slice %arg4[%add3A_218, %dma_start3A] : memref<64x64xf32, #tpu.memory_space<hbm>> -> memref<1x64xf32, #tpu.memory_space<hbm>>
      %dma_start3A_449 = tpu.memref_squeeze %dma_start3A_448 : memref<1x64xf32, #tpu.memory_space<hbm>> -> memref<64xf32, #tpu.memory_space<hbm>>
      %dma_start3A_450 = arith.constant 0 : i32
      %dma_start3A_451 = tpu.memref_slice %arg4[%add3A_218, %dma_start3A_450] : memref<64x64xf32, #tpu.memory_space<hbm>> -> memref<1x64xf32, #tpu.memory_space<hbm>>
      %dma_start3A_452 = tpu.memref_squeeze %dma_start3A_451 : memref<1x64xf32, #tpu.memory_space<hbm>> -> memref<64xf32, #tpu.memory_space<hbm>>
      tpu.enqueue_dma source(%arg9 : memref<64xf32, #tpu.memory_space<vmem>>) target(%dma_start3A_452 : memref<64xf32, #tpu.memory_space<hbm>>) target_semaphore(%run_scoped3A : memref<!tpu.dma_semaphore, #tpu.memory_space<semaphore_mem>>)
      %dma_wait3A = arith.constant 0 : i32
      %dma_wait3A_453 = tpu.memref_slice %arg4[%add3A_218, %dma_wait3A] : memref<64x64xf32, #tpu.memory_space<hbm>> -> memref<1x64xf32, #tpu.memory_space<hbm>>
      %dma_wait3A_454 = tpu.memref_squeeze %dma_wait3A_453 : memref<1x64xf32, #tpu.memory_space<hbm>> -> memref<64xf32, #tpu.memory_space<hbm>>
      %dma_wait3A_455 = arith.constant 0 : i32
      %dma_wait3A_456 = tpu.memref_slice %arg4[%add3A_218, %dma_wait3A_455] : memref<64x64xf32, #tpu.memory_space<hbm>> -> memref<1x64xf32, #tpu.memory_space<hbm>>
      %dma_wait3A_457 = tpu.memref_squeeze %dma_wait3A_456 : memref<1x64xf32, #tpu.memory_space<hbm>> -> memref<64xf32, #tpu.memory_space<hbm>>
      tpu.wait_dma2 semaphore(%run_scoped3A : memref<!tpu.dma_semaphore, #tpu.memory_space<semaphore_mem>>) src(%arg9 : memref<64xf32, #tpu.memory_space<vmem>>) dst(%dma_wait3A_457 : memref<64xf32, #tpu.memory_space<hbm>>)
      tpu.yield
    }) : () -> ()
    return
  }
}

module attributes {stable_mosaic.version = 14 : i64} {
  func.func @_pair_body(%arg0: i32, %arg1: memref<2048x16xf32, #tpu.memory_space<vmem>>, %arg2: memref<2048x1xi32, #tpu.memory_space<vmem>>, %arg3: memref<64x64xf32, #tpu.memory_space<vmem>>, %arg4: memref<1x1xf32, #tpu.memory_space<vmem>>, %arg5: memref<1x1xf32, #tpu.memory_space<vmem>>) attributes {dimension_semantics = [#tpu.dimension_semantics<arbitrary>], iteration_bounds = array<i64: 4>, scalar_prefetch = 0 : i64, scratch_operands = 0 : i64, tpu.core_type = #tpu.core_type<tc>, window_params = [{transform_indices = @transform_0, window_bounds = array<i64: 2048, 16>}, {transform_indices = @transform_1, window_bounds = array<i64: 2048, 1>}, {pipeline_mode = #tpu.pipeline_mode<synchronous>, transform_indices = @transform_2, window_bounds = array<i64: 64, 64>}, {pipeline_mode = #tpu.pipeline_mode<synchronous>, transform_indices = @transform_3, window_bounds = array<i64: 1, 1>}, {pipeline_mode = #tpu.pipeline_mode<synchronous>, transform_indices = @transform_4, window_bounds = array<i64: 1, 1>}]} {
    %get3A = arith.constant 0 : index
    %get3A_0 = arith.constant 0 : index
    %get3A_1 = vector.load %arg1[%get3A, %get3A_0] : memref<2048x16xf32, #tpu.memory_space<vmem>>, vector<2048x16xf32>
    %mul3A = arith.constant 8.656170e+00 : f32
    %mul3A_2 = vector.broadcast %mul3A : f32 to vector<2048x16xf32>
    %mul3A_3 = arith.mulf %get3A_1, %mul3A_2 : vector<2048x16xf32>
    %broadcast_in_dim3A = arith.constant 0.000000e+00 : f32
    %broadcast_in_dim3A_4 = vector.broadcast %broadcast_in_dim3A : f32 to vector<2048x256xf32>
    %get3A_5 = arith.constant 0 : index
    %get3A_6 = arith.constant 0 : index
    %get3A_7 = vector.load %arg3[%get3A_5, %get3A_6] : memref<64x64xf32, #tpu.memory_space<vmem>>, vector<1x64xf32>
    %get3A_8 = arith.constant 16 : index
    %get3A_9 = arith.constant 0 : index
    %get3A_10 = vector.load %arg3[%get3A_8, %get3A_9] : memref<64x64xf32, #tpu.memory_space<vmem>>, vector<1x64xf32>
    %get3A_11 = arith.constant 32 : index
    %get3A_12 = arith.constant 0 : index
    %get3A_13 = vector.load %arg3[%get3A_11, %get3A_12] : memref<64x64xf32, #tpu.memory_space<vmem>>, vector<1x64xf32>
    %get3A_14 = arith.constant 48 : index
    %get3A_15 = arith.constant 0 : index
    %get3A_16 = vector.load %arg3[%get3A_14, %get3A_15] : memref<64x64xf32, #tpu.memory_space<vmem>>, vector<1x64xf32>
    %concatenate3A = tpu.concatenate %get3A_7, %get3A_10, %get3A_13, %get3A_16 in 1 : vector<1x64xf32>, vector<1x64xf32>, vector<1x64xf32>, vector<1x64xf32> -> vector<1x256xf32>
    %slice3A = vector.extract_strided_slice %mul3A_3 {offsets = [0, 0], sizes = [2048, 1], strides = [1, 1]} : vector<2048x16xf32> to vector<2048x1xf32>
    %sub3A = vector.broadcast %concatenate3A : vector<1x256xf32> to vector<2048x256xf32>
    %sub3A_17 = vector.broadcast %slice3A : vector<2048x1xf32> to vector<2048x256xf32>
    %sub3A_18 = arith.subf %sub3A, %sub3A_17 : vector<2048x256xf32>
    %exp23A = math.exp2 %sub3A_18 : vector<2048x256xf32>
    %add3A = arith.constant 1.000000e+00 : f32
    %add3A_19 = vector.broadcast %add3A : f32 to vector<2048x256xf32>
    %add3A_20 = arith.addf %add3A_19, %exp23A : vector<2048x256xf32>
    %log3A = math.log %add3A_20 : vector<2048x256xf32>
    %add3A_21 = arith.addf %broadcast_in_dim3A_4, %log3A : vector<2048x256xf32>
    %get3A_22 = arith.constant 1 : index
    %get3A_23 = arith.constant 0 : index
    %get3A_24 = vector.load %arg3[%get3A_22, %get3A_23] : memref<64x64xf32, #tpu.memory_space<vmem>>, vector<1x64xf32>
    %get3A_25 = arith.constant 17 : index
    %get3A_26 = arith.constant 0 : index
    %get3A_27 = vector.load %arg3[%get3A_25, %get3A_26] : memref<64x64xf32, #tpu.memory_space<vmem>>, vector<1x64xf32>
    %get3A_28 = arith.constant 33 : index
    %get3A_29 = arith.constant 0 : index
    %get3A_30 = vector.load %arg3[%get3A_28, %get3A_29] : memref<64x64xf32, #tpu.memory_space<vmem>>, vector<1x64xf32>
    %get3A_31 = arith.constant 49 : index
    %get3A_32 = arith.constant 0 : index
    %get3A_33 = vector.load %arg3[%get3A_31, %get3A_32] : memref<64x64xf32, #tpu.memory_space<vmem>>, vector<1x64xf32>
    %concatenate3A_34 = tpu.concatenate %get3A_24, %get3A_27, %get3A_30, %get3A_33 in 1 : vector<1x64xf32>, vector<1x64xf32>, vector<1x64xf32>, vector<1x64xf32> -> vector<1x256xf32>
    %slice3A_35 = vector.extract_strided_slice %mul3A_3 {offsets = [0, 1], sizes = [2048, 1], strides = [1, 1]} : vector<2048x16xf32> to vector<2048x1xf32>
    %sub3A_36 = vector.broadcast %concatenate3A_34 : vector<1x256xf32> to vector<2048x256xf32>
    %sub3A_37 = vector.broadcast %slice3A_35 : vector<2048x1xf32> to vector<2048x256xf32>
    %sub3A_38 = arith.subf %sub3A_36, %sub3A_37 : vector<2048x256xf32>
    %exp23A_39 = math.exp2 %sub3A_38 : vector<2048x256xf32>
    %add3A_40 = arith.constant 1.000000e+00 : f32
    %add3A_41 = vector.broadcast %add3A_40 : f32 to vector<2048x256xf32>
    %add3A_42 = arith.addf %add3A_41, %exp23A_39 : vector<2048x256xf32>
    %log3A_43 = math.log %add3A_42 : vector<2048x256xf32>
    %add3A_44 = arith.addf %add3A_21, %log3A_43 : vector<2048x256xf32>
    %get3A_45 = arith.constant 2 : index
    %get3A_46 = arith.constant 0 : index
    %get3A_47 = vector.load %arg3[%get3A_45, %get3A_46] : memref<64x64xf32, #tpu.memory_space<vmem>>, vector<1x64xf32>
    %get3A_48 = arith.constant 18 : index
    %get3A_49 = arith.constant 0 : index
    %get3A_50 = vector.load %arg3[%get3A_48, %get3A_49] : memref<64x64xf32, #tpu.memory_space<vmem>>, vector<1x64xf32>
    %get3A_51 = arith.constant 34 : index
    %get3A_52 = arith.constant 0 : index
    %get3A_53 = vector.load %arg3[%get3A_51, %get3A_52] : memref<64x64xf32, #tpu.memory_space<vmem>>, vector<1x64xf32>
    %get3A_54 = arith.constant 50 : index
    %get3A_55 = arith.constant 0 : index
    %get3A_56 = vector.load %arg3[%get3A_54, %get3A_55] : memref<64x64xf32, #tpu.memory_space<vmem>>, vector<1x64xf32>
    %concatenate3A_57 = tpu.concatenate %get3A_47, %get3A_50, %get3A_53, %get3A_56 in 1 : vector<1x64xf32>, vector<1x64xf32>, vector<1x64xf32>, vector<1x64xf32> -> vector<1x256xf32>
    %slice3A_58 = vector.extract_strided_slice %mul3A_3 {offsets = [0, 2], sizes = [2048, 1], strides = [1, 1]} : vector<2048x16xf32> to vector<2048x1xf32>
    %sub3A_59 = vector.broadcast %concatenate3A_57 : vector<1x256xf32> to vector<2048x256xf32>
    %sub3A_60 = vector.broadcast %slice3A_58 : vector<2048x1xf32> to vector<2048x256xf32>
    %sub3A_61 = arith.subf %sub3A_59, %sub3A_60 : vector<2048x256xf32>
    %exp23A_62 = math.exp2 %sub3A_61 : vector<2048x256xf32>
    %add3A_63 = arith.constant 1.000000e+00 : f32
    %add3A_64 = vector.broadcast %add3A_63 : f32 to vector<2048x256xf32>
    %add3A_65 = arith.addf %add3A_64, %exp23A_62 : vector<2048x256xf32>
    %log3A_66 = math.log %add3A_65 : vector<2048x256xf32>
    %add3A_67 = arith.addf %add3A_44, %log3A_66 : vector<2048x256xf32>
    %get3A_68 = arith.constant 3 : index
    %get3A_69 = arith.constant 0 : index
    %get3A_70 = vector.load %arg3[%get3A_68, %get3A_69] : memref<64x64xf32, #tpu.memory_space<vmem>>, vector<1x64xf32>
    %get3A_71 = arith.constant 19 : index
    %get3A_72 = arith.constant 0 : index
    %get3A_73 = vector.load %arg3[%get3A_71, %get3A_72] : memref<64x64xf32, #tpu.memory_space<vmem>>, vector<1x64xf32>
    %get3A_74 = arith.constant 35 : index
    %get3A_75 = arith.constant 0 : index
    %get3A_76 = vector.load %arg3[%get3A_74, %get3A_75] : memref<64x64xf32, #tpu.memory_space<vmem>>, vector<1x64xf32>
    %get3A_77 = arith.constant 51 : index
    %get3A_78 = arith.constant 0 : index
    %get3A_79 = vector.load %arg3[%get3A_77, %get3A_78] : memref<64x64xf32, #tpu.memory_space<vmem>>, vector<1x64xf32>
    %concatenate3A_80 = tpu.concatenate %get3A_70, %get3A_73, %get3A_76, %get3A_79 in 1 : vector<1x64xf32>, vector<1x64xf32>, vector<1x64xf32>, vector<1x64xf32> -> vector<1x256xf32>
    %slice3A_81 = vector.extract_strided_slice %mul3A_3 {offsets = [0, 3], sizes = [2048, 1], strides = [1, 1]} : vector<2048x16xf32> to vector<2048x1xf32>
    %sub3A_82 = vector.broadcast %concatenate3A_80 : vector<1x256xf32> to vector<2048x256xf32>
    %sub3A_83 = vector.broadcast %slice3A_81 : vector<2048x1xf32> to vector<2048x256xf32>
    %sub3A_84 = arith.subf %sub3A_82, %sub3A_83 : vector<2048x256xf32>
    %exp23A_85 = math.exp2 %sub3A_84 : vector<2048x256xf32>
    %add3A_86 = arith.constant 1.000000e+00 : f32
    %add3A_87 = vector.broadcast %add3A_86 : f32 to vector<2048x256xf32>
    %add3A_88 = arith.addf %add3A_87, %exp23A_85 : vector<2048x256xf32>
    %log3A_89 = math.log %add3A_88 : vector<2048x256xf32>
    %add3A_90 = arith.addf %add3A_67, %log3A_89 : vector<2048x256xf32>
    %get3A_91 = arith.constant 4 : index
    %get3A_92 = arith.constant 0 : index
    %get3A_93 = vector.load %arg3[%get3A_91, %get3A_92] : memref<64x64xf32, #tpu.memory_space<vmem>>, vector<1x64xf32>
    %get3A_94 = arith.constant 20 : index
    %get3A_95 = arith.constant 0 : index
    %get3A_96 = vector.load %arg3[%get3A_94, %get3A_95] : memref<64x64xf32, #tpu.memory_space<vmem>>, vector<1x64xf32>
    %get3A_97 = arith.constant 36 : index
    %get3A_98 = arith.constant 0 : index
    %get3A_99 = vector.load %arg3[%get3A_97, %get3A_98] : memref<64x64xf32, #tpu.memory_space<vmem>>, vector<1x64xf32>
    %get3A_100 = arith.constant 52 : index
    %get3A_101 = arith.constant 0 : index
    %get3A_102 = vector.load %arg3[%get3A_100, %get3A_101] : memref<64x64xf32, #tpu.memory_space<vmem>>, vector<1x64xf32>
    %concatenate3A_103 = tpu.concatenate %get3A_93, %get3A_96, %get3A_99, %get3A_102 in 1 : vector<1x64xf32>, vector<1x64xf32>, vector<1x64xf32>, vector<1x64xf32> -> vector<1x256xf32>
    %slice3A_104 = vector.extract_strided_slice %mul3A_3 {offsets = [0, 4], sizes = [2048, 1], strides = [1, 1]} : vector<2048x16xf32> to vector<2048x1xf32>
    %sub3A_105 = vector.broadcast %concatenate3A_103 : vector<1x256xf32> to vector<2048x256xf32>
    %sub3A_106 = vector.broadcast %slice3A_104 : vector<2048x1xf32> to vector<2048x256xf32>
    %sub3A_107 = arith.subf %sub3A_105, %sub3A_106 : vector<2048x256xf32>
    %exp23A_108 = math.exp2 %sub3A_107 : vector<2048x256xf32>
    %add3A_109 = arith.constant 1.000000e+00 : f32
    %add3A_110 = vector.broadcast %add3A_109 : f32 to vector<2048x256xf32>
    %add3A_111 = arith.addf %add3A_110, %exp23A_108 : vector<2048x256xf32>
    %log3A_112 = math.log %add3A_111 : vector<2048x256xf32>
    %add3A_113 = arith.addf %add3A_90, %log3A_112 : vector<2048x256xf32>
    %get3A_114 = arith.constant 5 : index
    %get3A_115 = arith.constant 0 : index
    %get3A_116 = vector.load %arg3[%get3A_114, %get3A_115] : memref<64x64xf32, #tpu.memory_space<vmem>>, vector<1x64xf32>
    %get3A_117 = arith.constant 21 : index
    %get3A_118 = arith.constant 0 : index
    %get3A_119 = vector.load %arg3[%get3A_117, %get3A_118] : memref<64x64xf32, #tpu.memory_space<vmem>>, vector<1x64xf32>
    %get3A_120 = arith.constant 37 : index
    %get3A_121 = arith.constant 0 : index
    %get3A_122 = vector.load %arg3[%get3A_120, %get3A_121] : memref<64x64xf32, #tpu.memory_space<vmem>>, vector<1x64xf32>
    %get3A_123 = arith.constant 53 : index
    %get3A_124 = arith.constant 0 : index
    %get3A_125 = vector.load %arg3[%get3A_123, %get3A_124] : memref<64x64xf32, #tpu.memory_space<vmem>>, vector<1x64xf32>
    %concatenate3A_126 = tpu.concatenate %get3A_116, %get3A_119, %get3A_122, %get3A_125 in 1 : vector<1x64xf32>, vector<1x64xf32>, vector<1x64xf32>, vector<1x64xf32> -> vector<1x256xf32>
    %slice3A_127 = vector.extract_strided_slice %mul3A_3 {offsets = [0, 5], sizes = [2048, 1], strides = [1, 1]} : vector<2048x16xf32> to vector<2048x1xf32>
    %sub3A_128 = vector.broadcast %concatenate3A_126 : vector<1x256xf32> to vector<2048x256xf32>
    %sub3A_129 = vector.broadcast %slice3A_127 : vector<2048x1xf32> to vector<2048x256xf32>
    %sub3A_130 = arith.subf %sub3A_128, %sub3A_129 : vector<2048x256xf32>
    %exp23A_131 = math.exp2 %sub3A_130 : vector<2048x256xf32>
    %add3A_132 = arith.constant 1.000000e+00 : f32
    %add3A_133 = vector.broadcast %add3A_132 : f32 to vector<2048x256xf32>
    %add3A_134 = arith.addf %add3A_133, %exp23A_131 : vector<2048x256xf32>
    %log3A_135 = math.log %add3A_134 : vector<2048x256xf32>
    %add3A_136 = arith.addf %add3A_113, %log3A_135 : vector<2048x256xf32>
    %get3A_137 = arith.constant 6 : index
    %get3A_138 = arith.constant 0 : index
    %get3A_139 = vector.load %arg3[%get3A_137, %get3A_138] : memref<64x64xf32, #tpu.memory_space<vmem>>, vector<1x64xf32>
    %get3A_140 = arith.constant 22 : index
    %get3A_141 = arith.constant 0 : index
    %get3A_142 = vector.load %arg3[%get3A_140, %get3A_141] : memref<64x64xf32, #tpu.memory_space<vmem>>, vector<1x64xf32>
    %get3A_143 = arith.constant 38 : index
    %get3A_144 = arith.constant 0 : index
    %get3A_145 = vector.load %arg3[%get3A_143, %get3A_144] : memref<64x64xf32, #tpu.memory_space<vmem>>, vector<1x64xf32>
    %get3A_146 = arith.constant 54 : index
    %get3A_147 = arith.constant 0 : index
    %get3A_148 = vector.load %arg3[%get3A_146, %get3A_147] : memref<64x64xf32, #tpu.memory_space<vmem>>, vector<1x64xf32>
    %concatenate3A_149 = tpu.concatenate %get3A_139, %get3A_142, %get3A_145, %get3A_148 in 1 : vector<1x64xf32>, vector<1x64xf32>, vector<1x64xf32>, vector<1x64xf32> -> vector<1x256xf32>
    %slice3A_150 = vector.extract_strided_slice %mul3A_3 {offsets = [0, 6], sizes = [2048, 1], strides = [1, 1]} : vector<2048x16xf32> to vector<2048x1xf32>
    %sub3A_151 = vector.broadcast %concatenate3A_149 : vector<1x256xf32> to vector<2048x256xf32>
    %sub3A_152 = vector.broadcast %slice3A_150 : vector<2048x1xf32> to vector<2048x256xf32>
    %sub3A_153 = arith.subf %sub3A_151, %sub3A_152 : vector<2048x256xf32>
    %exp23A_154 = math.exp2 %sub3A_153 : vector<2048x256xf32>
    %add3A_155 = arith.constant 1.000000e+00 : f32
    %add3A_156 = vector.broadcast %add3A_155 : f32 to vector<2048x256xf32>
    %add3A_157 = arith.addf %add3A_156, %exp23A_154 : vector<2048x256xf32>
    %log3A_158 = math.log %add3A_157 : vector<2048x256xf32>
    %add3A_159 = arith.addf %add3A_136, %log3A_158 : vector<2048x256xf32>
    %get3A_160 = arith.constant 7 : index
    %get3A_161 = arith.constant 0 : index
    %get3A_162 = vector.load %arg3[%get3A_160, %get3A_161] : memref<64x64xf32, #tpu.memory_space<vmem>>, vector<1x64xf32>
    %get3A_163 = arith.constant 23 : index
    %get3A_164 = arith.constant 0 : index
    %get3A_165 = vector.load %arg3[%get3A_163, %get3A_164] : memref<64x64xf32, #tpu.memory_space<vmem>>, vector<1x64xf32>
    %get3A_166 = arith.constant 39 : index
    %get3A_167 = arith.constant 0 : index
    %get3A_168 = vector.load %arg3[%get3A_166, %get3A_167] : memref<64x64xf32, #tpu.memory_space<vmem>>, vector<1x64xf32>
    %get3A_169 = arith.constant 55 : index
    %get3A_170 = arith.constant 0 : index
    %get3A_171 = vector.load %arg3[%get3A_169, %get3A_170] : memref<64x64xf32, #tpu.memory_space<vmem>>, vector<1x64xf32>
    %concatenate3A_172 = tpu.concatenate %get3A_162, %get3A_165, %get3A_168, %get3A_171 in 1 : vector<1x64xf32>, vector<1x64xf32>, vector<1x64xf32>, vector<1x64xf32> -> vector<1x256xf32>
    %slice3A_173 = vector.extract_strided_slice %mul3A_3 {offsets = [0, 7], sizes = [2048, 1], strides = [1, 1]} : vector<2048x16xf32> to vector<2048x1xf32>
    %sub3A_174 = vector.broadcast %concatenate3A_172 : vector<1x256xf32> to vector<2048x256xf32>
    %sub3A_175 = vector.broadcast %slice3A_173 : vector<2048x1xf32> to vector<2048x256xf32>
    %sub3A_176 = arith.subf %sub3A_174, %sub3A_175 : vector<2048x256xf32>
    %exp23A_177 = math.exp2 %sub3A_176 : vector<2048x256xf32>
    %add3A_178 = arith.constant 1.000000e+00 : f32
    %add3A_179 = vector.broadcast %add3A_178 : f32 to vector<2048x256xf32>
    %add3A_180 = arith.addf %add3A_179, %exp23A_177 : vector<2048x256xf32>
    %log3A_181 = math.log %add3A_180 : vector<2048x256xf32>
    %add3A_182 = arith.addf %add3A_159, %log3A_181 : vector<2048x256xf32>
    %get3A_183 = arith.constant 8 : index
    %get3A_184 = arith.constant 0 : index
    %get3A_185 = vector.load %arg3[%get3A_183, %get3A_184] : memref<64x64xf32, #tpu.memory_space<vmem>>, vector<1x64xf32>
    %get3A_186 = arith.constant 24 : index
    %get3A_187 = arith.constant 0 : index
    %get3A_188 = vector.load %arg3[%get3A_186, %get3A_187] : memref<64x64xf32, #tpu.memory_space<vmem>>, vector<1x64xf32>
    %get3A_189 = arith.constant 40 : index
    %get3A_190 = arith.constant 0 : index
    %get3A_191 = vector.load %arg3[%get3A_189, %get3A_190] : memref<64x64xf32, #tpu.memory_space<vmem>>, vector<1x64xf32>
    %get3A_192 = arith.constant 56 : index
    %get3A_193 = arith.constant 0 : index
    %get3A_194 = vector.load %arg3[%get3A_192, %get3A_193] : memref<64x64xf32, #tpu.memory_space<vmem>>, vector<1x64xf32>
    %concatenate3A_195 = tpu.concatenate %get3A_185, %get3A_188, %get3A_191, %get3A_194 in 1 : vector<1x64xf32>, vector<1x64xf32>, vector<1x64xf32>, vector<1x64xf32> -> vector<1x256xf32>
    %slice3A_196 = vector.extract_strided_slice %mul3A_3 {offsets = [0, 8], sizes = [2048, 1], strides = [1, 1]} : vector<2048x16xf32> to vector<2048x1xf32>
    %sub3A_197 = vector.broadcast %concatenate3A_195 : vector<1x256xf32> to vector<2048x256xf32>
    %sub3A_198 = vector.broadcast %slice3A_196 : vector<2048x1xf32> to vector<2048x256xf32>
    %sub3A_199 = arith.subf %sub3A_197, %sub3A_198 : vector<2048x256xf32>
    %exp23A_200 = math.exp2 %sub3A_199 : vector<2048x256xf32>
    %add3A_201 = arith.constant 1.000000e+00 : f32
    %add3A_202 = vector.broadcast %add3A_201 : f32 to vector<2048x256xf32>
    %add3A_203 = arith.addf %add3A_202, %exp23A_200 : vector<2048x256xf32>
    %log3A_204 = math.log %add3A_203 : vector<2048x256xf32>
    %add3A_205 = arith.addf %add3A_182, %log3A_204 : vector<2048x256xf32>
    %get3A_206 = arith.constant 9 : index
    %get3A_207 = arith.constant 0 : index
    %get3A_208 = vector.load %arg3[%get3A_206, %get3A_207] : memref<64x64xf32, #tpu.memory_space<vmem>>, vector<1x64xf32>
    %get3A_209 = arith.constant 25 : index
    %get3A_210 = arith.constant 0 : index
    %get3A_211 = vector.load %arg3[%get3A_209, %get3A_210] : memref<64x64xf32, #tpu.memory_space<vmem>>, vector<1x64xf32>
    %get3A_212 = arith.constant 41 : index
    %get3A_213 = arith.constant 0 : index
    %get3A_214 = vector.load %arg3[%get3A_212, %get3A_213] : memref<64x64xf32, #tpu.memory_space<vmem>>, vector<1x64xf32>
    %get3A_215 = arith.constant 57 : index
    %get3A_216 = arith.constant 0 : index
    %get3A_217 = vector.load %arg3[%get3A_215, %get3A_216] : memref<64x64xf32, #tpu.memory_space<vmem>>, vector<1x64xf32>
    %concatenate3A_218 = tpu.concatenate %get3A_208, %get3A_211, %get3A_214, %get3A_217 in 1 : vector<1x64xf32>, vector<1x64xf32>, vector<1x64xf32>, vector<1x64xf32> -> vector<1x256xf32>
    %slice3A_219 = vector.extract_strided_slice %mul3A_3 {offsets = [0, 9], sizes = [2048, 1], strides = [1, 1]} : vector<2048x16xf32> to vector<2048x1xf32>
    %sub3A_220 = vector.broadcast %concatenate3A_218 : vector<1x256xf32> to vector<2048x256xf32>
    %sub3A_221 = vector.broadcast %slice3A_219 : vector<2048x1xf32> to vector<2048x256xf32>
    %sub3A_222 = arith.subf %sub3A_220, %sub3A_221 : vector<2048x256xf32>
    %exp23A_223 = math.exp2 %sub3A_222 : vector<2048x256xf32>
    %add3A_224 = arith.constant 1.000000e+00 : f32
    %add3A_225 = vector.broadcast %add3A_224 : f32 to vector<2048x256xf32>
    %add3A_226 = arith.addf %add3A_225, %exp23A_223 : vector<2048x256xf32>
    %log3A_227 = math.log %add3A_226 : vector<2048x256xf32>
    %add3A_228 = arith.addf %add3A_205, %log3A_227 : vector<2048x256xf32>
    %get3A_229 = arith.constant 10 : index
    %get3A_230 = arith.constant 0 : index
    %get3A_231 = vector.load %arg3[%get3A_229, %get3A_230] : memref<64x64xf32, #tpu.memory_space<vmem>>, vector<1x64xf32>
    %get3A_232 = arith.constant 26 : index
    %get3A_233 = arith.constant 0 : index
    %get3A_234 = vector.load %arg3[%get3A_232, %get3A_233] : memref<64x64xf32, #tpu.memory_space<vmem>>, vector<1x64xf32>
    %get3A_235 = arith.constant 42 : index
    %get3A_236 = arith.constant 0 : index
    %get3A_237 = vector.load %arg3[%get3A_235, %get3A_236] : memref<64x64xf32, #tpu.memory_space<vmem>>, vector<1x64xf32>
    %get3A_238 = arith.constant 58 : index
    %get3A_239 = arith.constant 0 : index
    %get3A_240 = vector.load %arg3[%get3A_238, %get3A_239] : memref<64x64xf32, #tpu.memory_space<vmem>>, vector<1x64xf32>
    %concatenate3A_241 = tpu.concatenate %get3A_231, %get3A_234, %get3A_237, %get3A_240 in 1 : vector<1x64xf32>, vector<1x64xf32>, vector<1x64xf32>, vector<1x64xf32> -> vector<1x256xf32>
    %slice3A_242 = vector.extract_strided_slice %mul3A_3 {offsets = [0, 10], sizes = [2048, 1], strides = [1, 1]} : vector<2048x16xf32> to vector<2048x1xf32>
    %sub3A_243 = vector.broadcast %concatenate3A_241 : vector<1x256xf32> to vector<2048x256xf32>
    %sub3A_244 = vector.broadcast %slice3A_242 : vector<2048x1xf32> to vector<2048x256xf32>
    %sub3A_245 = arith.subf %sub3A_243, %sub3A_244 : vector<2048x256xf32>
    %exp23A_246 = math.exp2 %sub3A_245 : vector<2048x256xf32>
    %add3A_247 = arith.constant 1.000000e+00 : f32
    %add3A_248 = vector.broadcast %add3A_247 : f32 to vector<2048x256xf32>
    %add3A_249 = arith.addf %add3A_248, %exp23A_246 : vector<2048x256xf32>
    %log3A_250 = math.log %add3A_249 : vector<2048x256xf32>
    %add3A_251 = arith.addf %add3A_228, %log3A_250 : vector<2048x256xf32>
    %get3A_252 = arith.constant 11 : index
    %get3A_253 = arith.constant 0 : index
    %get3A_254 = vector.load %arg3[%get3A_252, %get3A_253] : memref<64x64xf32, #tpu.memory_space<vmem>>, vector<1x64xf32>
    %get3A_255 = arith.constant 27 : index
    %get3A_256 = arith.constant 0 : index
    %get3A_257 = vector.load %arg3[%get3A_255, %get3A_256] : memref<64x64xf32, #tpu.memory_space<vmem>>, vector<1x64xf32>
    %get3A_258 = arith.constant 43 : index
    %get3A_259 = arith.constant 0 : index
    %get3A_260 = vector.load %arg3[%get3A_258, %get3A_259] : memref<64x64xf32, #tpu.memory_space<vmem>>, vector<1x64xf32>
    %get3A_261 = arith.constant 59 : index
    %get3A_262 = arith.constant 0 : index
    %get3A_263 = vector.load %arg3[%get3A_261, %get3A_262] : memref<64x64xf32, #tpu.memory_space<vmem>>, vector<1x64xf32>
    %concatenate3A_264 = tpu.concatenate %get3A_254, %get3A_257, %get3A_260, %get3A_263 in 1 : vector<1x64xf32>, vector<1x64xf32>, vector<1x64xf32>, vector<1x64xf32> -> vector<1x256xf32>
    %slice3A_265 = vector.extract_strided_slice %mul3A_3 {offsets = [0, 11], sizes = [2048, 1], strides = [1, 1]} : vector<2048x16xf32> to vector<2048x1xf32>
    %sub3A_266 = vector.broadcast %concatenate3A_264 : vector<1x256xf32> to vector<2048x256xf32>
    %sub3A_267 = vector.broadcast %slice3A_265 : vector<2048x1xf32> to vector<2048x256xf32>
    %sub3A_268 = arith.subf %sub3A_266, %sub3A_267 : vector<2048x256xf32>
    %exp23A_269 = math.exp2 %sub3A_268 : vector<2048x256xf32>
    %add3A_270 = arith.constant 1.000000e+00 : f32
    %add3A_271 = vector.broadcast %add3A_270 : f32 to vector<2048x256xf32>
    %add3A_272 = arith.addf %add3A_271, %exp23A_269 : vector<2048x256xf32>
    %log3A_273 = math.log %add3A_272 : vector<2048x256xf32>
    %add3A_274 = arith.addf %add3A_251, %log3A_273 : vector<2048x256xf32>
    %get3A_275 = arith.constant 12 : index
    %get3A_276 = arith.constant 0 : index
    %get3A_277 = vector.load %arg3[%get3A_275, %get3A_276] : memref<64x64xf32, #tpu.memory_space<vmem>>, vector<1x64xf32>
    %get3A_278 = arith.constant 28 : index
    %get3A_279 = arith.constant 0 : index
    %get3A_280 = vector.load %arg3[%get3A_278, %get3A_279] : memref<64x64xf32, #tpu.memory_space<vmem>>, vector<1x64xf32>
    %get3A_281 = arith.constant 44 : index
    %get3A_282 = arith.constant 0 : index
    %get3A_283 = vector.load %arg3[%get3A_281, %get3A_282] : memref<64x64xf32, #tpu.memory_space<vmem>>, vector<1x64xf32>
    %get3A_284 = arith.constant 60 : index
    %get3A_285 = arith.constant 0 : index
    %get3A_286 = vector.load %arg3[%get3A_284, %get3A_285] : memref<64x64xf32, #tpu.memory_space<vmem>>, vector<1x64xf32>
    %concatenate3A_287 = tpu.concatenate %get3A_277, %get3A_280, %get3A_283, %get3A_286 in 1 : vector<1x64xf32>, vector<1x64xf32>, vector<1x64xf32>, vector<1x64xf32> -> vector<1x256xf32>
    %slice3A_288 = vector.extract_strided_slice %mul3A_3 {offsets = [0, 12], sizes = [2048, 1], strides = [1, 1]} : vector<2048x16xf32> to vector<2048x1xf32>
    %sub3A_289 = vector.broadcast %concatenate3A_287 : vector<1x256xf32> to vector<2048x256xf32>
    %sub3A_290 = vector.broadcast %slice3A_288 : vector<2048x1xf32> to vector<2048x256xf32>
    %sub3A_291 = arith.subf %sub3A_289, %sub3A_290 : vector<2048x256xf32>
    %exp23A_292 = math.exp2 %sub3A_291 : vector<2048x256xf32>
    %add3A_293 = arith.constant 1.000000e+00 : f32
    %add3A_294 = vector.broadcast %add3A_293 : f32 to vector<2048x256xf32>
    %add3A_295 = arith.addf %add3A_294, %exp23A_292 : vector<2048x256xf32>
    %log3A_296 = math.log %add3A_295 : vector<2048x256xf32>
    %add3A_297 = arith.addf %add3A_274, %log3A_296 : vector<2048x256xf32>
    %get3A_298 = arith.constant 13 : index
    %get3A_299 = arith.constant 0 : index
    %get3A_300 = vector.load %arg3[%get3A_298, %get3A_299] : memref<64x64xf32, #tpu.memory_space<vmem>>, vector<1x64xf32>
    %get3A_301 = arith.constant 29 : index
    %get3A_302 = arith.constant 0 : index
    %get3A_303 = vector.load %arg3[%get3A_301, %get3A_302] : memref<64x64xf32, #tpu.memory_space<vmem>>, vector<1x64xf32>
    %get3A_304 = arith.constant 45 : index
    %get3A_305 = arith.constant 0 : index
    %get3A_306 = vector.load %arg3[%get3A_304, %get3A_305] : memref<64x64xf32, #tpu.memory_space<vmem>>, vector<1x64xf32>
    %get3A_307 = arith.constant 61 : index
    %get3A_308 = arith.constant 0 : index
    %get3A_309 = vector.load %arg3[%get3A_307, %get3A_308] : memref<64x64xf32, #tpu.memory_space<vmem>>, vector<1x64xf32>
    %concatenate3A_310 = tpu.concatenate %get3A_300, %get3A_303, %get3A_306, %get3A_309 in 1 : vector<1x64xf32>, vector<1x64xf32>, vector<1x64xf32>, vector<1x64xf32> -> vector<1x256xf32>
    %slice3A_311 = vector.extract_strided_slice %mul3A_3 {offsets = [0, 13], sizes = [2048, 1], strides = [1, 1]} : vector<2048x16xf32> to vector<2048x1xf32>
    %sub3A_312 = vector.broadcast %concatenate3A_310 : vector<1x256xf32> to vector<2048x256xf32>
    %sub3A_313 = vector.broadcast %slice3A_311 : vector<2048x1xf32> to vector<2048x256xf32>
    %sub3A_314 = arith.subf %sub3A_312, %sub3A_313 : vector<2048x256xf32>
    %exp23A_315 = math.exp2 %sub3A_314 : vector<2048x256xf32>
    %add3A_316 = arith.constant 1.000000e+00 : f32
    %add3A_317 = vector.broadcast %add3A_316 : f32 to vector<2048x256xf32>
    %add3A_318 = arith.addf %add3A_317, %exp23A_315 : vector<2048x256xf32>
    %log3A_319 = math.log %add3A_318 : vector<2048x256xf32>
    %add3A_320 = arith.addf %add3A_297, %log3A_319 : vector<2048x256xf32>
    %get3A_321 = arith.constant 14 : index
    %get3A_322 = arith.constant 0 : index
    %get3A_323 = vector.load %arg3[%get3A_321, %get3A_322] : memref<64x64xf32, #tpu.memory_space<vmem>>, vector<1x64xf32>
    %get3A_324 = arith.constant 30 : index
    %get3A_325 = arith.constant 0 : index
    %get3A_326 = vector.load %arg3[%get3A_324, %get3A_325] : memref<64x64xf32, #tpu.memory_space<vmem>>, vector<1x64xf32>
    %get3A_327 = arith.constant 46 : index
    %get3A_328 = arith.constant 0 : index
    %get3A_329 = vector.load %arg3[%get3A_327, %get3A_328] : memref<64x64xf32, #tpu.memory_space<vmem>>, vector<1x64xf32>
    %get3A_330 = arith.constant 62 : index
    %get3A_331 = arith.constant 0 : index
    %get3A_332 = vector.load %arg3[%get3A_330, %get3A_331] : memref<64x64xf32, #tpu.memory_space<vmem>>, vector<1x64xf32>
    %concatenate3A_333 = tpu.concatenate %get3A_323, %get3A_326, %get3A_329, %get3A_332 in 1 : vector<1x64xf32>, vector<1x64xf32>, vector<1x64xf32>, vector<1x64xf32> -> vector<1x256xf32>
    %slice3A_334 = vector.extract_strided_slice %mul3A_3 {offsets = [0, 14], sizes = [2048, 1], strides = [1, 1]} : vector<2048x16xf32> to vector<2048x1xf32>
    %sub3A_335 = vector.broadcast %concatenate3A_333 : vector<1x256xf32> to vector<2048x256xf32>
    %sub3A_336 = vector.broadcast %slice3A_334 : vector<2048x1xf32> to vector<2048x256xf32>
    %sub3A_337 = arith.subf %sub3A_335, %sub3A_336 : vector<2048x256xf32>
    %exp23A_338 = math.exp2 %sub3A_337 : vector<2048x256xf32>
    %add3A_339 = arith.constant 1.000000e+00 : f32
    %add3A_340 = vector.broadcast %add3A_339 : f32 to vector<2048x256xf32>
    %add3A_341 = arith.addf %add3A_340, %exp23A_338 : vector<2048x256xf32>
    %log3A_342 = math.log %add3A_341 : vector<2048x256xf32>
    %add3A_343 = arith.addf %add3A_320, %log3A_342 : vector<2048x256xf32>
    %get3A_344 = arith.constant 15 : index
    %get3A_345 = arith.constant 0 : index
    %get3A_346 = vector.load %arg3[%get3A_344, %get3A_345] : memref<64x64xf32, #tpu.memory_space<vmem>>, vector<1x64xf32>
    %get3A_347 = arith.constant 31 : index
    %get3A_348 = arith.constant 0 : index
    %get3A_349 = vector.load %arg3[%get3A_347, %get3A_348] : memref<64x64xf32, #tpu.memory_space<vmem>>, vector<1x64xf32>
    %get3A_350 = arith.constant 47 : index
    %get3A_351 = arith.constant 0 : index
    %get3A_352 = vector.load %arg3[%get3A_350, %get3A_351] : memref<64x64xf32, #tpu.memory_space<vmem>>, vector<1x64xf32>
    %get3A_353 = arith.constant 63 : index
    %get3A_354 = arith.constant 0 : index
    %get3A_355 = vector.load %arg3[%get3A_353, %get3A_354] : memref<64x64xf32, #tpu.memory_space<vmem>>, vector<1x64xf32>
    %concatenate3A_356 = tpu.concatenate %get3A_346, %get3A_349, %get3A_352, %get3A_355 in 1 : vector<1x64xf32>, vector<1x64xf32>, vector<1x64xf32>, vector<1x64xf32> -> vector<1x256xf32>
    %slice3A_357 = vector.extract_strided_slice %mul3A_3 {offsets = [0, 15], sizes = [2048, 1], strides = [1, 1]} : vector<2048x16xf32> to vector<2048x1xf32>
    %sub3A_358 = vector.broadcast %concatenate3A_356 : vector<1x256xf32> to vector<2048x256xf32>
    %sub3A_359 = vector.broadcast %slice3A_357 : vector<2048x1xf32> to vector<2048x256xf32>
    %sub3A_360 = arith.subf %sub3A_358, %sub3A_359 : vector<2048x256xf32>
    %exp23A_361 = math.exp2 %sub3A_360 : vector<2048x256xf32>
    %add3A_362 = arith.constant 1.000000e+00 : f32
    %add3A_363 = vector.broadcast %add3A_362 : f32 to vector<2048x256xf32>
    %add3A_364 = arith.addf %add3A_363, %exp23A_361 : vector<2048x256xf32>
    %log3A_365 = math.log %add3A_364 : vector<2048x256xf32>
    %add3A_366 = arith.addf %add3A_343, %log3A_365 : vector<2048x256xf32>
    %reduce_sum3A = arith.constant dense<0.000000e+00> : vector<2048xf32>
    %reduce_sum3A_367 = vector.multi_reduction <add>, %add3A_366, %reduce_sum3A [1] : vector<2048x256xf32> to vector<2048xf32>
    %get3A_368 = arith.constant 0 : index
    %get3A_369 = arith.constant 0 : index
    %get3A_370 = vector.load %arg2[%get3A_368, %get3A_369] : memref<2048x1xi32, #tpu.memory_space<vmem>>, vector<2048x1xi32>
    %squeeze3A = vector.shape_cast %get3A_370 : vector<2048x1xi32> to vector<2048xi32>
    %ne3A = arith.constant 16 : i32
    %ne3A_371 = vector.broadcast %ne3A : i32 to vector<2048xi32>
    %ne3A_372 = arith.cmpi ne, %squeeze3A, %ne3A_371 : vector<2048xi32>
    %convert_element_type3A = arith.extui %ne3A_372 : vector<2048xi1> to vector<2048xi32>
    %convert_element_type3A_373 = arith.sitofp %convert_element_type3A : vector<2048xi32> to vector<2048xf32>
    %mul3A_374 = arith.mulf %reduce_sum3A_367, %convert_element_type3A_373 : vector<2048xf32>
    %reduce_sum3A_375 = vector.shape_cast %mul3A_374 : vector<2048xf32> to vector<1x2048xf32>
    %reduce_sum3A_376 = arith.constant dense<0.000000e+00> : vector<1xf32>
    %reduce_sum3A_377 = vector.multi_reduction <add>, %reduce_sum3A_375, %reduce_sum3A_376 [1] : vector<1x2048xf32> to vector<1xf32>
    %reduce_sum3A_378 = vector.shape_cast %reduce_sum3A_377 : vector<1xf32> to vector<1x1xf32>
    %reduce_sum3A_379 = vector.extract %reduce_sum3A_378[0, 0] : f32 from vector<1x1xf32>
    %reduce_sum3A_380 = vector.shape_cast %convert_element_type3A_373 : vector<2048xf32> to vector<1x2048xf32>
    %reduce_sum3A_381 = arith.constant dense<0.000000e+00> : vector<1xf32>
    %reduce_sum3A_382 = vector.multi_reduction <add>, %reduce_sum3A_380, %reduce_sum3A_381 [1] : vector<1x2048xf32> to vector<1xf32>
    %reduce_sum3A_383 = vector.shape_cast %reduce_sum3A_382 : vector<1xf32> to vector<1x1xf32>
    %reduce_sum3A_384 = vector.extract %reduce_sum3A_383[0, 0] : f32 from vector<1x1xf32>
    %eq3A = arith.constant 0 : i32
    %eq3A_385 = arith.cmpi eq, %arg0, %eq3A : i32
    %convert_element_type3A_386 = arith.extui %eq3A_385 : i1 to i32
    %cond3A = arith.constant 0 : i32
    %cond3A_387 = arith.cmpi ne, %convert_element_type3A_386, %cond3A : i32
    scf.if %cond3A_387 {
      %broadcast_in_dim3A_402 = arith.constant 0.000000e+00 : f32
      %broadcast_in_dim3A_403 = vector.broadcast %broadcast_in_dim3A_402 : f32 to vector<1x1xf32>
      %swap3A_404 = arith.constant 0 : index
      %swap3A_405 = arith.constant 0 : index
      %swap3A_406 = vector.load %arg4[%swap3A_404, %swap3A_405] : memref<1x1xf32, #tpu.memory_space<vmem>>, vector<1x1xf32>
      tpu.vector_store %arg4[%swap3A_404, %swap3A_405], %broadcast_in_dim3A_403 {strides = array<i32>} : memref<1x1xf32, #tpu.memory_space<vmem>>, vector<1x1xf32>,
      %broadcast_in_dim3A_407 = arith.constant 0.000000e+00 : f32
      %broadcast_in_dim3A_408 = vector.broadcast %broadcast_in_dim3A_407 : f32 to vector<1x1xf32>
      %swap3A_409 = arith.constant 0 : index
      %swap3A_410 = arith.constant 0 : index
      %swap3A_411 = vector.load %arg5[%swap3A_409, %swap3A_410] : memref<1x1xf32, #tpu.memory_space<vmem>>, vector<1x1xf32>
      tpu.vector_store %arg5[%swap3A_409, %swap3A_410], %broadcast_in_dim3A_408 {strides = array<i32>} : memref<1x1xf32, #tpu.memory_space<vmem>>, vector<1x1xf32>,
    } else {
    }
    %get3A_388 = arith.constant 0 : index
    %get3A_389 = arith.constant 0 : index
    %get3A_390 = vector.load %arg4[%get3A_388, %get3A_389] : memref<1x1xf32, #tpu.memory_space<vmem>>, vector<1x1xf32>
    %reshape3A = vector.broadcast %reduce_sum3A_379 : f32 to vector<1x1xf32>
    %add3A_391 = arith.addf %get3A_390, %reshape3A : vector<1x1xf32>
    %swap3A = arith.constant 0 : index
    %swap3A_392 = arith.constant 0 : index
    %swap3A_393 = vector.load %arg4[%swap3A, %swap3A_392] : memref<1x1xf32, #tpu.memory_space<vmem>>, vector<1x1xf32>
    tpu.vector_store %arg4[%swap3A, %swap3A_392], %add3A_391 {strides = array<i32>} : memref<1x1xf32, #tpu.memory_space<vmem>>, vector<1x1xf32>,
    %get3A_394 = arith.constant 0 : index
    %get3A_395 = arith.constant 0 : index
    %get3A_396 = vector.load %arg5[%get3A_394, %get3A_395] : memref<1x1xf32, #tpu.memory_space<vmem>>, vector<1x1xf32>
    %reshape3A_397 = vector.broadcast %reduce_sum3A_384 : f32 to vector<1x1xf32>
    %add3A_398 = arith.addf %get3A_396, %reshape3A_397 : vector<1x1xf32>
    %swap3A_399 = arith.constant 0 : index
    %swap3A_400 = arith.constant 0 : index
    %swap3A_401 = vector.load %arg5[%swap3A_399, %swap3A_400] : memref<1x1xf32, #tpu.memory_space<vmem>>, vector<1x1xf32>
    tpu.vector_store %arg5[%swap3A_399, %swap3A_400], %add3A_398 {strides = array<i32>} : memref<1x1xf32, #tpu.memory_space<vmem>>, vector<1x1xf32>,
    return
  }
  func.func @transform_0(%arg0: i32) -> (i32, i32) {
    %c0_i32 = arith.constant 0 : i32
    %c0_i32_0 = arith.constant 0 : i32
    return %arg0, %c0_i32 : i32, i32
  }
  func.func @transform_1(%arg0: i32) -> (i32, i32) {
    %c0_i32 = arith.constant 0 : i32
    %c0_i32_0 = arith.constant 0 : i32
    return %arg0, %c0_i32 : i32, i32
  }
  func.func @transform_2(%arg0: i32) -> (i32, i32) {
    %c0_i32 = arith.constant 0 : i32
    %c0_i32_0 = arith.constant 0 : i32
    %c0_i32_1 = arith.constant 0 : i32
    return %c0_i32, %c0_i32_0 : i32, i32
  }
  func.func @transform_3(%arg0: i32) -> (i32, i32) {
    %c0_i32 = arith.constant 0 : i32
    %c0_i32_0 = arith.constant 0 : i32
    %c0_i32_1 = arith.constant 0 : i32
    return %c0_i32, %c0_i32_0 : i32, i32
  }
  func.func @transform_4(%arg0: i32) -> (i32, i32) {
    %c0_i32 = arith.constant 0 : i32
    %c0_i32_0 = arith.constant 0 : i32
    %c0_i32_1 = arith.constant 0 : i32
    return %c0_i32, %c0_i32_0 : i32, i32
  }
}

</mosaic_0001>

<sc_bundles>
// kernel: kernel.4.cloned.1.call-start
scs
__scs_entry_jumppad:
0x0: {  	(pc) =	sbr.rel $0x88, $3  }
0x1: {  	(tag) =	ssettag $0x0;
	lr =	simm.s32 $0x1  }
0x2: {  	[smem:$0x3F9F] =	sst lr;
	_ =	strace $0xD0000000  }
0x3: {  	_ = 	snop  }
0x4: {  	_ = 	snop  }
0x5: {  	_ = 	snop  }
0x6: {  	_ = 	snop  }
0x7: {  	_ = 	snop  }
__scs_overlays_trampoline_lowered:
0x8: {  	[smem:$0x3FAE] =	sst s0  }
0x9: {  	[smem:$0x3FAF] =	sst s1  }
0xa: {  	[smem:$0x3FB0] =	sst s2  }
0xb: {  	[smem:$0x3FB1] =	sst s3  }
0xc: {  	[smem:$0x3FB2] =	sst s4  }
0xd: {  	[smem:$0x3FB3] =	sst s5  }
0xe: {  	[smem:$0x3FB4] =	sst s6  }
0xf: {  	[smem:$0x3FB5] =	sst s7  }
0x10: {  	[smem:$0x3FB6] =	sst s8  }
0x11: {  	[smem:$0x3FB7] =	sst s9;
	s0 =	simm.s32 @!p0 $0x0  }
0x12: {  	s1 =	sld [smem:$0x3F9D];
	s0 =	simm.s32 @p0 $0x1  }
0x13: {  	[smem:$0x3FB8] =	sst s0;
	s0 =	simm.s32 @!p1 $0x0  }
0x14: {  	s2 =	sld [smem:$0x3F9C];
	s0 =	simm.s32 @p1 $0x1  }
0x15: {  	[smem:$0x3FB9] =	sst s0;
	s0 =	simm.s32 @!p2 $0x0  }
0x16: {  	s3 =	sld [smem:$0x3FDB];
	s0 =	simm.s32 @p2 $0x1  }
0x17: {  	s4 =	simm.s32 $0x1BF5;
	[smem:$0x3FBB] =	sst s0  }
0x18: {  	s0 =	sld [smem:$0x3F9E];
	_ =	swait.ge [sflag:s4], $0x0  }
0x19: {  	s7 =	sld [smem:$0x3F9F]  }
0x1a: {  	s8 =	sadd.s32 $0xFFFFE003, lr  }
0x1b: {  	s9 =	sadd.s32 $0xFFFFFEF7, lr;
	s5 =	simm.s32 $0xFFFFFFFF;
	p2 =	slt.u32 s8, $0xFFFFF086  }
0x1c: {  	p1 =	slt.u32 s9, $0xF7A;
	s5 =	simm.s32 @!p2 $0x0  }
0x1d: {  	s5 =	simm.s32 @p1 $0x1;
	p0 =	seq.s32 s7, s2  }
0x1e: {  	s7 =	smul.u32 @!p0 $0xF7A, s2;
	p2 =	seq.s32 @!p0 s5, $0x0  }
0x1f: {  	s9 =	smul.u32 $0xF7A, s1;
	s8 =	simm.s32 @!p0 $0x1BF5;
	p2 =	por !p2, p0  }
0x20: {  	[sflag:s8] =	ssyncset.s32 @!p0 $0xFFFFF086;
	s6 =	sadd.s32 @!p0 s3, s7;
	s7 =	simm.s32 @!p0 $0x108  }
0x21: {  	s3 =	sadd.s32 s3, s9;
	s6 =	sadd.s32 @!p0 $0x88, s6;
	s7 =	simm.s32 @p2 $0x1082  }
0x22: {  	[simem:s7], [sflag:s8] =	dma.local @!p0 [hbm:s6], $0xF7A  }
0x23: {  	s9 =	sor.u32 $0xD0000000, s2;
	s6 =	simm.s32 $0x108;
	_ =	swait.ge @!p0 [sflag:s8], $0x0  }
0x24: {  	s3 =	sadd.s32 $0x88, s3;
	s6 =	simm.s32 @!p1 $0x1082;
	[sflag:s4] =	ssyncset.s32 $0xFFFFF086  }
0x25: {  	[simem:s6], [sflag:s4] =	dma.local [hbm:s3], $0xF7A  }
0x26: {  	[smem:$0x3F9F] =	sst s1;
	(tag) =	ssettag s2;
	_ =	strace s9  }
0x27: {  	s1 =	sld [smem:$0x3FAF]  }
0x28: {  	s2 =	sld [smem:$0x3FB0]  }
0x29: {  	s4 =	sld [smem:$0x3FB2]  }
0x2a: {  	p0 =	seq.s32 s5, $0x0;
	s5 =	sld [smem:$0x3FB3]  }
0x2b: {  	s6 =	sld [smem:$0x3FB4]  }
0x2c: {  	s7 =	sld [smem:$0x3FB5]  }
0x2d: {  	s3 =	simm.s32 $0x108;
	s8 =	sld [smem:$0x3FB6]  }
0x2e: {  	s3 =	simm.s32 @!p0 $0x1082;
	s9 =	sld [smem:$0x3FB7]  }
0x2f: {  	lr =	sadd.s32 s0, s3;
	s0 =	sld [smem:$0x3FAE]  }
0x30: {  	s3 =	sld [smem:$0x3FB1]  }
0x31: {  	[smem:$0x3FBA] =	sst s10  }
0x32: {  	s10 =	sld [smem:$0x3FB8];
	_ =	sdelay $0x3  }
0x33: {  	p0 =	seq.s32 s10, $0x1;
	s10 =	sld [smem:$0x3FBA];
	_ =	sdelay $0x3  }
0x34: {  	[smem:$0x3FBA] =	sst s10  }
0x35: {  	s10 =	sld [smem:$0x3FB9];
	_ =	sdelay $0x3  }
0x36: {  	p1 =	seq.s32 s10, $0x1;
	s10 =	sld [smem:$0x3FBA];
	_ =	sdelay $0x3  }
0x37: {  	[smem:$0x3FBA] =	sst s10  }
0x38: {  	s10 =	sld [smem:$0x3FBB]  }
0x39: {  	_ = 	snop;
	(pc) =	sbr.ind lr, $3  }
0x3a: {  	_ = 	snop  }
0x3b: {  	_ = 	snop  }
0x3c: {  	p2 =	seq.s32 s10, $0x1;
	s10 =	sld [smem:$0x3FBA]  }
0x3d: {  	_ =	shalt  }
0x3e: {  	_ =	shalt  }
0x3f: {  	_ =	shalt  }
0x40: {  	_ =	shalt  }
0x41: {  	_ =	shalt  }
0x42: {  	_ =	shalt  }
0x43: {  	_ =	shalt  }
0x44: {  	_ =	shalt  }
0x45: {  	_ =	shalt  }
0x46: {  	_ =	shalt  }
0x47: {  	_ =	shalt  }
0x48: {  	_ =	shalt  }
0x49: {  	_ =	shalt  }
0x4a: {  	_ =	shalt  }
0x4b: {  	_ =	shalt  }
0x4c: {  	_ =	shalt  }
0x4d: {  	_ =	shalt  }
0x4e: {  	_ =	shalt  }
0x4f: {  	_ =	shalt  }
0x50: {  	_ =	shalt  }
0x51: {  	_ =	shalt  }
0x52: {  	_ =	shalt  }
0x53: {  	_ =	shalt  }
0x54: {  	_ =	shalt  }
0x55: {  	_ =	shalt  }
0x56: {  	_ =	shalt  }
0x57: {  	_ =	shalt  }
0x58: {  	_ =	shalt  }
0x59: {  	_ =	shalt  }
0x5a: {  	_ =	shalt  }
0x5b: {  	_ =	shalt  }
0x5c: {  	_ =	shalt  }
0x5d: {  	_ =	shalt  }
0x5e: {  	_ =	shalt  }
0x5f: {  	_ =	shalt  }
0x60: {  	_ =	shalt  }
0x61: {  	_ =	shalt  }
0x62: {  	_ =	shalt  }
0x63: {  	_ =	shalt  }
0x64: {  	_ =	shalt  }
0x65: {  	_ =	shalt  }
0x66: {  	_ =	shalt  }
0x67: {  	_ =	shalt  }
0x68: {  	_ =	shalt  }
0x69: {  	_ =	shalt  }
0x6a: {  	_ =	shalt  }
0x6b: {  	_ =	shalt  }
0x6c: {  	_ =	shalt  }
0x6d: {  	_ =	shalt  }
0x6e: {  	_ =	shalt  }
0x6f: {  	_ =	shalt  }
0x70: {  	_ =	shalt  }
0x71: {  	_ =	shalt  }
0x72: {  	_ =	shalt  }
0x73: {  	_ =	shalt  }
0x74: {  	_ =	shalt  }
0x75: {  	_ =	shalt  }
0x76: {  	_ =	shalt  }
0x77: {  	_ =	shalt  }
0x78: {  	_ =	shalt  }
0x79: {  	_ =	shalt  }
0x7a: {  	_ =	shalt  }
0x7b: {  	_ =	shalt  }
0x7c: {  	_ =	shalt  }
0x7d: {  	_ =	shalt  }
0x7e: {  	_ =	shalt  }
0x7f: {  	_ =	shalt  }
0x80: {  	_ =	shalt  }
0x81: {  	_ =	shalt  }
0x82: {  	_ =	shalt  }
0x83: {  	_ =	shalt  }
0x84: {  	_ =	shalt  }
0x85: {  	_ =	shalt  }
0x86: {  	_ =	shalt  }
0x87: {  	_ =	shalt  }
.Lfunc_end0:
.L_simem_size_0:
called_computation_lowered:
.L_overlay_start_0:
0x88: {  	s2 =	sld [smem:$0x3FD9]  }
0x89: {  	s3 =	sld [smem:$0x3FFE];
	_ =	sdelay $0x1  }
0x8a: {  	s1 =	srdreg.scid  }
0x8b: {  	s0 =	sand.u32 $0x1, s1  }
0x8c: {  	s17 =	sshll.u32 s0, $0xA;
	s2 =	sadd.s32 s3, s2  }
0x8d: {  	s2 =	sadd.s32 s2, s17  }
0x8e: {  	[smem:$0x3FC6] =	sst s2  }
0x8f: {  	_ = 	snop  }
0x90: {  	s2 =	sld [smem:$0x3FC9]  }
0x91: {  	s18 =	sld [smem:$0x3FC8];
	(tm) =	ssettm $0x1  }
0x92: {  	s4 =	sld [smem:$0x3FFB];
	_ =	sdelay $0x3  }
0x93: {  	_ =	strace s4  }
0x94: {  	s4 =	sld [smem:$0x3FFC];
	_ =	sdelay $0x3  }
0x95: {  	_ =	strace s4  }
0x96: {  	s4 =	sld [smem:$0x3FFD];
	_ =	sdelay $0x3  }
0x97: {  	_ =	strace s4  }
0x98: {  	_ =	strace $0x8FFFFFFF  }
0x99: {  	s19 =	sld [smem:$0x3FDB];
	_ =	sdelay $0x1  }
0x9a: {  	s5 =	simm.s32 $_scs_section_size  }
0x9b: {  	s6 =	simm.s32 $_size__tile_overlayer_lowered;
	s7 =	simm.s32 $_tile_overlayer_lowered  }
0x9c: {  	s22 =	simm.s32 $0x1BFF;
	s21 =	sshll.u32 s7, $0x1;
	s4 =	sadd.s32 s5, s19  }
0x9d: {  	s8 =	simm.s32 $0x0;
	s20 =	sshll.u32 s6, $0x1;
	s6 =	sadd.s32 s21, s4  }
0x9e: {  	[timem:s8], [sflag:s22] =	dma.local [hbm:s6], s20  }
0x9f: {  	_ =	swait.ge [sflag:s22], s20  }
0xa0: {  	s5 =	ssub.s32 $0x0, s20;
	[sflag:s22] =	ssyncset.done $0x0  }
0xa1: {  	[sflag:s22] =	ssyncadd.s32 s5;
	_ =	sdelay $0x1  }
0xa2: {  	s23 =	simm.s32 $0x1B8B  }
0xa3: {  	_ =	swait.ge [sflag:s23], $0x1  }
0xa4: {  	[sflag:s23] =	ssyncset.done $0x0  }
0xa5: {  	s25 =	simm.s32 $0x1B8E;
	s24 =	sld [smem:$0x3FFE];
	[sflag:s23] =	ssyncadd.s32 $0xFFFFFFFF  }
0xa6: {  	s26 =	simm.s32 $execute0_lowered;
	[smem:$0x3FD2] =	sst s25  }
0xa7: {  	s6 =	sshll.u32 s26, $0x1;
	_ =	strace $0x80000046;
	[dreg:$0x1] =	wrdreg $0xFFFFFFFF  }
0xa8: {  	s28 =	simm.s32 $_size_execute0_lowered;
	s4 =	sadd.s32 s4, s6;
	[dreg:$0x0] =	wrdreg $0x0  }
0xa9: {  	s6 =	sshll.u32 s28, $0x1;
	[dreg:$0x2] =	wrdreg s4  }
0xaa: {  	[dreg:$0x3] =	wrdreg s6  }
0xab: {  	[dreg:$0x4] =	wrdreg $0xC0  }
0xac: {  	_ =	task [dreg:s8], $0x5FFFF  }
0xad: {  	[dreg:$0x1] =	wrdreg $0xFFFFFFFF  }
0xae: {  	[dreg:$0x0] =	wrdreg $0x60  }
0xaf: {  	[dreg:$0x2] =	wrdreg s2  }
0xb0: {  	[dreg:$0x3] =	wrdreg s18  }
0xb1: {  	[dreg:$0x4] =	wrdreg s24  }
0xb2: {  	[dreg:$0x5] =	wrdreg $0x9  }
0xb3: {  	_ =	task.clear_ibuf [dreg:s8], $0x6FFFF;
	_ =	strace $0x90000046  }
0xb4: {  	s29 =	simm.s32 $0x9;
	_ =	strace $0x80000048  }
0xb5: {  	_ =	swait.ge [sflag:s29], $0x1  }
0xb6: {  	[sflag:s29] =	ssyncadd.s32 $0xFFFFFFFF  }
0xb7: {  	_ =	strace $0x90000048  }
0xb8: {  	_ =	sfence  }
0xb9: {  	s30 =	sld [smem:$0x0];
	_ =	sdelay $0x2  }
0xba: {  	s31 =	sshll.u32 s1, $0xD;
	s1 =	sshrl.u32 s1, $0x2  }
0xbb: {  	s3 =	sand.u32 $0x4000, s31;
	s1 =	sadd.s32 s1, s30  }
0xbc: {  	s0 =	sor.u32 s3, s0;
	s1 =	sshll.u32 s1, $0x11  }
0xbd: {  	s0 =	sor.u32 s1, s0  }
0xbe: {  	s0 =	sadd.s32 $0x8F2B, s0  }
0xbf: {  	[sflag:s0] =	ssyncadd.remote.s32 $0x1  }
0xc0: {  	_ =	sfence.sel $0xFFFF  }
0xc1: {  	[dreg:$0x0] =	wrdreg $0xFFFFFFFF;
	(pc) =	sbr.abs _section_cstart, $3  }
0xc2: {  	[dreg:$0x1] =	wrdreg $0xFFFFFFFF  }
0xc3: {  	_ =	task.clear_ibuf [dreg:s8], $0x2FFFF;
	_ =	strace $0x9FFFFFFF  }
0xc4: {  	(tm) =	ssettm $0x7FFFFFFF  }
0xc5: {  	_ =	shalt  }
tec
execute0_lowered:
.L_overlay_start_1:
0x0: {  	(tag) =	ssettag $0x1  }
0x1: {  	s6 =	rddreg [dreg:$0x0]  }
0x2: {  	s7 =	rddreg [dreg:$0x1]  }
0x3: {  	s1 =	srdreg.scid;
	s0 =	stileid.u32  }
0x4: {  	s3 =	rddreg [dreg:$0x2];
	s2 =	simm.s32 $0x0;
	s14 =	simm.s32 $0x800  }
0x5: {  	s15 =	simm.s32 $0x1C00;
	s4 =	sand.u32 $0x1, s1;
	s1 =	rddreg [dreg:$0x3]  }
0x6: {  	s16 =	simm.s32 $0x0;
	s5 =	sshll.u32 s0, $0x1;
	[smem:$0x7FF] =	sst s2  }
0x7: {  	s9 =	sshrl.u32 s0, $0x2;
	s13 =	sadd.s32 $0xA00, s3;
	s8 =	sor.u32 s4, s5  }
0x8: {  	s4 =	ssub.s32 $0x2, s4;
	s11 =	sshll.u32 s9, $0xE;
	_ =	strace $0x80000047  }
0x9: {  	s26 =	sshll.u32 s9, $0xA;
	s5 =	sand.u32 $0x10, s5;
	s10 =	sshll.u32 s8, $0x7  }
0xa: {  	s12 =	sshrl.u32 s4, $0x1;
	s8 =	sor.u32 $0x20, s8;
	s10 =	sand.u32 $0x380, s10  }
0xb: {  	s12 =	ssub.s32 s4, s12;
	s28 =	sshrl.u32 s8, $0x3;
	s4 =	sadd.s32 s7, s5  }
0xc: {  	s8 =	sand.u32 $0x30, s8;
	s11 =	sor.u32 s11, s10;
	s9 =	sor.u32 s26, s10  }
0xd: {  	s30 =	sshll.u32 s28, $0xE;
	s7 =	sadd.s32 s7, s8;
	s25 =	sshrl.u32 s11, $0x3  }
0xe: {  	s29 =	sshrl.u32 s9, $0x3;
	s9 =	sor.u32 s10, s30;
	s11 =	sshll.u32 s28, $0xA  }
0xf: {  	v0 =	vlaneseq.u32;
	s3 =	sadd.s32 s6, s25;
	s5 =	sadd.s32 s13, s29;
	s9 =	sshrl.u32 s9, $0x3  }
0x10: {  	v0 =	vmul.u32 $0xFFFFFFFF, v0;
	s10 =	sor.u32 s10, s11;
	s11 =	simm.s32 $0x400;
	s6 =	sadd.s32 s6, s9  }
0x11: {  	s31 =	sshrl.u32 s10, $0x3;
	s9 =	smax.u32 s12, $0x1;
	s10 =	simm.s32 $0x80  }
0x12: {  	v0 =	vadd.s32 $0xF, v0;
	s12 =	simm.s32 $0x1;
	s8 =	sadd.s32 s13, s31;
	s13 =	simm.s32 $0x200  }
.LBB2_1:
0x13: {  	[tilespmem:s2], [sflag:$0x1] =	stream.strided.gather [hbm4b:s3+s10], $0x800, s11, s10, $0x38;
	[tilespmem:$0x1C80] =	vst v63  }
0x14: {  	_ =	swait.ge [sflag:s12], $0x800  }
0x15: {  	[sflag:s12] =	ssyncset.done $0x0  }
0x16: {  	[sflag:s12] =	ssyncadd.s32 $0xFFFFF800  }
0x17: {  	[tilespmem:s14], [sflag:$0x1] =	stream.strided.gather [hbm4b:s4+s10], $0x800, s13, s10, $0x38;
	[tilespmem:$0x1C80] =	vst v63  }
0x18: {  	_ =	swait.ge [sflag:s12], $0x800  }
0x19: {  	[sflag:s12] =	ssyncset.done $0x0  }
0x1a: {  	s17 =	simm.s32 $0x0;
	[sflag:s12] =	ssyncadd.s32 $0xFFFFF800  }
0x1b: {  	v1 =	vld [tilespmem:s17+$0x10]  }
0x1c: {  	v2 =	vld [tilespmem:s17+$0x810]  }
0x1d: {  	v3 =	vld [tilespmem:s17+$0x830]  }
0x1e: {  	v4 =	vld [tilespmem:s17+$0x30]  }
0x1f: {  	v5 =	vld [tilespmem:s17+$0x820]  }
0x20: {  	v6 =	vld [tilespmem:s17+$0x20]  }
0x21: {  	v7 =	vld [tilespmem:s17+$0x800];
	vm0 =	veq.s32 v2, $0x10  }
0x22: {  	vm1 =	veq.s32 v3, $0x10;
	v2 =	vld [tilespmem:s17+$0x0];
	v1 =	vnsel vm0, $0xFF800000, v1  }
0x23: {  	v3 =	vnsel vm1, $0xFF800000, v4;
	(xrf1) =	vsort.ascd.msk.f32 $0xffff, v1, v1  }
0x24: {  	s18 =	simm.s32 $0x40;
	vm10 =	veq.s32 v5, $0x10;
	(xrf1) =	vsort.ascd.msk.f32 $0xffff, v3, v3  }
0x25: {  	v5 =	vld [tilespmem:s18+$0x820];
	v1 =	vnsel vm10, $0xFF800000, v6  }
0x26: {  	vm11 =	veq.s32 v7, $0x10;
	v3 =	vld [tilespmem:s18+$0x810];
	(xrf1) =	vsort.ascd.msk.f32 $0xffff, v1, v1  }
0x27: {  	v1 =	vld [tilespmem:s18+$0x10];
	v2 =	vnsel vm11, $0xFF800000, v2  }
0x28: {  	(xrf1) =	vsort.ascd.msk.f32 $0xffff, v2, v2;
	v2 =	vld [tilespmem:s18+$0x830]  }
0x29: {  	v4 =	vld [tilespmem:s18+$0x30]  }
0x2a: {  	v6 =	vld [tilespmem:s18+$0x20];
	_ =	sdelay $0x1  }
0x2b: {  	vm12 =	veq.s32 v3, $0x10  }
0x2c: {  	v7 =	vld [tilespmem:s18+$0x800];
	v1 =	vnsel vm12, $0xFF800000, v1;
	vm13 =	veq.s32 v2, $0x10  }
0x2d: {  	vm14 =	veq.s32 v5, $0x10;
	(xrf1) =	vsort.ascd.msk.f32 $0xffff, v1, v1;
	v2 =	vld [tilespmem:s18+$0x0];
	v3 =	vnsel vm13, $0xFF800000, v4  }
0x2e: {  	v1 =	vnsel vm14, $0xFF800000, v6;
	(xrf1) =	vsort.ascd.msk.f32 $0xffff, v3, v3;
	_ =	sdelay $0x1  }
0x2f: {  	s19 =	simm.s32 $0x80;
	(xrf1) =	vsort.ascd.msk.f32 $0xffff, v1, v1;
	v3, _, _ =	vpop (xrf1)  }
0x30: {  	vm15 =	veq.s32 v7, $0x10;
	v5 =	vld [tilespmem:s19+$0x810];
	v1, _, _ =	vpop (xrf1)  }
0x31: {  	v4 =	vld [tilespmem:s19+$0x10];
	v2 =	vnsel vm15, $0xFF800000, v2;
	v1 =	vperm.xlane v1, v0  }
0x32: {  	(xrf1) =	vsort.ascd.msk.f32 $0xffff, v2, v2;
	v2 =	vld [tilespmem:s19+$0x830];
	v6, _, _ =	vpop (xrf1)  }
0x33: {  	v8 =	vld [tilespmem:s19+$0x30];
	v3 =	vperm.xlane v3, v0;
	v7 =	vmin.f32 v6, v1  }
0x34: {  	v1 =	vmax.f32 v6, v1;
	v6, _, _ =	vpop (xrf1);
	(xrf1) =	vsort.ascd.msk.f32 $0xffff, v7, v7  }
0x35: {  	v7 =	vld [tilespmem:s19+$0x820];
	v9 =	vmin.f32 v6, v3;
	(xrf1) =	vsort.ascd.msk.f32 $0xffff, v1, v1  }
0x36: {  	vm4 =	veq.s32 v5, $0x10;
	v3 =	vmax.f32 v6, v3;
	v6 =	vld [tilespmem:s19+$0x800];
	(xrf1) =	vsort.ascd.msk.f32 $0xffff, v9, v9  }
0x37: {  	v1 =	vld [tilespmem:s19+$0x20];
	vm5 =	veq.s32 v2, $0x10;
	(xrf1) =	vsort.ascd.msk.f32 $0xffff, v3, v3;
	v3 =	vnsel vm4, $0xFF800000, v4  }
0x38: {  	v2 =	vld [tilespmem:s19+$0x0];
	v4 =	vnsel vm5, $0xFF800000, v8  }
0x39: {  	(xrf1) =	vsort.ascd.msk.f32 $0xffff, v3, v3  }
0x3a: {  	s20 =	simm.s32 $0xC0;
	(xrf1) =	vsort.ascd.msk.f32 $0xffff, v4, v4;
	v3, _, _ =	vpop (xrf1)  }
0x3b: {  	v5 =	vld [tilespmem:s20+$0x810];
	vm6 =	veq.s32 v7, $0x10;
	v4, _, _ =	vpop (xrf1)  }
0x3c: {  	vm7 =	veq.s32 v6, $0x10;
	v7 =	vld [tilespmem:s20+$0x830];
	v1 =	vnsel vm6, $0xFF800000, v1;
	v4 =	vperm.xlane v4, v0  }
0x3d: {  	v2 =	vnsel vm7, $0xFF800000, v2;
	(xrf1) =	vsort.ascd.msk.f32 $0xffff, v1, v1;
	v1 =	vld [tilespmem:s20+$0x10];
	v6, _, _ =	vpop (xrf1)  }
0x3e: {  	(xrf1) =	vsort.ascd.msk.f32 $0xffff, v2, v2;
	v2 =	vld [tilespmem:s20+$0x820];
	v8 =	vmin.f32 v6, v4  }
0x3f: {  	v3 =	vperm.xlane v3, v0;
	(xrf1) =	vsort.ascd.msk.f32 $0xffff, v8, v8;
	v8 =	vld [tilespmem:s20+$0x20]  }
0x40: {  	v9 =	vld [tilespmem:s20+$0x30];
	v4 =	vmax.f32 v6, v4;
	v6, _, _ =	vpop (xrf1)  }
0x41: {  	v10 =	vmin.f32 v6, v3;
	v3 =	vmax.f32 v6, v3  }
0x42: {  	vm8 =	veq.s32 v5, $0x10;
	(xrf1) =	vsort.ascd.msk.f32 $0xffff, v4, v4  }
0x43: {  	v6 =	vld [tilespmem:s20+$0x800];
	v1 =	vnsel vm8, $0xFF800000, v1;
	(xrf1) =	vsort.ascd.msk.f32 $0xffff, v10, v10;
	vm10 =	veq.s32 v2, $0x10;
	v4, _, _ =	vpop (xrf1)  }
0x44: {  	vm9 =	veq.s32 v7, $0x10;
	(xrf1) =	vsort.ascd.msk.f32 $0xffff, v3, v3;
	v3, _, _ =	vpop (xrf1);
	v8 =	vnsel vm10, $0xFF800000, v8  }
0x45: {  	v5 =	vld [tilespmem:s20+$0x0];
	v2 =	vnsel vm9, $0xFF800000, v9;
	v4 =	vperm.xlane v4, v0;
	(xrf1) =	vsort.ascd.msk.f32 $0xffff, v1, v1;
	v3 =	vperm.xlane v3, v0;
	v7, _, _ =	vpop (xrf1)  }
0x46: {  	(xrf1) =	vsort.ascd.msk.f32 $0xffff, v2, v2;
	v1, _, _ =	vpop (xrf1)  }
0x47: {  	(xrf1) =	vsort.ascd.msk.f32 $0xffff, v8, v8;
	v2 =	vmax.f32 v7, v3;
	v9 =	vmax.f32 v1, v4;
	v8, _, _ =	vpop (xrf1)  }
0x48: {  	vm11 =	veq.s32 v6, $0x10;
	v10 =	vmax.f32 v2, v9;
	v2 =	vmin.f32 v2, v9;
	v6, _, _ =	vpop (xrf1)  }
0x49: {  	(xrf1) =	vsort.ascd.msk.f32 $0xffff, v10, v10;
	v6 =	vperm.xlane v6, v0  }
0x4a: {  	s21 =	simm.s32 $0x100;
	v5 =	vnsel vm11, $0xFF800000, v5;
	v3 =	vmin.f32 v7, v3;
	v1 =	vmin.f32 v1, v4;
	(xrf1) =	vsort.ascd.msk.f32 $0xffff, v2, v2  }
0x4b: {  	v7 =	vld [tilespmem:s21+$0x10];
	v9 =	vmin.f32 v3, v1;
	v2, _, _ =	vpop (xrf1);
	(xrf1) =	vsort.ascd.msk.f32 $0xffff, v5, v5  }
0x4c: {  	v4 =	vld [tilespmem:s21+$0x810];
	v8 =	vperm.xlane v8, v0;
	v11 =	vmin.f32 v2, v6;
	(xrf1) =	vsort.ascd.msk.f32 $0xffff, v9, v9  }
0x4d: {  	v10 =	vld [tilespmem:s21+$0x830];
	v2 =	vmax.f32 v2, v6;
	(xrf1) =	vsort.ascd.msk.f32 $0xffff, v11, v11;
	v6, _, _ =	vpop (xrf1)  }
0x4e: {  	v5 =	vld [tilespmem:s21+$0x820];
	(xrf1) =	vsort.ascd.msk.f32 $0xffff, v2, v2;
	v2 =	vmin.f32 v6, v8  }
0x4f: {  	v9 =	vld [tilespmem:s21+$0x30]  }
0x50: {  	v11 =	vld [tilespmem:s21+$0x20]  }
0x51: {  	v1 =	vmax.f32 v3, v1;
	v3 =	vld [tilespmem:s21+$0x800];
	vm12 =	veq.s32 v4, $0x10;
	v6 =	vmax.f32 v6, v8;
	(xrf1) =	vsort.ascd.msk.f32 $0xffff, v2, v2;
	v2, _, _ =	vpop (xrf1)  }
0x52: {  	v7 =	vnsel vm12, $0xFF800000, v7;
	(xrf1) =	vsort.ascd.msk.f32 $0xffff, v6, v6;
	v6 =	vld [tilespmem:s21+$0x0];
	v4, _, _ =	vpop (xrf1)  }
0x53: {  	vm13 =	veq.s32 v10, $0x10;
	(xrf1) =	vsort.ascd.msk.f32 $0xffff, v1, v1;
	v8 =	vperm.xlane v2, v0;
	v4 =	vperm.xlane v4, v0;
	v2, _, _ =	vpop (xrf1)  }
0x54: {  	vm14 =	veq.s32 v5, $0x10;
	v1 =	vnsel vm13, $0xFF800000, v9;
	(xrf1) =	vsort.ascd.msk.f32 $0xffff, v7, v7;
	v5, _, _ =	vpop (xrf1)  }
0x55: {  	v7 =	vnsel vm14, $0xFF800000, v11;
	(xrf1) =	vsort.ascd.msk.f32 $0xffff, v1, v1;
	v9 =	vmax.f32 v2, v4;
	v10 =	vmax.f32 v5, v8  }
0x56: {  	vm15 =	veq.s32 v3, $0x10;
	(xrf1) =	vsort.ascd.msk.f32 $0xffff, v7, v7;
	v7 =	vmax.f32 v9, v10  }
0x57: {  	s22 =	simm.s32 $0x140;
	v11, _, _ =	vpop (xrf1);
	v9 =	vmin.f32 v9, v10;
	v10 =	vnsel vm15, $0xFF800000, v6;
	(xrf1) =	vsort.ascd.msk.f32 $0xffff, v7, v7  }
0x58: {  	v1 =	vld [tilespmem:s22+$0x10];
	v4 =	vmin.f32 v2, v4;
	v8 =	vmin.f32 v5, v8;
	v3, _, _ =	vpop (xrf1);
	(xrf1) =	vsort.ascd.msk.f32 $0xffff, v9, v9  }
0x59: {  	v2 =	vld [tilespmem:s22+$0x810];
	v12 =	vmin.f32 v4, v8;
	v6 =	vperm.xlane v3, v0;
	v7, _, _ =	vpop (xrf1);
	(xrf1) =	vsort.ascd.msk.f32 $0xffff, v10, v10  }
0x5a: {  	v5 =	vld [tilespmem:s22+$0x830];
	v10, _, _ =	vpop (xrf1);
	(xrf1) =	vsort.ascd.msk.f32 $0xffff, v12, v12  }
0x5b: {  	s23 =	simm.s32 $0x600;
	v3 =	vmax.f32 v4, v8;
	v4 =	vld [tilespmem:s22+$0x820];
	v8 =	vperm.xlane v11, v0;
	v9 =	vmin.f32 v7, v6;
	[tilespmem:s17+$0x1030] =	vst v10;
	v10, _, _ =	vpop (xrf1)  }
.LBB2_2:
0x5c: {  	_ = 	snop  }
0x5d: {  	p0 =	sne.s32 s23, $0x1F00;
	v11 =	vld [tilespmem:s22+$0x30];
	v12 =	vmax.f32 v7, v6;
	v7, _, _ =	vpop (xrf1);
	[tilespmem:s17+$0x1020] =	vst v10;
	(xrf1) =	vsort.ascd.msk.f32 $0xffff, v9, v9  }
0x5e: {  	v10 =	vmin.f32 v7, v8;
	v9 =	vld [tilespmem:s22+$0x20];
	(xrf1) =	vsort.ascd.msk.f32 $0xffff, v12, v12;
	v6, _, _ =	vpop (xrf1)  }
0x5f: {  	v7 =	vmax.f32 v7, v8;
	(xrf1) =	vsort.ascd.msk.f32 $0xffff, v10, v10;
	v8, _, _ =	vpop (xrf1);
	[tilespmem:s17+$0x1000] =	vst v6  }
0x60: {  	vm0 =	veq.s32 v2, $0x10;
	vm1 =	veq.s32 v5, $0x10;
	v6 =	vld [tilespmem:s22+$0x800];
	(xrf1) =	vsort.ascd.msk.f32 $0xffff, v7, v7;
	v2, _, _ =	vpop (xrf1)  }
0x61: {  	v1 =	vnsel vm0, $0xFF800000, v1;
	v7 =	vperm.xlane v8, v0;
	v5 =	vld [tilespmem:s22+$0x0];
	v2 =	vperm.xlane v2, v0;
	v8, _, _ =	vpop (xrf1);
	(xrf1) =	vsort.ascd.msk.f32 $0xffff, v3, v3  }
0x62: {  	vm0 =	veq.s32 v4, $0x10;
	v3 =	vnsel vm1, $0xFF800000, v11;
	(xrf1) =	vsort.ascd.msk.f32 $0xffff, v1, v1;
	v4, _, _ =	vpop (xrf1)  }
0x63: {  	v1 =	vnsel vm0, $0xFF800000, v9;
	(xrf1) =	vsort.ascd.msk.f32 $0xffff, v3, v3;
	v3 =	vmax.f32 v8, v2;
	v9 =	vmax.f32 v4, v7;
	v10, _, _ =	vpop (xrf1)  }
.Ltmp0:
0x64: {  	s24 =	sshra.s32 s23, $0x2;
	v8 =	vmin.f32 v8, v2;
	(xrf1) =	vsort.ascd.msk.f32 $0xffff, v1, v1;
	v11, _, _ =	vpop (xrf1);
	v2 =	vmax.f32 v3, v9;
	[tilespmem:s17+$0x1010] =	vst v10;
	s17 =	smov.u32 s18;
	(pc) =	sbr.rel @p0 .LBB2_2-.Ltmp0, $4  }
0x65: {  	v4 =	vmin.f32 v4, v7;
	v3 =	vmin.f32 v3, v9;
	s18 =	smov.u32 s19;
	s19 =	smov.u32 s20;
	s20 =	smov.u32 s21;
	v1 =	vld [tilespmem:s24+$0x10];
	vm0 =	veq.s32 v6, $0x10;
	v6, _, _ =	vpop (xrf1);
	(xrf1) =	vsort.ascd.msk.f32 $0xffff, v2, v2  }
0x66: {  	v13 =	vmin.f32 v8, v4;
	s21 =	smov.u32 s22;
	s22 =	smov.u32 s24;
	v2 =	vld [tilespmem:s24+$0x810];
	v9 =	vnsel vm0, $0xFF800000, v5;
	v6 =	vperm.xlane v6, v0;
	v7, _, _ =	vpop (xrf1);
	(xrf1) =	vsort.ascd.msk.f32 $0xffff, v3, v3  }
0x67: {  	v3 =	vmax.f32 v8, v4;
	v5 =	vld [tilespmem:s22+$0x830];
	(xrf1) =	vsort.ascd.msk.f32 $0xffff, v9, v9;
	v12, _, _ =	vpop (xrf1)  }
0x68: {  	s23 =	sadd.s32 $0x100, s23;
	v8 =	vperm.xlane v11, v0;
	v4 =	vld [tilespmem:s22+$0x820];
	v9 =	vmin.f32 v7, v6;
	(xrf1) =	vsort.ascd.msk.f32 $0xffff, v13, v13;
	[tilespmem:s17+$0x1030] =	vst v12;
	v10, _, _ =	vpop (xrf1)  }
0x69: {  	_ = 	snop  }
0x6a: {  	v11 =	vld [tilespmem:s22+$0x30];
	v6 =	vmax.f32 v7, v6;
	v49, _, _ =	vpop (xrf1);
	(xrf1) =	vsort.ascd.msk.f32 $0xffff, v9, v9;
	[tilespmem:s17+$0x1020] =	vst v10  }
0x6b: {  	v50 =	vld [tilespmem:s22+$0x20];
	v51 =	vmin.f32 v49, v8;
	(xrf1) =	vsort.ascd.msk.f32 $0xffff, v6, v6;
	v52, _, _ =	vpop (xrf1);
	vm0 =	veq.s32 v2, $0x10  }
0x6c: {  	v7 =	vmax.f32 v49, v8;
	(xrf1) =	vsort.ascd.msk.f32 $0xffff, v51, v51;
	v53, _, _ =	vpop (xrf1);
	[tilespmem:s17+$0x1000] =	vst v52;
	v1 =	vnsel vm0, $0xFF800000, v1  }
0x6d: {  	v6 =	vld [tilespmem:s22+$0x800];
	(xrf1) =	vsort.ascd.msk.f32 $0xffff, v7, v7;
	v2, _, _ =	vpop (xrf1)  }
0x6e: {  	vm1 =	veq.s32 v5, $0x10;
	v54 =	vld [tilespmem:s22+$0x0];
	v55 =	vperm.xlane v53, v0;
	v2 =	vperm.xlane v2, v0;
	v56, _, _ =	vpop (xrf1);
	(xrf1) =	vsort.ascd.msk.f32 $0xffff, v3, v3  }
0x6f: {  	vm14 =	veq.s32 v4, $0x10;
	v3 =	vnsel vm1, $0xFF800000, v11;
	(xrf1) =	vsort.ascd.msk.f32 $0xffff, v1, v1;
	v1, _, _ =	vpop (xrf1)  }
0x70: {  	v4 =	vnsel vm14, $0xFF800000, v50;
	(xrf1) =	vsort.ascd.msk.f32 $0xffff, v3, v3;
	v3 =	vmax.f32 v56, v2;
	v57 =	vmax.f32 v1, v55;
	v58, _, _ =	vpop (xrf1)  }
0x71: {  	(xrf1) =	vsort.ascd.msk.f32 $0xffff, v4, v4;
	v59, _, _ =	vpop (xrf1);
	v60 =	vmax.f32 v3, v57;
	v3 =	vmin.f32 v3, v57  }
0x72: {  	vm15 =	veq.s32 v6, $0x10;
	v61, _, _ =	vpop (xrf1);
	(xrf1) =	vsort.ascd.msk.f32 $0xffff, v60, v60  }
0x73: {  	v5 =	vnsel vm15, $0xFF800000, v54;
	v62, _, _ =	vpop (xrf1);
	(xrf1) =	vsort.ascd.msk.f32 $0xffff, v3, v3  }
0x74: {  	(xrf1) =	vsort.ascd.msk.f32 $0xffff, v5, v5;
	v3, _, _ =	vpop (xrf1)  }
0x75: {  	v2 =	vmin.f32 v56, v2;
	v1 =	vmin.f32 v1, v55;
	v6 =	vperm.xlane v61, v0;
	v63, _, _ =	vpop (xrf1)  }
0x76: {  	v8 =	vmin.f32 v2, v1;
	v21, _, _ =	vpop (xrf1)  }
0x77: {  	v4 =	vperm.xlane v59, v0;
	v12 =	vmin.f32 v62, v6;
	(xrf1) =	vsort.ascd.msk.f32 $0xffff, v8, v8;
	v22, _, _ =	vpop (xrf1)  }
0x78: {  	v6 =	vmax.f32 v62, v6;
	v23, _, _ =	vpop (xrf1);
	(xrf1) =	vsort.ascd.msk.f32 $0xffff, v12, v12  }
0x79: {  	v25 =	vmin.f32 v21, v4;
	v4 =	vmax.f32 v21, v4;
	v24, _, _ =	vpop (xrf1);
	(xrf1) =	vsort.ascd.msk.f32 $0xffff, v6, v6  }
0x7a: {  	v8 =	vperm.xlane v23, v0;
	v26, _, _ =	vpop (xrf1);
	(xrf1) =	vsort.ascd.msk.f32 $0xffff, v25, v25;
	v27 =	vperm.xlane v24, v0  }
0x7b: {  	v1 =	vmax.f32 v2, v1;
	v28, _, _ =	vpop (xrf1);
	(xrf1) =	vsort.ascd.msk.f32 $0xffff, v4, v4  }
0x7c: {  	v2, _, _ =	vpop (xrf1);
	(xrf1) =	vsort.ascd.msk.f32 $0xffff, v1, v1;
	v1 =	vmax.f32 v26, v27;
	v29 =	vmax.f32 v28, v8  }
0x7d: {  	v30, _, _ =	vpop (xrf1);
	v31 =	vmax.f32 v1, v29;
	v1 =	vmin.f32 v1, v29  }
0x7e: {  	v6 =	vmin.f32 v26, v27;
	v13, _, _ =	vpop (xrf1)  }
0x7f: {  	v8 =	vmin.f32 v28, v8;
	(xrf1) =	vsort.ascd.msk.f32 $0xffff, v31, v31;
	v32 =	vperm.xlane v13, v0;
	v33, _, _ =	vpop (xrf1)  }
0x80: {  	v9 =	vmin.f32 v6, v8;
	(xrf1) =	vsort.ascd.msk.f32 $0xffff, v1, v1;
	v1, _, _ =	vpop (xrf1)  }
0x81: {  	v12 =	vperm.xlane v30, v0;
	(xrf1) =	vsort.ascd.msk.f32 $0xffff, v9, v9;
	v13 =	vmin.f32 v33, v32;
	v34, _, _ =	vpop (xrf1)  }
0x82: {  	v4 =	vmax.f32 v33, v32;
	v35, _, _ =	vpop (xrf1);
	(xrf1) =	vsort.ascd.msk.f32 $0xffff, v13, v13  }
0x83: {  	v36 =	vmin.f32 v35, v12;
	(xrf1) =	vsort.ascd.msk.f32 $0xffff, v4, v4  }
0x84: {  	v37 =	vmax.f32 v35, v12;
	(xrf1) =	vsort.ascd.msk.f32 $0xffff, v36, v36  }
0x85: {  	(xrf1) =	vsort.ascd.msk.f32 $0xffff, v37, v37;
	_ =	sdelay $0x1  }
0x86: {  	v38, _, _ =	vpop (xrf1)  }
0x87: {  	v39, _, _ =	vpop (xrf1)  }
0x88: {  	v40, _, _ =	vpop (xrf1)  }
0x89: {  	v41, _, _ =	vpop (xrf1)  }
0x8a: {  	v14, _, _ =	vpop (xrf1)  }
0x8b: {  	v15, _, _ =	vpop (xrf1)  }
0x8c: {  	v16, _, _ =	vpop (xrf1)  }
0x8d: {  	v6 =	vmax.f32 v6, v8;
	v7 =	vperm.xlane v39, v0;
	v42 =	vperm.xlane v40, v0;
	v43, _, _ =	vpop (xrf1)  }
0x8e: {  	(xrf1) =	vsort.ascd.msk.f32 $0xffff, v6, v6;
	v44, _, _ =	vpop (xrf1)  }
0x8f: {  	v17 =	vmax.f32 v41, v42;
	v18 =	vmax.f32 v14, v7;
	v8 =	vmin.f32 v41, v42;
	v45, _, _ =	vpop (xrf1)  }
0x90: {  	v7 =	vmin.f32 v14, v7;
	v46 =	vmax.f32 v17, v18;
	v17 =	vmin.f32 v17, v18;
	v47, _, _ =	vpop (xrf1)  }
0x91: {  	(xrf1) =	vsort.ascd.msk.f32 $0xffff, v46, v46;
	v13 =	vperm.xlane v45, v0;
	v48 =	vperm.xlane v47, v0;
	v49, _, _ =	vpop (xrf1)  }
0x92: {  	v50 =	vmin.f32 v8, v7;
	v7 =	vmax.f32 v8, v7;
	(xrf1) =	vsort.ascd.msk.f32 $0xffff, v17, v17;
	v51, _, _ =	vpop (xrf1)  }
0x93: {  	[tilespmem:s17+$0x1010] =	vst v58;
	(xrf1) =	vsort.ascd.msk.f32 $0xffff, v50, v50;
	v52 =	vmax.f32 v49, v48;
	v53 =	vmax.f32 v51, v13  }
0x94: {  	[tilespmem:s18+$0x1030] =	vst v3;
	(xrf1) =	vsort.ascd.msk.f32 $0xffff, v7, v7;
	v3 =	vmin.f32 v49, v48;
	v54 =	vmax.f32 v52, v53  }
0x95: {  	[tilespmem:s18+$0x1020] =	vst v63;
	v55 =	vmin.f32 v51, v13;
	v56 =	vmin.f32 v52, v53;
	(xrf1) =	vsort.ascd.msk.f32 $0xffff, v54, v54  }
0x96: {  	[tilespmem:s18+$0x1000] =	vst v22;
	v57 =	vmin.f32 v3, v55;
	(xrf1) =	vsort.ascd.msk.f32 $0xffff, v56, v56  }
0x97: {  	[tilespmem:s18+$0x1010] =	vst v2;
	v2 =	vmax.f32 v3, v55;
	(xrf1) =	vsort.ascd.msk.f32 $0xffff, v57, v57  }
0x98: {  	[tilespmem:s19+$0x1030] =	vst v1;
	(xrf1) =	vsort.ascd.msk.f32 $0xffff, v2, v2  }
0x99: {  	[tilespmem:s19+$0x1020] =	vst v34  }
0x9a: {  	[tilespmem:s19+$0x1000] =	vst v38  }
0x9b: {  	[tilespmem:s19+$0x1010] =	vst v15  }
0x9c: {  	[tilespmem:s20+$0x1030] =	vst v16  }
0x9d: {  	[tilespmem:s20+$0x1020] =	vst v43  }
0x9e: {  	[tilespmem:s20+$0x1000] =	vst v44;
	v1, _, _ =	vpop (xrf1)  }
0x9f: {  	[tilespmem:s20+$0x1010] =	vst v1;
	v1, _, _ =	vpop (xrf1)  }
0xa0: {  	[tilespmem:s21+$0x1030] =	vst v1;
	v1, _, _ =	vpop (xrf1)  }
0xa1: {  	[tilespmem:s21+$0x1020] =	vst v1;
	v1, _, _ =	vpop (xrf1)  }
0xa2: {  	[tilespmem:s21+$0x1000] =	vst v1;
	v1, _, _ =	vpop (xrf1)  }
0xa3: {  	[tilespmem:s21+$0x1010] =	vst v1;
	v1, _, _ =	vpop (xrf1)  }
0xa4: {  	[tilespmem:s22+$0x1030] =	vst v1;
	v1, _, _ =	vpop (xrf1)  }
0xa5: {  	[tilespmem:s22+$0x1020] =	vst v1;
	v1, _, _ =	vpop (xrf1)  }
0xa6: {  	[tilespmem:s22+$0x1000] =	vst v1;
	v1, _, _ =	vpop (xrf1)  }
0xa7: {  	s18 =	simm.s32 $0x1040;
	[tilespmem:s22+$0x1010] =	vst v1  }
0xa8: {  	v1 =	vld [tilespmem:s18+$0xFFFFFFE0]  }
0xa9: {  	v2 =	vld [tilespmem:s18+$0x0]  }
0xaa: {  	v3 =	vld [tilespmem:s18+$0x10]  }
0xab: {  	v4 =	vld [tilespmem:s18+$0x20]  }
0xac: {  	v58 =	vld [tilespmem:s18+$0x30]  }
0xad: {  	v6 =	vld [tilespmem:s18+$0xFFFFFFF0]  }
0xae: {  	v59 =	vld [tilespmem:s18+$0xFFFFFFD0]  }
0xaf: {  	v60 =	vld [tilespmem:s18+$0xFFFFFFC0];
	_ =	sdelay $0x1  }
0xb0: {  	v3 =	vperm.xlane v3, v0;
	v4 =	vperm.xlane v4, v0  }
0xb1: {  	v2 =	vperm.xlane v2, v0;
	v5 =	vperm.xlane v58, v0  }
0xb2: {  	v1 =	vmax.f32 v1, v3  }
0xb3: {  	v3 =	vmax.f32 v59, v4;
	v2 =	vmax.f32 v6, v2;
	v61 =	vmax.f32 v60, v5  }
0xb4: {  	v62 =	vmin.f32 v3, v2;
	v63 =	vmin.f32 v61, v1  }
0xb5: {  	v1 =	vmax.f32 v61, v1;
	v2 =	vmax.f32 v3, v2;
	v3 =	vmin.f32 v63, v62  }
0xb6: {  	v4 =	vmax.f32 v1, v2;
	(xrf1) =	vsort.ascd.msk.f32 $0xffff, v3, v3  }
0xb7: {  	v3 =	vmax.f32 v63, v62;
	(xrf1) =	vsort.ascd.msk.f32 $0xffff, v4, v4  }
0xb8: {  	v1 =	vmin.f32 v1, v2;
	(xrf1) =	vsort.ascd.msk.f32 $0xffff, v3, v3  }
0xb9: {  	s17 =	simm.s32 $0x0;
	s19 =	simm.s32 $0x0;
	s20 =	simm.s32 $0x100;
	(xrf1) =	vsort.ascd.msk.f32 $0xffff, v1, v1  }
.LBB2_4:
0xba: {  	_ =	sdelay $0x8  }
0xbb: {  	s22 =	smov.u32 s20  }
0xbc: {  	s21 =	sshra.s32 s20, $0x2;
	s18 =	sadd.s32 $0x80, s18;
	s22 =	sadd.s32 $0x100, s20;
	v1, _, _ =	vpop (xrf1)  }
0xbd: {  	p0 =	sne.s32 s20, $0xF00;
	[tilespmem:s19+$0x1800] =	vst v1;
	v1, _, _ =	vpop (xrf1)  }
0xbe: {  	[tilespmem:s19+$0x1830] =	vst v1;
	v1, _, _ =	vpop (xrf1)  }
0xbf: {  	[tilespmem:s19+$0x1810] =	vst v1;
	v1, _, _ =	vpop (xrf1)  }
0xc0: {  	[tilespmem:s19+$0x1820] =	vst v1;
	s19 =	smov.u32 s21  }
0xc1: {  	v1 =	vld [tilespmem:s18+$0xFFFFFFE0]  }
0xc2: {  	v2 =	vld [tilespmem:s18+$0x0]  }
0xc3: {  	v3 =	vld [tilespmem:s18+$0x10]  }
0xc4: {  	v4 =	vld [tilespmem:s18+$0x20]  }
0xc5: {  	v5 =	vld [tilespmem:s18+$0x30]  }
0xc6: {  	v6 =	vld [tilespmem:s18+$0xFFFFFFF0]  }
0xc7: {  	v7 =	vld [tilespmem:s18+$0xFFFFFFD0]  }
0xc8: {  	v8 =	vld [tilespmem:s18+$0xFFFFFFC0]  }
0xc9: {  	v3 =	vperm.xlane v3, v0  }
0xca: {  	v2 =	vperm.xlane v2, v0;
	v4 =	vperm.xlane v4, v0  }
0xcb: {  	v5 =	vperm.xlane v5, v0;
	v1 =	vmax.f32 v1, v3  }
0xcc: {  	v2 =	vmax.f32 v6, v2;
	v3 =	vmax.f32 v7, v4  }
0xcd: {  	v4 =	vmax.f32 v8, v5;
	v5 =	vmin.f32 v3, v2  }
0xce: {  	v2 =	vmax.f32 v3, v2;
	v6 =	vmin.f32 v4, v1;
	v1 =	vmax.f32 v4, v1  }
.Ltmp1:
0xcf: {  	v3 =	vmin.f32 v6, v5;
	v4 =	vmax.f32 v6, v5;
	v5 =	vmin.f32 v1, v2;
	(pc) =	sbr.rel @p0 .LBB2_4-.Ltmp1, $4  }
0xd0: {  	v1 =	vmax.f32 v1, v2;
	(xrf1) =	vsort.ascd.msk.f32 $0xffff, v3, v3  }
0xd1: {  	(xrf1) =	vsort.ascd.msk.f32 $0xffff, v1, v1  }
0xd2: {  	(xrf1) =	vsort.ascd.msk.f32 $0xffff, v4, v4  }
0xd3: {  	s20 =	smov.u32 s22;
	(xrf1) =	vsort.ascd.msk.f32 $0xffff, v5, v5  }
0xd4: {  	_ =	sdelay $0x9  }
0xd5: {  	v1, _, _ =	vpop (xrf1)  }
0xd6: {  	[tilespmem:s19+$0x1800] =	vst v1;
	v1, _, _ =	vpop (xrf1)  }
0xd7: {  	[tilespmem:s19+$0x1830] =	vst v1;
	v1, _, _ =	vpop (xrf1)  }
0xd8: {  	[tilespmem:s19+$0x1810] =	vst v1;
	v1, _, _ =	vpop (xrf1)  }
0xd9: {  	s18 =	simm.s32 $0x1840;
	[tilespmem:s19+$0x1820] =	vst v1  }
0xda: {  	v1 =	vld [tilespmem:s18+$0xFFFFFFE0]  }
0xdb: {  	v2 =	vld [tilespmem:s18+$0x0]  }
0xdc: {  	v3 =	vld [tilespmem:s18+$0x10]  }
0xdd: {  	v4 =	vld [tilespmem:s18+$0x20]  }
0xde: {  	v5 =	vld [tilespmem:s18+$0x30]  }
0xdf: {  	v6 =	vld [tilespmem:s18+$0xFFFFFFF0]  }
0xe0: {  	v7 =	vld [tilespmem:s18+$0xFFFFFFD0]  }
0xe1: {  	v8 =	vld [tilespmem:s18+$0xFFFFFFC0];
	_ =	sdelay $0x1  }
0xe2: {  	v3 =	vperm.xlane v3, v0;
	v4 =	vperm.xlane v4, v0  }
0xe3: {  	v2 =	vperm.xlane v2, v0;
	v5 =	vperm.xlane v5, v0  }
0xe4: {  	v1 =	vmax.f32 v1, v3  }
0xe5: {  	v3 =	vmax.f32 v7, v4;
	v2 =	vmax.f32 v6, v2;
	v61 =	vmax.f32 v8, v5  }
0xe6: {  	v62 =	vmin.f32 v3, v2;
	v63 =	vmin.f32 v61, v1  }
0xe7: {  	v1 =	vmax.f32 v61, v1;
	v2 =	vmax.f32 v3, v2;
	v3 =	vmin.f32 v63, v62  }
0xe8: {  	v4 =	vmax.f32 v1, v2;
	(xrf1) =	vsort.ascd.msk.f32 $0xffff, v3, v3  }
0xe9: {  	v3 =	vmax.f32 v63, v62;
	(xrf1) =	vsort.ascd.msk.f32 $0xffff, v4, v4  }
0xea: {  	v1 =	vmin.f32 v1, v2;
	(xrf1) =	vsort.ascd.msk.f32 $0xffff, v3, v3  }
0xeb: {  	s19 =	simm.s32 $0x100;
	(xrf1) =	vsort.ascd.msk.f32 $0xffff, v1, v1  }
.LBB2_6:
0xec: {  	_ =	sdelay $0x8  }
0xed: {  	s21 =	smov.u32 s19  }
0xee: {  	s20 =	sshra.s32 s19, $0x2;
	s18 =	sadd.s32 $0x80, s18;
	s21 =	sadd.s32 $0x100, s19;
	v1, _, _ =	vpop (xrf1)  }
0xef: {  	p0 =	sne.s32 s19, $0x700;
	[tilespmem:s17+$0x1000] =	vst v1;
	v1, _, _ =	vpop (xrf1)  }
0xf0: {  	[tilespmem:s17+$0x1030] =	vst v1;
	v1, _, _ =	vpop (xrf1)  }
0xf1: {  	[tilespmem:s17+$0x1010] =	vst v1;
	v1, _, _ =	vpop (xrf1)  }
0xf2: {  	[tilespmem:s17+$0x1020] =	vst v1;
	s17 =	smov.u32 s20  }
0xf3: {  	v1 =	vld [tilespmem:s18+$0xFFFFFFE0]  }
0xf4: {  	v2 =	vld [tilespmem:s18+$0x0]  }
0xf5: {  	v3 =	vld [tilespmem:s18+$0x10]  }
0xf6: {  	v4 =	vld [tilespmem:s18+$0x20]  }
0xf7: {  	v5 =	vld [tilespmem:s18+$0x30]  }
0xf8: {  	v6 =	vld [tilespmem:s18+$0xFFFFFFF0]  }
0xf9: {  	v7 =	vld [tilespmem:s18+$0xFFFFFFD0]  }
0xfa: {  	v8 =	vld [tilespmem:s18+$0xFFFFFFC0]  }
0xfb: {  	v3 =	vperm.xlane v3, v0  }
0xfc: {  	v2 =	vperm.xlane v2, v0;
	v4 =	vperm.xlane v4, v0  }
0xfd: {  	v5 =	vperm.xlane v5, v0;
	v1 =	vmax.f32 v1, v3  }
0xfe: {  	v2 =	vmax.f32 v6, v2;
	v3 =	vmax.f32 v7, v4  }
0xff: {  	v4 =	vmax.f32 v8, v5;
	v5 =	vmin.f32 v3, v2  }
0x100: {  	v2 =	vmax.f32 v3, v2;
	v6 =	vmin.f32 v4, v1;
	v1 =	vmax.f32 v4, v1  }
.Ltmp2:
0x101: {  	v3 =	vmin.f32 v6, v5;
	v4 =	vmax.f32 v6, v5;
	v5 =	vmin.f32 v1, v2;
	(pc) =	sbr.rel @p0 .LBB2_6-.Ltmp2, $4  }
0x102: {  	v1 =	vmax.f32 v1, v2;
	(xrf1) =	vsort.ascd.msk.f32 $0xffff, v3, v3  }
0x103: {  	(xrf1) =	vsort.ascd.msk.f32 $0xffff, v1, v1  }
0x104: {  	(xrf1) =	vsort.ascd.msk.f32 $0xffff, v4, v4  }
0x105: {  	s19 =	smov.u32 s21;
	(xrf1) =	vsort.ascd.msk.f32 $0xffff, v5, v5  }
0x106: {  	_ =	sdelay $0x9  }
0x107: {  	v1, _, _ =	vpop (xrf1)  }
0x108: {  	[tilespmem:s17+$0x1000] =	vst v1;
	v1, _, _ =	vpop (xrf1)  }
0x109: {  	[tilespmem:s17+$0x1030] =	vst v1;
	v1, _, _ =	vpop (xrf1)  }
0x10a: {  	[tilespmem:s17+$0x1010] =	vst v1;
	v1, _, _ =	vpop (xrf1)  }
0x10b: {  	[tilespmem:s17+$0x1020] =	vst v1  }
0x10c: {  	v1 =	vld [tilespmem:$0x1000]  }
0x10d: {  	v2 =	vld [tilespmem:$0x1010]  }
0x10e: {  	v3 =	vld [tilespmem:$0x1020]  }
0x10f: {  	v4 =	vld [tilespmem:$0x1030]  }
0x110: {  	v5 =	vld [tilespmem:$0x1040]  }
0x111: {  	v6 =	vld [tilespmem:$0x1050]  }
0x112: {  	v7 =	vld [tilespmem:$0x1060]  }
0x113: {  	v8 =	vld [tilespmem:$0x1070]  }
0x114: {  	v9 =	vld [tilespmem:$0x1080]  }
0x115: {  	v10 =	vld [tilespmem:$0x1090]  }
0x116: {  	v11 =	vld [tilespmem:$0x10A0]  }
0x117: {  	v12 =	vld [tilespmem:$0x10B0]  }
0x118: {  	v13 =	vld [tilespmem:$0x10C0]  }
0x119: {  	v14 =	vld [tilespmem:$0x10D0];
	v8 =	vperm.xlane v8, v0;
	v7 =	vperm.xlane v7, v0  }
0x11a: {  	v15 =	vld [tilespmem:$0x10E0];
	v6 =	vperm.xlane v6, v0;
	v5 =	vperm.xlane v5, v0  }
0x11b: {  	v1 =	vmax.f32 v1, v8;
	v8 =	vld [tilespmem:$0x10F0]  }
0x11c: {  	v45 =	vld [tilespmem:$0x1160];
	v2 =	vmax.f32 v2, v7;
	v3 =	vmax.f32 v3, v6;
	v4 =	vmax.f32 v4, v5  }
0x11d: {  	v50 =	vld [tilespmem:$0x11F0];
	v6 =	vmin.f32 v1, v3;
	v1 =	vmax.f32 v1, v3;
	v3 =	vmin.f32 v2, v4  }
0x11e: {  	v14 =	vperm.xlane v14, v0;
	v5 =	vld [tilespmem:$0x1100];
	v2 =	vmax.f32 v2, v4;
	v4 =	vmin.f32 v6, v3  }
0x11f: {  	v7 =	vld [tilespmem:$0x1110];
	v3 =	vmax.f32 v6, v3;
	v16 =	vmin.f32 v1, v2;
	(xrf1) =	vsort.ascd.msk.f32 $0xffff, v4, v4  }
0x120: {  	v1 =	vmax.f32 v1, v2;
	v2 =	vld [tilespmem:$0x1130];
	(xrf1) =	vsort.ascd.msk.f32 $0xffff, v3, v3;
	v3 =	vperm.xlane v8, v0  }
0x121: {  	v13 =	vperm.xlane v13, v0;
	v4 =	vperm.xlane v15, v0;
	v8 =	vld [tilespmem:$0x1140];
	(xrf1) =	vsort.ascd.msk.f32 $0xffff, v16, v16  }
0x122: {  	(xrf1) =	vsort.ascd.msk.f32 $0xffff, v1, v1;
	v1 =	vmax.f32 v9, v3;
	v3 =	vld [tilespmem:$0x1170];
	v9 =	vmax.f32 v11, v14  }
0x123: {  	v4 =	vmax.f32 v10, v4;
	v10 =	vmax.f32 v12, v13;
	v11 =	vld [tilespmem:$0x1150];
	v46 =	vmin.f32 v1, v9  }
0x124: {  	v6 =	vld [tilespmem:$0x1120];
	v1 =	vmax.f32 v1, v9;
	v9 =	vmin.f32 v4, v10;
	v4 =	vmax.f32 v4, v10  }
0x125: {  	v10 =	vmin.f32 v46, v9;
	v49 =	vmin.f32 v1, v4;
	v1 =	vmax.f32 v1, v4;
	v4 =	vld [tilespmem:$0x11C0]  }
0x126: {  	v47 =	vld [tilespmem:$0x1180];
	v9 =	vmax.f32 v46, v9;
	(xrf1) =	vsort.ascd.msk.f32 $0xffff, v10, v10;
	v8 =	vperm.xlane v8, v0  }
0x127: {  	v10 =	vld [tilespmem:$0x11E0];
	(xrf1) =	vsort.ascd.msk.f32 $0xffff, v9, v9;
	v9 =	vperm.xlane v45, v0;
	v3 =	vperm.xlane v3, v0  }
0x128: {  	v48 =	vld [tilespmem:$0x1190];
	(xrf1) =	vsort.ascd.msk.f32 $0xffff, v49, v49;
	v11 =	vperm.xlane v11, v0;
	v2 =	vmax.f32 v2, v8  }
0x129: {  	(xrf1) =	vsort.ascd.msk.f32 $0xffff, v1, v1;
	v1 =	vmax.f32 v5, v3;
	v3 =	vld [tilespmem:$0x11D0];
	v5 =	vmax.f32 v7, v9  }
0x12a: {  	v6 =	vmax.f32 v6, v11;
	v7 =	vld [tilespmem:$0x11A0];
	v11 =	vperm.xlane v50, v0;
	v4 =	vperm.xlane v4, v0  }
0x12b: {  	v9 =	vld [tilespmem:$0x11B0];
	v8 =	vmin.f32 v1, v6;
	v1 =	vmax.f32 v1, v6;
	v6 =	vmin.f32 v5, v2  }
0x12c: {  	v2 =	vmax.f32 v5, v2;
	v10 =	vperm.xlane v10, v0;
	v5 =	vmin.f32 v8, v6  }
0x12d: {  	v6 =	vmax.f32 v8, v6;
	v8 =	vmin.f32 v1, v2;
	(xrf1) =	vsort.ascd.msk.f32 $0xffff, v5, v5  }
0x12e: {  	v1 =	vmax.f32 v1, v2;
	(xrf1) =	vsort.ascd.msk.f32 $0xffff, v6, v6;
	v3 =	vperm.xlane v3, v0  }
0x12f: {  	v2 =	vmax.f32 v47, v11;
	v5 =	vmax.f32 v48, v10;
	(xrf1) =	vsort.ascd.msk.f32 $0xffff, v8, v8  }
0x130: {  	v4 =	vmax.f32 v9, v4;
	(xrf1) =	vsort.ascd.msk.f32 $0xffff, v1, v1;
	v3 =	vmax.f32 v7, v3  }
0x131: {  	v7 =	vmin.f32 v5, v4;
	v6 =	vmin.f32 v2, v3;
	v1 =	vmax.f32 v2, v3  }
0x132: {  	v3 =	vmax.f32 v5, v4;
	v2 =	vmin.f32 v6, v7;
	v4 =	vmax.f32 v6, v7  }
0x133: {  	(xrf1) =	vsort.ascd.msk.f32 $0xffff, v2, v2;
	v2 =	vmin.f32 v1, v3  }
0x134: {  	v1 =	vmax.f32 v1, v3;
	(xrf1) =	vsort.ascd.msk.f32 $0xffff, v4, v4  }
0x135: {  	v4, _, _ =	vpop (xrf1);
	(xrf1) =	vsort.ascd.msk.f32 $0xffff, v2, v2  }
0x136: {  	v2, _, _ =	vpop (xrf1)  }
0x137: {  	(xrf1) =	vsort.ascd.msk.f32 $0xffff, v1, v1;
	v1, _, _ =	vpop (xrf1)  }
0x138: {  	[tilespmem:$0x1800] =	vst v4;
	v3, _, _ =	vpop (xrf1)  }
0x139: {  	[tilespmem:$0x1810] =	vst v2;
	v4, _, _ =	vpop (xrf1)  }
0x13a: {  	v5 =	vld [tilespmem:$0x1800];
	[tilespmem:$0x1820] =	vst v1;
	v2, _, _ =	vpop (xrf1)  }
0x13b: {  	v6 =	vld [tilespmem:$0x1810];
	[tilespmem:$0x1830] =	vst v3;
	v1, _, _ =	vpop (xrf1)  }
0x13c: {  	v7 =	vld [tilespmem:$0x1820];
	[tilespmem:$0x1840] =	vst v4;
	v3, _, _ =	vpop (xrf1)  }
0x13d: {  	v8 =	vld [tilespmem:$0x1830];
	[tilespmem:$0x1860] =	vst v1;
	v4, _, _ =	vpop (xrf1)  }
0x13e: {  	v9 =	vld [tilespmem:$0x1840];
	[tilespmem:$0x1870] =	vst v3;
	v1, _, _ =	vpop (xrf1)  }
0x13f: {  	[tilespmem:$0x1850] =	vst v2;
	v11 =	vld [tilespmem:$0x1870];
	v3, _, _ =	vpop (xrf1)  }
0x140: {  	v51 =	vld [tilespmem:$0x1850];
	[tilespmem:$0x1880] =	vst v4;
	v2, _, _ =	vpop (xrf1)  }
0x141: {  	v10 =	vld [tilespmem:$0x1860];
	[tilespmem:$0x1890] =	vst v1;
	v4, _, _ =	vpop (xrf1)  }
0x142: {  	v52 =	vld [tilespmem:$0x1880];
	[tilespmem:$0x18A0] =	vst v3;
	v1, _, _ =	vpop (xrf1)  }
0x143: {  	[tilespmem:$0x18C0] =	vst v4;
	v4 =	vld [tilespmem:$0x1890];
	v53, _, _ =	vpop (xrf1)  }
0x144: {  	v55 =	vld [tilespmem:$0x18C0];
	v11 =	vperm.xlane v11, v0;
	[tilespmem:$0x18E0] =	vst v53  }
0x145: {  	v9 =	vperm.xlane v9, v0;
	[tilespmem:$0x18D0] =	vst v1;
	v54, _, _ =	vpop (xrf1);
	v56 =	vld [tilespmem:$0x18E0]  }
0x146: {  	v10 =	vperm.xlane v10, v0;
	v1 =	vperm.xlane v51, v0;
	[tilespmem:$0x18F0] =	vst v54;
	v3 =	vmax.f32 v5, v11;
	v5 =	vld [tilespmem:$0x18D0]  }
0x147: {  	[tilespmem:$0x18B0] =	vst v2;
	v57 =	vld [tilespmem:$0x18F0]  }
0x148: {  	v2 =	vmax.f32 v6, v10;
	v6 =	vmax.f32 v8, v9;
	v9 =	vld [tilespmem:$0x18B0];
	v1 =	vmax.f32 v7, v1  }
0x149: {  	v7 =	vld [tilespmem:$0x18A0];
	v8 =	vmin.f32 v3, v1;
	v1 =	vmax.f32 v3, v1;
	v3 =	vmin.f32 v2, v6  }
0x14a: {  	v2 =	vmax.f32 v2, v6;
	v6 =	vmin.f32 v8, v3;
	v3 =	vmax.f32 v8, v3  }
0x14b: {  	(xrf1) =	vsort.ascd.msk.f32 $0xffff, v6, v6;
	v6 =	vperm.xlane v55, v0;
	v11 =	vperm.xlane v56, v0  }
0x14c: {  	v8 =	vmin.f32 v1, v2;
	v5 =	vperm.xlane v5, v0;
	v10 =	vperm.xlane v57, v0  }
0x14d: {  	v1 =	vmax.f32 v1, v2;
	(xrf1) =	vsort.ascd.msk.f32 $0xffff, v3, v3;
	v3 =	vmax.f32 v4, v11  }
0x14e: {  	v4 =	vmax.f32 v7, v5;
	v5 =	vmax.f32 v9, v6;
	v2 =	vmax.f32 v52, v10  }
0x14f: {  	(xrf1) =	vsort.ascd.msk.f32 $0xffff, v8, v8;
	v7 =	vmin.f32 v3, v5;
	v6 =	vmin.f32 v2, v4  }
0x150: {  	(xrf1) =	vsort.ascd.msk.f32 $0xffff, v1, v1;
	v1 =	vmax.f32 v2, v4;
	v2 =	vmin.f32 v6, v7  }
0x151: {  	v3 =	vmax.f32 v3, v5;
	v4 =	vmax.f32 v6, v7;
	(xrf1) =	vsort.ascd.msk.f32 $0xffff, v2, v2  }
0x152: {  	v2 =	vmin.f32 v1, v3;
	(xrf1) =	vsort.ascd.msk.f32 $0xffff, v4, v4  }
0x153: {  	v1 =	vmax.f32 v1, v3;
	(xrf1) =	vsort.ascd.msk.f32 $0xffff, v2, v2  }
0x154: {  	(xrf1) =	vsort.ascd.msk.f32 $0xffff, v1, v1;
	_ =	sdelay $0x6  }
0x155: {  	v1, _, _ =	vpop (xrf1)  }
0x156: {  	v2, _, _ =	vpop (xrf1)  }
0x157: {  	v3, _, _ =	vpop (xrf1)  }
0x158: {  	v4, _, _ =	vpop (xrf1)  }
0x159: {  	v5, _, _ =	vpop (xrf1)  }
0x15a: {  	v6, _, _ =	vpop (xrf1)  }
0x15b: {  	v7, _, _ =	vpop (xrf1)  }
0x15c: {  	v58 =	vperm.xlane v5, v0;
	v11 =	vperm.xlane v6, v0;
	v8, _, _ =	vpop (xrf1)  }
0x15d: {  	v10 =	vperm.xlane v7, v0;
	v9 =	vperm.xlane v8, v0  }
0x15e: {  	v12 =	vmax.f32 v4, v58  }
0x15f: {  	v11 =	vmax.f32 v3, v11;
	v10 =	vmax.f32 v2, v10;
	v9 =	vmax.f32 v1, v9  }
0x160: {  	v60 =	vmin.f32 v10, v12;
	v59 =	vmin.f32 v9, v11  }
0x161: {  	v9 =	vmax.f32 v9, v11;
	v11 =	vmin.f32 v59, v60  }
0x162: {  	v10 =	vmax.f32 v10, v12;
	v61 =	vmax.f32 v59, v60;
	(xrf1) =	vsort.ascd.msk.f32 $0xffff, v11, v11  }
0x163: {  	v11 =	vmin.f32 v9, v10;
	(xrf1) =	vsort.ascd.msk.f32 $0xffff, v61, v61  }
0x164: {  	v9 =	vmax.f32 v9, v10;
	(xrf1) =	vsort.ascd.msk.f32 $0xffff, v11, v11  }
0x165: {  	(xrf1) =	vsort.ascd.msk.f32 $0xffff, v9, v9;
	_ =	sdelay $0xa  }
0x166: {  	[tilespmem:$0x1000] =	vst v1;
	v1, _, _ =	vpop (xrf1)  }
0x167: {  	[tilespmem:$0x1010] =	vst v2;
	v2, _, _ =	vpop (xrf1)  }
0x168: {  	v9, _, _ =	vpop (xrf1);
	[tilespmem:$0x1810] =	vst v2  }
0x169: {  	v2, _, _ =	vpop (xrf1);
	[tilespmem:$0x1820] =	vst v9;
	v9 =	vld [tilespmem:$0x1810]  }
0x16a: {  	[tilespmem:$0x1830] =	vst v2;
	v2 =	vld [tilespmem:$0x1820]  }
0x16b: {  	[tilespmem:$0x1020] =	vst v3;
	v3 =	vld [tilespmem:$0x1830]  }
0x16c: {  	[tilespmem:$0x1030] =	vst v4  }
0x16d: {  	[tilespmem:$0x1040] =	vst v5;
	v4 =	vadd.f32 $5.000000000e-01, v1  }
0x16e: {  	[tilespmem:$0x1050] =	vst v6;
	v5 =	vadd.f32 $5.000000000e-01, v9  }
0x16f: {  	[tilespmem:$0x1060] =	vst v7;
	v4 =	vmul.f32 $8.656169890e+00, v4;
	v6 =	vadd.f32 $5.000000000e-01, v2  }
0x170: {  	[tilespmem:$0x1070] =	vst v8;
	vm0 =	veq.f32 v1, $-Inf;
	v5 =	vmul.f32 $8.656169890e+00, v5;
	v7 =	vadd.f32 $5.000000000e-01, v3  }
0x171: {  	[tilespmem:$0x1800] =	vst v1;
	v1 =	vsel vm0, $0x7FC00000, v4;
	vm6 =	veq.f32 v9, $-Inf;
	v4 =	vmul.f32 $8.656169890e+00, v6  }
0x172: {  	[tilespmem:$0x1C00] =	vst v1;
	vm7 =	veq.f32 v2, $-Inf;
	v1 =	vsel vm6, $0x7FC00000, v5;
	v2 =	vmul.f32 $8.656169890e+00, v7  }
0x173: {  	vm8 =	veq.f32 v3, $-Inf;
	[tilespmem:$0x1C10] =	vst v1;
	v1 =	vsel vm7, $0x7FC00000, v4  }
0x174: {  	[tilespmem:$0x1C20] =	vst v1;
	v1 =	vsel vm8, $0x7FC00000, v2  }
0x175: {  	s31 =	simm.s32 $0x0;
	[tilespmem:$0x1C30] =	vst v1  }
0x176: {  	[hbm4b:s5+s31] =	stream.linear.scatter [tilespmem:s15], [sflag:$0x1], $0x80, $0x38;
	[tilespmem:$0x1C80] =	vst v63  }
0x177: {  	_ =	swait.ge [sflag:s12], $0x80  }
0x178: {  	[sflag:s12] =	ssyncset.done $0x0  }
0x179: {  	[sflag:s12] =	ssyncadd.s32 $0xFFFFFF80  }
0x17a: {  	[tilespmem:s31], [sflag:$0x1] =	stream.strided.gather [hbm4b:s6+s10], $0x800, s11, s10, $0x38;
	[tilespmem:$0x1C80] =	vst v63  }
0x17b: {  	_ =	swait.ge [sflag:s12], $0x800  }
0x17c: {  	[sflag:s12] =	ssyncset.done $0x0  }
0x17d: {  	[sflag:s12] =	ssyncadd.s32 $0xFFFFF800  }
0x17e: {  	[tilespmem:s14], [sflag:$0x1] =	stream.strided.gather [hbm4b:s7+s10], $0x800, s13, s10, $0x38;
	[tilespmem:$0x1C80] =	vst v63  }
0x17f: {  	_ =	swait.ge [sflag:s12], $0x800  }
0x180: {  	[sflag:s12] =	ssyncset.done $0x0  }
0x181: {  	s17 =	simm.s32 $0x0;
	[sflag:s12] =	ssyncadd.s32 $0xFFFFF800  }
0x182: {  	v1 =	vld [tilespmem:s17+$0x10]  }
0x183: {  	v2 =	vld [tilespmem:s17+$0x810]  }
0x184: {  	v3 =	vld [tilespmem:s17+$0x830]  }
0x185: {  	v4 =	vld [tilespmem:s17+$0x30]  }
0x186: {  	v5 =	vld [tilespmem:s17+$0x820]  }
0x187: {  	v6 =	vld [tilespmem:s17+$0x20]  }
0x188: {  	v7 =	vld [tilespmem:s17+$0x800];
	vm9 =	veq.s32 v2, $0x10  }
0x189: {  	vm1 =	veq.s32 v3, $0x10;
	v2 =	vld [tilespmem:s17+$0x0];
	v1 =	vnsel vm9, $0xFF800000, v1  }
0x18a: {  	v3 =	vnsel vm1, $0xFF800000, v4;
	(xrf1) =	vsort.ascd.msk.f32 $0xffff, v1, v1  }
0x18b: {  	s18 =	simm.s32 $0x40;
	vm10 =	veq.s32 v5, $0x10;
	(xrf1) =	vsort.ascd.msk.f32 $0xffff, v3, v3  }
0x18c: {  	v5 =	vld [tilespmem:s18+$0x820];
	v1 =	vnsel vm10, $0xFF800000, v6  }
0x18d: {  	vm11 =	veq.s32 v7, $0x10;
	v3 =	vld [tilespmem:s18+$0x810];
	(xrf1) =	vsort.ascd.msk.f32 $0xffff, v1, v1  }
0x18e: {  	v1 =	vld [tilespmem:s18+$0x10];
	v2 =	vnsel vm11, $0xFF800000, v2  }
0x18f: {  	(xrf1) =	vsort.ascd.msk.f32 $0xffff, v2, v2;
	v2 =	vld [tilespmem:s18+$0x830]  }
0x190: {  	v4 =	vld [tilespmem:s18+$0x30]  }
0x191: {  	v6 =	vld [tilespmem:s18+$0x20];
	_ =	sdelay $0x1  }
0x192: {  	vm12 =	veq.s32 v3, $0x10  }
0x193: {  	v7 =	vld [tilespmem:s18+$0x800];
	v1 =	vnsel vm12, $0xFF800000, v1;
	vm13 =	veq.s32 v2, $0x10  }
0x194: {  	vm14 =	veq.s32 v5, $0x10;
	(xrf1) =	vsort.ascd.msk.f32 $0xffff, v1, v1;
	v2 =	vld [tilespmem:s18+$0x0];
	v3 =	vnsel vm13, $0xFF800000, v4  }
0x195: {  	v1 =	vnsel vm14, $0xFF800000, v6;
	(xrf1) =	vsort.ascd.msk.f32 $0xffff, v3, v3;
	_ =	sdelay $0x1  }
0x196: {  	s19 =	simm.s32 $0x80;
	(xrf1) =	vsort.ascd.msk.f32 $0xffff, v1, v1;
	v3, _, _ =	vpop (xrf1)  }
0x197: {  	vm15 =	veq.s32 v7, $0x10;
	v5 =	vld [tilespmem:s19+$0x810];
	v1, _, _ =	vpop (xrf1)  }
0x198: {  	v4 =	vld [tilespmem:s19+$0x10];
	v2 =	vnsel vm15, $0xFF800000, v2;
	v1 =	vperm.xlane v1, v0  }
0x199: {  	(xrf1) =	vsort.ascd.msk.f32 $0xffff, v2, v2;
	v2 =	vld [tilespmem:s19+$0x830];
	v6, _, _ =	vpop (xrf1)  }
0x19a: {  	v8 =	vld [tilespmem:s19+$0x30];
	v3 =	vperm.xlane v3, v0;
	v7 =	vmin.f32 v6, v1  }
0x19b: {  	v1 =	vmax.f32 v6, v1;
	v6, _, _ =	vpop (xrf1);
	(xrf1) =	vsort.ascd.msk.f32 $0xffff, v7, v7  }
0x19c: {  	v7 =	vld [tilespmem:s19+$0x820];
	v9 =	vmin.f32 v6, v3;
	(xrf1) =	vsort.ascd.msk.f32 $0xffff, v1, v1  }
0x19d: {  	vm4 =	veq.s32 v5, $0x10;
	v3 =	vmax.f32 v6, v3;
	v6 =	vld [tilespmem:s19+$0x800];
	(xrf1) =	vsort.ascd.msk.f32 $0xffff, v9, v9  }
0x19e: {  	v1 =	vld [tilespmem:s19+$0x20];
	vm5 =	veq.s32 v2, $0x10;
	(xrf1) =	vsort.ascd.msk.f32 $0xffff, v3, v3;
	v3 =	vnsel vm4, $0xFF800000, v4  }
0x19f: {  	v2 =	vld [tilespmem:s19+$0x0];
	v4 =	vnsel vm5, $0xFF800000, v8  }
0x1a0: {  	(xrf1) =	vsort.ascd.msk.f32 $0xffff, v3, v3  }
0x1a1: {  	s20 =	simm.s32 $0xC0;
	(xrf1) =	vsort.ascd.msk.f32 $0xffff, v4, v4;
	v3, _, _ =	vpop (xrf1)  }
0x1a2: {  	v5 =	vld [tilespmem:s20+$0x810];
	vm6 =	veq.s32 v7, $0x10;
	v4, _, _ =	vpop (xrf1)  }
0x1a3: {  	vm7 =	veq.s32 v6, $0x10;
	v7 =	vld [tilespmem:s20+$0x830];
	v1 =	vnsel vm6, $0xFF800000, v1;
	v4 =	vperm.xlane v4, v0  }
0x1a4: {  	v2 =	vnsel vm7, $0xFF800000, v2;
	(xrf1) =	vsort.ascd.msk.f32 $0xffff, v1, v1;
	v1 =	vld [tilespmem:s20+$0x10];
	v6, _, _ =	vpop (xrf1)  }
0x1a5: {  	(xrf1) =	vsort.ascd.msk.f32 $0xffff, v2, v2;
	v2 =	vld [tilespmem:s20+$0x820];
	v8 =	vmin.f32 v6, v4  }
0x1a6: {  	v3 =	vperm.xlane v3, v0;
	(xrf1) =	vsort.ascd.msk.f32 $0xffff, v8, v8;
	v8 =	vld [tilespmem:s20+$0x20]  }
0x1a7: {  	v9 =	vld [tilespmem:s20+$0x30];
	v4 =	vmax.f32 v6, v4;
	v6, _, _ =	vpop (xrf1)  }
0x1a8: {  	v10 =	vmin.f32 v6, v3;
	v3 =	vmax.f32 v6, v3  }
0x1a9: {  	vm8 =	veq.s32 v5, $0x10;
	(xrf1) =	vsort.ascd.msk.f32 $0xffff, v4, v4  }
0x1aa: {  	v6 =	vld [tilespmem:s20+$0x800];
	v1 =	vnsel vm8, $0xFF800000, v1;
	(xrf1) =	vsort.ascd.msk.f32 $0xffff, v10, v10;
	vm10 =	veq.s32 v2, $0x10;
	v4, _, _ =	vpop (xrf1)  }
0x1ab: {  	vm9 =	veq.s32 v7, $0x10;
	(xrf1) =	vsort.ascd.msk.f32 $0xffff, v3, v3;
	v3, _, _ =	vpop (xrf1);
	v8 =	vnsel vm10, $0xFF800000, v8  }
0x1ac: {  	v5 =	vld [tilespmem:s20+$0x0];
	v2 =	vnsel vm9, $0xFF800000, v9;
	v4 =	vperm.xlane v4, v0;
	(xrf1) =	vsort.ascd.msk.f32 $0xffff, v1, v1;
	v3 =	vperm.xlane v3, v0;
	v7, _, _ =	vpop (xrf1)  }
0x1ad: {  	(xrf1) =	vsort.ascd.msk.f32 $0xffff, v2, v2;
	v1, _, _ =	vpop (xrf1)  }
0x1ae: {  	(xrf1) =	vsort.ascd.msk.f32 $0xffff, v8, v8;
	v2 =	vmax.f32 v7, v3;
	v9 =	vmax.f32 v1, v4;
	v8, _, _ =	vpop (xrf1)  }
0x1af: {  	vm11 =	veq.s32 v6, $0x10;
	v10 =	vmax.f32 v2, v9;
	v2 =	vmin.f32 v2, v9;
	v6, _, _ =	vpop (xrf1)  }
0x1b0: {  	s21 =	simm.s32 $0x100;
	(xrf1) =	vsort.ascd.msk.f32 $0xffff, v10, v10;
	v6 =	vperm.xlane v6, v0  }
0x1b1: {  	v5 =	vnsel vm11, $0xFF800000, v5;
	v3 =	vmin.f32 v7, v3;
	v7 =	vld [tilespmem:s21+$0x10];
	v1 =	vmin.f32 v1, v4;
	(xrf1) =	vsort.ascd.msk.f32 $0xffff, v2, v2  }
0x1b2: {  	v4 =	vld [tilespmem:s21+$0x810];
	v9 =	vmin.f32 v3, v1;
	v2, _, _ =	vpop (xrf1);
	(xrf1) =	vsort.ascd.msk.f32 $0xffff, v5, v5  }
0x1b3: {  	v10 =	vld [tilespmem:s21+$0x830];
	v8 =	vperm.xlane v8, v0;
	v11 =	vmin.f32 v2, v6;
	(xrf1) =	vsort.ascd.msk.f32 $0xffff, v9, v9  }
0x1b4: {  	v5 =	vld [tilespmem:s21+$0x820];
	v2 =	vmax.f32 v2, v6;
	(xrf1) =	vsort.ascd.msk.f32 $0xffff, v11, v11;
	v6, _, _ =	vpop (xrf1)  }
0x1b5: {  	v9 =	vld [tilespmem:s21+$0x30];
	(xrf1) =	vsort.ascd.msk.f32 $0xffff, v2, v2;
	v2 =	vmax.f32 v6, v8  }
0x1b6: {  	v11 =	vld [tilespmem:s21+$0x20];
	v62 =	vmin.f32 v6, v8  }
0x1b7: {  	vm12 =	veq.s32 v4, $0x10;
	v6, _, _ =	vpop (xrf1);
	(xrf1) =	vsort.ascd.msk.f32 $0xffff, v62, v62  }
0x1b8: {  	v1 =	vmax.f32 v3, v1;
	v3 =	vld [tilespmem:s21+$0x800];
	v7 =	vnsel vm12, $0xFF800000, v7;
	(xrf1) =	vsort.ascd.msk.f32 $0xffff, v2, v2;
	v2, _, _ =	vpop (xrf1)  }
0x1b9: {  	v4 =	vld [tilespmem:s21+$0x0];
	vm13 =	veq.s32 v10, $0x10;
	v6 =	vperm.xlane v6, v0;
	(xrf1) =	vsort.ascd.msk.f32 $0xffff, v1, v1;
	v2 =	vperm.xlane v2, v0;
	v8, _, _ =	vpop (xrf1)  }
0x1ba: {  	vm14 =	veq.s32 v5, $0x10;
	v1 =	vnsel vm13, $0xFF800000, v9;
	(xrf1) =	vsort.ascd.msk.f32 $0xffff, v7, v7;
	v5, _, _ =	vpop (xrf1)  }
0x1bb: {  	v7 =	vnsel vm14, $0xFF800000, v11;
	(xrf1) =	vsort.ascd.msk.f32 $0xffff, v1, v1;
	v9 =	vmax.f32 v8, v2;
	v10 =	vmax.f32 v5, v6  }
0x1bc: {  	(xrf1) =	vsort.ascd.msk.f32 $0xffff, v7, v7;
	v7 =	vmax.f32 v9, v10  }
0x1bd: {  	s23 =	simm.s32 $0x140;
	vm15 =	veq.s32 v3, $0x10;
	v11, _, _ =	vpop (xrf1);
	v9 =	vmin.f32 v9, v10;
	v10 =	vmin.f32 v5, v6;
	(xrf1) =	vsort.ascd.msk.f32 $0xffff, v7, v7  }
0x1be: {  	v4 =	vnsel vm15, $0xFF800000, v4;
	v1 =	vld [tilespmem:s23+$0x10];
	v8 =	vmin.f32 v8, v2;
	v3, _, _ =	vpop (xrf1);
	(xrf1) =	vsort.ascd.msk.f32 $0xffff, v9, v9  }
0x1bf: {  	v2 =	vld [tilespmem:s23+$0x810];
	v6 =	vperm.xlane v3, v0;
	v63 =	vmin.f32 v8, v10;
	v7, _, _ =	vpop (xrf1);
	(xrf1) =	vsort.ascd.msk.f32 $0xffff, v4, v4  }
0x1c0: {  	v5 =	vld [tilespmem:s23+$0x830];
	v3 =	vmax.f32 v8, v10;
	v10, _, _ =	vpop (xrf1);
	(xrf1) =	vsort.ascd.msk.f32 $0xffff, v63, v63  }
0x1c1: {  	s22 =	simm.s32 $0x100;
	s25 =	simm.s32 $0x600;
	s24 =	simm.s32 $0x0;
	v8 =	vperm.xlane v11, v0;
	v4 =	vld [tilespmem:s23+$0x820];
	v9 =	vmin.f32 v7, v6;
	[tilespmem:s17+$0x1030] =	vst v10;
	v10, _, _ =	vpop (xrf1)  }
.LBB2_8:
0x1c2: {  	_ = 	snop  }
0x1c3: {  	p0 =	sne.s32 s25, $0x1F00;
	v11 =	vld [tilespmem:s23+$0x30];
	v12 =	vmax.f32 v7, v6;
	v7, _, _ =	vpop (xrf1);
	[tilespmem:s24+$0x1020] =	vst v10;
	(xrf1) =	vsort.ascd.msk.f32 $0xffff, v9, v9  }
0x1c4: {  	v10 =	vmin.f32 v7, v8;
	v9 =	vld [tilespmem:s23+$0x20];
	(xrf1) =	vsort.ascd.msk.f32 $0xffff, v12, v12;
	v6, _, _ =	vpop (xrf1)  }
0x1c5: {  	v7 =	vmax.f32 v7, v8;
	(xrf1) =	vsort.ascd.msk.f32 $0xffff, v10, v10;
	v8, _, _ =	vpop (xrf1);
	[tilespmem:s24+$0x1000] =	vst v6  }
0x1c6: {  	vm0 =	veq.s32 v2, $0x10;
	vm1 =	veq.s32 v5, $0x10;
	v6 =	vld [tilespmem:s23+$0x800];
	(xrf1) =	vsort.ascd.msk.f32 $0xffff, v7, v7;
	v2, _, _ =	vpop (xrf1)  }
0x1c7: {  	v1 =	vnsel vm0, $0xFF800000, v1;
	v7 =	vperm.xlane v8, v0;
	v5 =	vld [tilespmem:s23+$0x0];
	v2 =	vperm.xlane v2, v0;
	v8, _, _ =	vpop (xrf1);
	(xrf1) =	vsort.ascd.msk.f32 $0xffff, v3, v3  }
0x1c8: {  	vm0 =	veq.s32 v4, $0x10;
	v3 =	vnsel vm1, $0xFF800000, v11;
	(xrf1) =	vsort.ascd.msk.f32 $0xffff, v1, v1;
	v4, _, _ =	vpop (xrf1)  }
0x1c9: {  	v1 =	vnsel vm0, $0xFF800000, v9;
	(xrf1) =	vsort.ascd.msk.f32 $0xffff, v3, v3;
	v3 =	vmax.f32 v8, v2;
	v9 =	vmax.f32 v4, v7;
	v10, _, _ =	vpop (xrf1)  }
.Ltmp3:
0x1ca: {  	s26 =	sshra.s32 s25, $0x2;
	v8 =	vmin.f32 v8, v2;
	(xrf1) =	vsort.ascd.msk.f32 $0xffff, v1, v1;
	v11, _, _ =	vpop (xrf1);
	v2 =	vmax.f32 v3, v9;
	[tilespmem:s24+$0x1010] =	vst v10;
	s24 =	smov.u32 s18;
	(pc) =	sbr.rel @p0 .LBB2_8-.Ltmp3, $4  }
0x1cb: {  	v4 =	vmin.f32 v4, v7;
	v3 =	vmin.f32 v3, v9;
	s18 =	smov.u32 s19;
	s19 =	smov.u32 s20;
	s20 =	smov.u32 s21;
	v1 =	vld [tilespmem:s26+$0x10];
	vm0 =	veq.s32 v6, $0x10;
	v6, _, _ =	vpop (xrf1);
	(xrf1) =	vsort.ascd.msk.f32 $0xffff, v2, v2  }
0x1cc: {  	v13 =	vmin.f32 v8, v4;
	s21 =	smov.u32 s23;
	s23 =	smov.u32 s26;
	v2 =	vld [tilespmem:s26+$0x810];
	v9 =	vnsel vm0, $0xFF800000, v5;
	v6 =	vperm.xlane v6, v0;
	v7, _, _ =	vpop (xrf1);
	(xrf1) =	vsort.ascd.msk.f32 $0xffff, v3, v3  }
0x1cd: {  	v3 =	vmax.f32 v8, v4;
	v5 =	vld [tilespmem:s23+$0x830];
	(xrf1) =	vsort.ascd.msk.f32 $0xffff, v9, v9;
	v12, _, _ =	vpop (xrf1)  }
0x1ce: {  	s25 =	sadd.s32 $0x100, s25;
	v8 =	vperm.xlane v11, v0;
	v4 =	vld [tilespmem:s23+$0x820];
	v9 =	vmin.f32 v7, v6;
	(xrf1) =	vsort.ascd.msk.f32 $0xffff, v13, v13;
	[tilespmem:s24+$0x1030] =	vst v12;
	v10, _, _ =	vpop (xrf1)  }
0x1cf: {  	_ = 	snop  }
0x1d0: {  	v11 =	vld [tilespmem:s23+$0x30];
	v6 =	vmax.f32 v7, v6;
	v49, _, _ =	vpop (xrf1);
	(xrf1) =	vsort.ascd.msk.f32 $0xffff, v9, v9;
	[tilespmem:s24+$0x1020] =	vst v10  }
0x1d1: {  	v50 =	vld [tilespmem:s23+$0x20];
	v51 =	vmin.f32 v49, v8;
	(xrf1) =	vsort.ascd.msk.f32 $0xffff, v6, v6;
	v52, _, _ =	vpop (xrf1);
	vm0 =	veq.s32 v2, $0x10  }
0x1d2: {  	v7 =	vmax.f32 v49, v8;
	(xrf1) =	vsort.ascd.msk.f32 $0xffff, v51, v51;
	v53, _, _ =	vpop (xrf1);
	[tilespmem:s24+$0x1000] =	vst v52;
	v1 =	vnsel vm0, $0xFF800000, v1  }
0x1d3: {  	v6 =	vld [tilespmem:s23+$0x800];
	(xrf1) =	vsort.ascd.msk.f32 $0xffff, v7, v7;
	v2, _, _ =	vpop (xrf1)  }
0x1d4: {  	vm1 =	veq.s32 v5, $0x10;
	v54 =	vld [tilespmem:s23+$0x0];
	v55 =	vperm.xlane v53, v0;
	v2 =	vperm.xlane v2, v0;
	v56, _, _ =	vpop (xrf1);
	(xrf1) =	vsort.ascd.msk.f32 $0xffff, v3, v3  }
0x1d5: {  	vm14 =	veq.s32 v4, $0x10;
	v3 =	vnsel vm1, $0xFF800000, v11;
	(xrf1) =	vsort.ascd.msk.f32 $0xffff, v1, v1;
	v1, _, _ =	vpop (xrf1)  }
0x1d6: {  	v4 =	vnsel vm14, $0xFF800000, v50;
	(xrf1) =	vsort.ascd.msk.f32 $0xffff, v3, v3;
	v3 =	vmax.f32 v56, v2;
	v57 =	vmax.f32 v1, v55;
	v58, _, _ =	vpop (xrf1)  }
0x1d7: {  	(xrf1) =	vsort.ascd.msk.f32 $0xffff, v4, v4;
	v59, _, _ =	vpop (xrf1);
	v60 =	vmax.f32 v3, v57;
	v3 =	vmin.f32 v3, v57  }
0x1d8: {  	vm15 =	veq.s32 v6, $0x10;
	v61, _, _ =	vpop (xrf1);
	(xrf1) =	vsort.ascd.msk.f32 $0xffff, v60, v60  }
0x1d9: {  	v5 =	vnsel vm15, $0xFF800000, v54;
	v62, _, _ =	vpop (xrf1);
	(xrf1) =	vsort.ascd.msk.f32 $0xffff, v3, v3  }
0x1da: {  	(xrf1) =	vsort.ascd.msk.f32 $0xffff, v5, v5;
	v3, _, _ =	vpop (xrf1)  }
0x1db: {  	v2 =	vmin.f32 v56, v2;
	v1 =	vmin.f32 v1, v55;
	v6 =	vperm.xlane v61, v0;
	v63, _, _ =	vpop (xrf1)  }
0x1dc: {  	v8 =	vmin.f32 v2, v1;
	v21, _, _ =	vpop (xrf1)  }
0x1dd: {  	v4 =	vperm.xlane v59, v0;
	v12 =	vmin.f32 v62, v6;
	(xrf1) =	vsort.ascd.msk.f32 $0xffff, v8, v8;
	v22, _, _ =	vpop (xrf1)  }
0x1de: {  	v6 =	vmax.f32 v62, v6;
	v23, _, _ =	vpop (xrf1);
	(xrf1) =	vsort.ascd.msk.f32 $0xffff, v12, v12  }
0x1df: {  	v25 =	vmin.f32 v21, v4;
	v4 =	vmax.f32 v21, v4;
	v24, _, _ =	vpop (xrf1);
	(xrf1) =	vsort.ascd.msk.f32 $0xffff, v6, v6  }
0x1e0: {  	v8 =	vperm.xlane v23, v0;
	v26, _, _ =	vpop (xrf1);
	(xrf1) =	vsort.ascd.msk.f32 $0xffff, v25, v25;
	v27 =	vperm.xlane v24, v0  }
0x1e1: {  	v1 =	vmax.f32 v2, v1;
	v28, _, _ =	vpop (xrf1);
	(xrf1) =	vsort.ascd.msk.f32 $0xffff, v4, v4  }
0x1e2: {  	v2, _, _ =	vpop (xrf1);
	(xrf1) =	vsort.ascd.msk.f32 $0xffff, v1, v1;
	v1 =	vmax.f32 v26, v27;
	v29 =	vmax.f32 v28, v8  }
0x1e3: {  	v30, _, _ =	vpop (xrf1);
	v31 =	vmax.f32 v1, v29;
	v1 =	vmin.f32 v1, v29  }
0x1e4: {  	v6 =	vmin.f32 v26, v27;
	v13, _, _ =	vpop (xrf1)  }
0x1e5: {  	v8 =	vmin.f32 v28, v8;
	(xrf1) =	vsort.ascd.msk.f32 $0xffff, v31, v31;
	v32 =	vperm.xlane v13, v0;
	v33, _, _ =	vpop (xrf1)  }
0x1e6: {  	v9 =	vmin.f32 v6, v8;
	(xrf1) =	vsort.ascd.msk.f32 $0xffff, v1, v1;
	v1, _, _ =	vpop (xrf1)  }
0x1e7: {  	v12 =	vperm.xlane v30, v0;
	(xrf1) =	vsort.ascd.msk.f32 $0xffff, v9, v9;
	v13 =	vmin.f32 v33, v32;
	v34, _, _ =	vpop (xrf1)  }
0x1e8: {  	v4 =	vmax.f32 v33, v32;
	v35, _, _ =	vpop (xrf1);
	(xrf1) =	vsort.ascd.msk.f32 $0xffff, v13, v13  }
0x1e9: {  	v36 =	vmin.f32 v35, v12;
	(xrf1) =	vsort.ascd.msk.f32 $0xffff, v4, v4  }
0x1ea: {  	v37 =	vmax.f32 v35, v12;
	(xrf1) =	vsort.ascd.msk.f32 $0xffff, v36, v36  }
0x1eb: {  	(xrf1) =	vsort.ascd.msk.f32 $0xffff, v37, v37;
	_ =	sdelay $0x1  }
0x1ec: {  	v38, _, _ =	vpop (xrf1)  }
0x1ed: {  	v39, _, _ =	vpop (xrf1)  }
0x1ee: {  	v40, _, _ =	vpop (xrf1)  }
0x1ef: {  	v41, _, _ =	vpop (xrf1)  }
0x1f0: {  	v14, _, _ =	vpop (xrf1)  }
0x1f1: {  	v15, _, _ =	vpop (xrf1)  }
0x1f2: {  	v16, _, _ =	vpop (xrf1)  }
0x1f3: {  	v6 =	vmax.f32 v6, v8;
	v7 =	vperm.xlane v39, v0;
	v42 =	vperm.xlane v40, v0;
	v43, _, _ =	vpop (xrf1)  }
0x1f4: {  	(xrf1) =	vsort.ascd.msk.f32 $0xffff, v6, v6;
	v44, _, _ =	vpop (xrf1)  }
0x1f5: {  	v17 =	vmax.f32 v41, v42;
	v18 =	vmax.f32 v14, v7;
	v8 =	vmin.f32 v41, v42;
	v45, _, _ =	vpop (xrf1)  }
0x1f6: {  	v7 =	vmin.f32 v14, v7;
	v46 =	vmax.f32 v17, v18;
	v17 =	vmin.f32 v17, v18;
	v47, _, _ =	vpop (xrf1)  }
0x1f7: {  	(xrf1) =	vsort.ascd.msk.f32 $0xffff, v46, v46;
	v13 =	vperm.xlane v45, v0;
	v48 =	vperm.xlane v47, v0;
	v49, _, _ =	vpop (xrf1)  }
0x1f8: {  	v50 =	vmin.f32 v8, v7;
	v7 =	vmax.f32 v8, v7;
	(xrf1) =	vsort.ascd.msk.f32 $0xffff, v17, v17;
	v51, _, _ =	vpop (xrf1)  }
0x1f9: {  	[tilespmem:s24+$0x1010] =	vst v58;
	(xrf1) =	vsort.ascd.msk.f32 $0xffff, v50, v50;
	v52 =	vmax.f32 v49, v48;
	v53 =	vmax.f32 v51, v13  }
0x1fa: {  	[tilespmem:s18+$0x1030] =	vst v3;
	(xrf1) =	vsort.ascd.msk.f32 $0xffff, v7, v7;
	v3 =	vmin.f32 v49, v48;
	v54 =	vmax.f32 v52, v53  }
0x1fb: {  	[tilespmem:s18+$0x1020] =	vst v63;
	v55 =	vmin.f32 v51, v13;
	v56 =	vmin.f32 v52, v53;
	(xrf1) =	vsort.ascd.msk.f32 $0xffff, v54, v54  }
0x1fc: {  	[tilespmem:s18+$0x1000] =	vst v22;
	v57 =	vmin.f32 v3, v55;
	(xrf1) =	vsort.ascd.msk.f32 $0xffff, v56, v56  }
0x1fd: {  	[tilespmem:s18+$0x1010] =	vst v2;
	v2 =	vmax.f32 v3, v55;
	(xrf1) =	vsort.ascd.msk.f32 $0xffff, v57, v57  }
0x1fe: {  	[tilespmem:s19+$0x1030] =	vst v1;
	(xrf1) =	vsort.ascd.msk.f32 $0xffff, v2, v2  }
0x1ff: {  	[tilespmem:s19+$0x1020] =	vst v34  }
0x200: {  	[tilespmem:s19+$0x1000] =	vst v38  }
0x201: {  	[tilespmem:s19+$0x1010] =	vst v15  }
0x202: {  	[tilespmem:s20+$0x1030] =	vst v16  }
0x203: {  	[tilespmem:s20+$0x1020] =	vst v43  }
0x204: {  	[tilespmem:s20+$0x1000] =	vst v44;
	v1, _, _ =	vpop (xrf1)  }
0x205: {  	[tilespmem:s20+$0x1010] =	vst v1;
	v1, _, _ =	vpop (xrf1)  }
0x206: {  	[tilespmem:s21+$0x1030] =	vst v1;
	v1, _, _ =	vpop (xrf1)  }
0x207: {  	[tilespmem:s21+$0x1020] =	vst v1;
	v1, _, _ =	vpop (xrf1)  }
0x208: {  	[tilespmem:s21+$0x1000] =	vst v1;
	v1, _, _ =	vpop (xrf1)  }
0x209: {  	[tilespmem:s21+$0x1010] =	vst v1;
	v1, _, _ =	vpop (xrf1)  }
0x20a: {  	[tilespmem:s23+$0x1030] =	vst v1;
	v1, _, _ =	vpop (xrf1)  }
0x20b: {  	[tilespmem:s23+$0x1020] =	vst v1;
	v1, _, _ =	vpop (xrf1)  }
0x20c: {  	[tilespmem:s23+$0x1000] =	vst v1;
	v1, _, _ =	vpop (xrf1)  }
0x20d: {  	s18 =	simm.s32 $0x1040;
	[tilespmem:s23+$0x1010] =	vst v1  }
0x20e: {  	v1 =	vld [tilespmem:s18+$0xFFFFFFE0]  }
0x20f: {  	v2 =	vld [tilespmem:s18+$0x0]  }
0x210: {  	v3 =	vld [tilespmem:s18+$0x10]  }
0x211: {  	v4 =	vld [tilespmem:s18+$0x20]  }
0x212: {  	v58 =	vld [tilespmem:s18+$0x30]  }
0x213: {  	v6 =	vld [tilespmem:s18+$0xFFFFFFF0]  }
0x214: {  	v59 =	vld [tilespmem:s18+$0xFFFFFFD0]  }
0x215: {  	v60 =	vld [tilespmem:s18+$0xFFFFFFC0];
	_ =	sdelay $0x1  }
0x216: {  	v3 =	vperm.xlane v3, v0;
	v4 =	vperm.xlane v4, v0  }
0x217: {  	v2 =	vperm.xlane v2, v0;
	v5 =	vperm.xlane v58, v0  }
0x218: {  	v1 =	vmax.f32 v1, v3  }
0x219: {  	v3 =	vmax.f32 v59, v4;
	v2 =	vmax.f32 v6, v2;
	v61 =	vmax.f32 v60, v5  }
0x21a: {  	v62 =	vmin.f32 v3, v2;
	v63 =	vmin.f32 v61, v1  }
0x21b: {  	v1 =	vmax.f32 v61, v1;
	v2 =	vmax.f32 v3, v2;
	v3 =	vmin.f32 v63, v62  }
0x21c: {  	v4 =	vmax.f32 v1, v2;
	(xrf1) =	vsort.ascd.msk.f32 $0xffff, v3, v3  }
0x21d: {  	v3 =	vmax.f32 v63, v62;
	(xrf1) =	vsort.ascd.msk.f32 $0xffff, v4, v4  }
0x21e: {  	v1 =	vmin.f32 v1, v2;
	(xrf1) =	vsort.ascd.msk.f32 $0xffff, v3, v3  }
0x21f: {  	(xrf1) =	vsort.ascd.msk.f32 $0xffff, v1, v1  }
.LBB2_10:
0x220: {  	_ =	sdelay $0x8  }
0x221: {  	s20 =	smov.u32 s22  }
0x222: {  	s19 =	sshra.s32 s22, $0x2;
	s18 =	sadd.s32 $0x80, s18;
	s20 =	sadd.s32 $0x100, s22;
	v1, _, _ =	vpop (xrf1)  }
0x223: {  	p0 =	sne.s32 s22, $0xF00;
	[tilespmem:s17+$0x1800] =	vst v1;
	v1, _, _ =	vpop (xrf1)  }
0x224: {  	[tilespmem:s17+$0x1830] =	vst v1;
	v1, _, _ =	vpop (xrf1)  }
0x225: {  	[tilespmem:s17+$0x1810] =	vst v1;
	v1, _, _ =	vpop (xrf1)  }
0x226: {  	[tilespmem:s17+$0x1820] =	vst v1;
	s17 =	smov.u32 s19  }
0x227: {  	v1 =	vld [tilespmem:s18+$0xFFFFFFE0]  }
0x228: {  	v2 =	vld [tilespmem:s18+$0x0]  }
0x229: {  	v3 =	vld [tilespmem:s18+$0x10]  }
0x22a: {  	v4 =	vld [tilespmem:s18+$0x20]  }
0x22b: {  	v5 =	vld [tilespmem:s18+$0x30]  }
0x22c: {  	v6 =	vld [tilespmem:s18+$0xFFFFFFF0]  }
0x22d: {  	v7 =	vld [tilespmem:s18+$0xFFFFFFD0]  }
0x22e: {  	v8 =	vld [tilespmem:s18+$0xFFFFFFC0]  }
0x22f: {  	v3 =	vperm.xlane v3, v0  }
0x230: {  	v2 =	vperm.xlane v2, v0;
	v4 =	vperm.xlane v4, v0  }
0x231: {  	v5 =	vperm.xlane v5, v0;
	v1 =	vmax.f32 v1, v3  }
0x232: {  	v2 =	vmax.f32 v6, v2;
	v3 =	vmax.f32 v7, v4  }
0x233: {  	v4 =	vmax.f32 v8, v5;
	v5 =	vmin.f32 v3, v2  }
0x234: {  	v2 =	vmax.f32 v3, v2;
	v6 =	vmin.f32 v4, v1;
	v1 =	vmax.f32 v4, v1  }
.Ltmp4:
0x235: {  	v3 =	vmin.f32 v6, v5;
	v4 =	vmax.f32 v6, v5;
	v5 =	vmin.f32 v1, v2;
	(pc) =	sbr.rel @p0 .LBB2_10-.Ltmp4, $4  }
0x236: {  	v1 =	vmax.f32 v1, v2;
	(xrf1) =	vsort.ascd.msk.f32 $0xffff, v3, v3  }
0x237: {  	(xrf1) =	vsort.ascd.msk.f32 $0xffff, v1, v1  }
0x238: {  	(xrf1) =	vsort.ascd.msk.f32 $0xffff, v4, v4  }
0x239: {  	s22 =	smov.u32 s20;
	(xrf1) =	vsort.ascd.msk.f32 $0xffff, v5, v5  }
0x23a: {  	_ =	sdelay $0x9  }
0x23b: {  	v1, _, _ =	vpop (xrf1)  }
0x23c: {  	[tilespmem:s17+$0x1800] =	vst v1;
	v1, _, _ =	vpop (xrf1)  }
0x23d: {  	[tilespmem:s17+$0x1830] =	vst v1;
	v1, _, _ =	vpop (xrf1)  }
0x23e: {  	[tilespmem:s17+$0x1810] =	vst v1;
	v1, _, _ =	vpop (xrf1)  }
0x23f: {  	[tilespmem:s17+$0x1820] =	vst v1;
	s17 =	simm.s32 $0x1840  }
0x240: {  	v1 =	vld [tilespmem:s17+$0xFFFFFFE0]  }
0x241: {  	v2 =	vld [tilespmem:s17+$0x0]  }
0x242: {  	v3 =	vld [tilespmem:s17+$0x10]  }
0x243: {  	v4 =	vld [tilespmem:s17+$0x20]  }
0x244: {  	v5 =	vld [tilespmem:s17+$0x30]  }
0x245: {  	v6 =	vld [tilespmem:s17+$0xFFFFFFF0]  }
0x246: {  	v7 =	vld [tilespmem:s17+$0xFFFFFFD0]  }
0x247: {  	v8 =	vld [tilespmem:s17+$0xFFFFFFC0];
	_ =	sdelay $0x1  }
0x248: {  	v3 =	vperm.xlane v3, v0;
	v4 =	vperm.xlane v4, v0  }
0x249: {  	v2 =	vperm.xlane v2, v0;
	v5 =	vperm.xlane v5, v0  }
0x24a: {  	v1 =	vmax.f32 v1, v3  }
0x24b: {  	v3 =	vmax.f32 v7, v4;
	v2 =	vmax.f32 v6, v2;
	v61 =	vmax.f32 v8, v5  }
0x24c: {  	v62 =	vmin.f32 v3, v2;
	v63 =	vmin.f32 v61, v1  }
0x24d: {  	v1 =	vmax.f32 v61, v1;
	v2 =	vmax.f32 v3, v2;
	v3 =	vmin.f32 v63, v62  }
0x24e: {  	v4 =	vmax.f32 v1, v2;
	(xrf1) =	vsort.ascd.msk.f32 $0xffff, v3, v3  }
0x24f: {  	v3 =	vmax.f32 v63, v62;
	(xrf1) =	vsort.ascd.msk.f32 $0xffff, v4, v4  }
0x250: {  	v1 =	vmin.f32 v1, v2;
	(xrf1) =	vsort.ascd.msk.f32 $0xffff, v3, v3  }
0x251: {  	s18 =	simm.s32 $0x0;
	s19 =	simm.s32 $0x100;
	(xrf1) =	vsort.ascd.msk.f32 $0xffff, v1, v1  }
.LBB2_12:
0x252: {  	_ =	sdelay $0x8  }
0x253: {  	s21 =	smov.u32 s19  }
0x254: {  	s20 =	sshra.s32 s19, $0x2;
	s17 =	sadd.s32 $0x80, s17;
	s21 =	sadd.s32 $0x100, s19;
	v1, _, _ =	vpop (xrf1)  }
0x255: {  	p0 =	sne.s32 s19, $0x700;
	[tilespmem:s18+$0x1000] =	vst v1;
	v1, _, _ =	vpop (xrf1)  }
0x256: {  	[tilespmem:s18+$0x1030] =	vst v1;
	v1, _, _ =	vpop (xrf1)  }
0x257: {  	[tilespmem:s18+$0x1010] =	vst v1;
	v1, _, _ =	vpop (xrf1)  }
0x258: {  	[tilespmem:s18+$0x1020] =	vst v1;
	s18 =	smov.u32 s20  }
0x259: {  	v1 =	vld [tilespmem:s17+$0xFFFFFFE0]  }
0x25a: {  	v2 =	vld [tilespmem:s17+$0x0]  }
0x25b: {  	v3 =	vld [tilespmem:s17+$0x10]  }
0x25c: {  	v4 =	vld [tilespmem:s17+$0x20]  }
0x25d: {  	v5 =	vld [tilespmem:s17+$0x30]  }
0x25e: {  	v6 =	vld [tilespmem:s17+$0xFFFFFFF0]  }
0x25f: {  	v7 =	vld [tilespmem:s17+$0xFFFFFFD0]  }
0x260: {  	v8 =	vld [tilespmem:s17+$0xFFFFFFC0]  }
0x261: {  	v3 =	vperm.xlane v3, v0  }
0x262: {  	v2 =	vperm.xlane v2, v0;
	v4 =	vperm.xlane v4, v0  }
0x263: {  	v5 =	vperm.xlane v5, v0;
	v1 =	vmax.f32 v1, v3  }
0x264: {  	v2 =	vmax.f32 v6, v2;
	v3 =	vmax.f32 v7, v4  }
0x265: {  	v4 =	vmax.f32 v8, v5;
	v5 =	vmin.f32 v3, v2  }
0x266: {  	v2 =	vmax.f32 v3, v2;
	v6 =	vmin.f32 v4, v1;
	v1 =	vmax.f32 v4, v1  }
.Ltmp5:
0x267: {  	v3 =	vmin.f32 v6, v5;
	v4 =	vmax.f32 v6, v5;
	v5 =	vmin.f32 v1, v2;
	(pc) =	sbr.rel @p0 .LBB2_12-.Ltmp5, $4  }
0x268: {  	v1 =	vmax.f32 v1, v2;
	(xrf1) =	vsort.ascd.msk.f32 $0xffff, v3, v3  }
0x269: {  	(xrf1) =	vsort.ascd.msk.f32 $0xffff, v1, v1  }
0x26a: {  	(xrf1) =	vsort.ascd.msk.f32 $0xffff, v4, v4  }
0x26b: {  	s19 =	smov.u32 s21;
	(xrf1) =	vsort.ascd.msk.f32 $0xffff, v5, v5  }
0x26c: {  	_ =	sdelay $0x9  }
0x26d: {  	v1, _, _ =	vpop (xrf1)  }
0x26e: {  	[tilespmem:s18+$0x1000] =	vst v1;
	v1, _, _ =	vpop (xrf1)  }
0x26f: {  	[tilespmem:s18+$0x1030] =	vst v1;
	v1, _, _ =	vpop (xrf1)  }
0x270: {  	[tilespmem:s18+$0x1010] =	vst v1;
	v1, _, _ =	vpop (xrf1)  }
0x271: {  	[tilespmem:s18+$0x1020] =	vst v1  }
0x272: {  	v1 =	vld [tilespmem:$0x1000]  }
0x273: {  	v2 =	vld [tilespmem:$0x1010]  }
0x274: {  	v3 =	vld [tilespmem:$0x1020]  }
0x275: {  	v4 =	vld [tilespmem:$0x1030]  }
0x276: {  	v5 =	vld [tilespmem:$0x1040]  }
0x277: {  	v6 =	vld [tilespmem:$0x1050]  }
0x278: {  	v7 =	vld [tilespmem:$0x1060]  }
0x279: {  	v8 =	vld [tilespmem:$0x1070]  }
0x27a: {  	v9 =	vld [tilespmem:$0x1080]  }
0x27b: {  	v10 =	vld [tilespmem:$0x1090]  }
0x27c: {  	v11 =	vld [tilespmem:$0x10A0]  }
0x27d: {  	v12 =	vld [tilespmem:$0x10B0]  }
0x27e: {  	v13 =	vld [tilespmem:$0x10C0]  }
0x27f: {  	v14 =	vld [tilespmem:$0x10D0]  }
0x280: {  	v15 =	vld [tilespmem:$0x10E0];
	v8 =	vperm.xlane v8, v0;
	v7 =	vperm.xlane v7, v0  }
0x281: {  	v23 =	vld [tilespmem:$0x10F0];
	v6 =	vperm.xlane v6, v0;
	v5 =	vperm.xlane v5, v0  }
0x282: {  	v24 =	vld [tilespmem:$0x1100];
	v1 =	vmax.f32 v1, v8  }
0x283: {  	v25 =	vld [tilespmem:$0x1110];
	v2 =	vmax.f32 v2, v7;
	v3 =	vmax.f32 v3, v6;
	v4 =	vmax.f32 v4, v5  }
0x284: {  	v27 =	vld [tilespmem:$0x1120];
	v6 =	vmin.f32 v1, v3;
	v1 =	vmax.f32 v1, v3;
	v3 =	vmin.f32 v2, v4  }
0x285: {  	v29 =	vld [tilespmem:$0x1140];
	v28 =	vperm.xlane v15, v0;
	v14 =	vperm.xlane v14, v0;
	v26 =	vmin.f32 v6, v3  }
0x286: {  	v30 =	vld [tilespmem:$0x1160];
	v2 =	vmax.f32 v2, v4;
	v3 =	vmax.f32 v6, v3;
	(xrf1) =	vsort.ascd.msk.f32 $0xffff, v26, v26  }
0x287: {  	v33 =	vld [tilespmem:$0x1150];
	v16 =	vmin.f32 v1, v2;
	(xrf1) =	vsort.ascd.msk.f32 $0xffff, v3, v3;
	v3 =	vperm.xlane v23, v0  }
0x288: {  	v38 =	vld [tilespmem:$0x1190];
	v13 =	vperm.xlane v13, v0;
	v1 =	vmax.f32 v1, v2;
	(xrf1) =	vsort.ascd.msk.f32 $0xffff, v16, v16  }
0x289: {  	(xrf1) =	vsort.ascd.msk.f32 $0xffff, v1, v1;
	v1 =	vmax.f32 v9, v3;
	v3 =	vld [tilespmem:$0x1170]  }
0x28a: {  	v40 =	vld [tilespmem:$0x11C0];
	v31 =	vmax.f32 v11, v14;
	v32 =	vmax.f32 v12, v13;
	v4 =	vmax.f32 v10, v28  }
0x28b: {  	v42 =	vld [tilespmem:$0x11E0];
	v41 =	vperm.xlane v30, v0;
	v35 =	vmin.f32 v4, v32;
	v34 =	vmin.f32 v1, v31  }
0x28c: {  	v43 =	vld [tilespmem:$0x11F0];
	v11 =	vperm.xlane v33, v0;
	v4 =	vmax.f32 v4, v32;
	v37 =	vmin.f32 v34, v35  }
0x28d: {  	v2 =	vld [tilespmem:$0x1130];
	v1 =	vmax.f32 v1, v31;
	v9 =	vmax.f32 v34, v35;
	(xrf1) =	vsort.ascd.msk.f32 $0xffff, v37, v37  }
0x28e: {  	v39 =	vmin.f32 v1, v4;
	(xrf1) =	vsort.ascd.msk.f32 $0xffff, v9, v9;
	v3 =	vperm.xlane v3, v0  }
0x28f: {  	v48 =	vld [tilespmem:$0x11B0];
	v8 =	vperm.xlane v29, v0;
	v1 =	vmax.f32 v1, v4;
	(xrf1) =	vsort.ascd.msk.f32 $0xffff, v39, v39  }
0x290: {  	v10 =	vperm.xlane v42, v0;
	(xrf1) =	vsort.ascd.msk.f32 $0xffff, v1, v1;
	v1 =	vmax.f32 v24, v3;
	v3 =	vld [tilespmem:$0x11D0]  }
0x291: {  	v36 =	vld [tilespmem:$0x1180];
	v51 =	vperm.xlane v43, v0;
	v44 =	vmax.f32 v25, v41;
	v6 =	vmax.f32 v27, v11  }
0x292: {  	v45 =	vld [tilespmem:$0x11A0];
	v52 =	vmax.f32 v38, v10;
	v2 =	vmax.f32 v2, v8;
	v4 =	vperm.xlane v40, v0  }
0x293: {  	v47 =	vmin.f32 v44, v2;
	v2 =	vmax.f32 v44, v2;
	v46 =	vmin.f32 v1, v6  }
0x294: {  	v4 =	vmax.f32 v48, v4;
	v1 =	vmax.f32 v1, v6;
	v49 =	vmin.f32 v46, v47  }
0x295: {  	v6 =	vmax.f32 v46, v47;
	(xrf1) =	vsort.ascd.msk.f32 $0xffff, v49, v49;
	v3 =	vperm.xlane v3, v0  }
0x296: {  	v50 =	vmin.f32 v1, v2;
	v1 =	vmax.f32 v1, v2;
	(xrf1) =	vsort.ascd.msk.f32 $0xffff, v6, v6  }
0x297: {  	v2 =	vmax.f32 v36, v51;
	(xrf1) =	vsort.ascd.msk.f32 $0xffff, v50, v50;
	v3 =	vmax.f32 v45, v3  }
0x298: {  	v54 =	vmin.f32 v52, v4;
	(xrf1) =	vsort.ascd.msk.f32 $0xffff, v1, v1;
	v53 =	vmin.f32 v2, v3  }
0x299: {  	v1 =	vmax.f32 v2, v3;
	v3 =	vmax.f32 v52, v4;
	v2 =	vmin.f32 v53, v54  }
0x29a: {  	v55 =	vmax.f32 v53, v54;
	(xrf1) =	vsort.ascd.msk.f32 $0xffff, v2, v2;
	v2 =	vmin.f32 v1, v3  }
0x29b: {  	v1 =	vmax.f32 v1, v3;
	(xrf1) =	vsort.ascd.msk.f32 $0xffff, v55, v55  }
0x29c: {  	v56, _, _ =	vpop (xrf1);
	(xrf1) =	vsort.ascd.msk.f32 $0xffff, v2, v2  }
0x29d: {  	v2, _, _ =	vpop (xrf1);
	(xrf1) =	vsort.ascd.msk.f32 $0xffff, v1, v1  }
0x29e: {  	v1, _, _ =	vpop (xrf1)  }
0x29f: {  	v3, _, _ =	vpop (xrf1)  }
0x2a0: {  	v5, _, _ =	vpop (xrf1)  }
0x2a1: {  	v57, _, _ =	vpop (xrf1)  }
0x2a2: {  	v58, _, _ =	vpop (xrf1)  }
0x2a3: {  	[tilespmem:$0x1800] =	vst v56;
	v59, _, _ =	vpop (xrf1)  }
0x2a4: {  	v61 =	vld [tilespmem:$0x1800];
	[tilespmem:$0x1810] =	vst v2;
	v60, _, _ =	vpop (xrf1)  }
0x2a5: {  	[tilespmem:$0x1820] =	vst v1;
	v62 =	vld [tilespmem:$0x1810];
	v2, _, _ =	vpop (xrf1)  }
0x2a6: {  	[tilespmem:$0x1830] =	vst v3;
	v63 =	vld [tilespmem:$0x1820];
	v1, _, _ =	vpop (xrf1)  }
0x2a7: {  	v21 =	vld [tilespmem:$0x1830];
	[tilespmem:$0x1880] =	vst v60;
	v3, _, _ =	vpop (xrf1)  }
0x2a8: {  	[tilespmem:$0x1890] =	vst v2;
	v22 =	vld [tilespmem:$0x1880];
	v20, _, _ =	vpop (xrf1)  }
0x2a9: {  	v24 =	vld [tilespmem:$0x1890];
	v2, _, _ =	vpop (xrf1);
	[tilespmem:$0x18C0] =	vst v20  }
0x2aa: {  	v23, _, _ =	vpop (xrf1);
	v26 =	vld [tilespmem:$0x18C0];
	[tilespmem:$0x18D0] =	vst v2  }
0x2ab: {  	v18 =	vperm.xlane v5, v0;
	v28 =	vperm.xlane v58, v0;
	v25, _, _ =	vpop (xrf1);
	[tilespmem:$0x18E0] =	vst v23;
	v29 =	vld [tilespmem:$0x18D0]  }
0x2ac: {  	v27 =	vperm.xlane v59, v0;
	v2 =	vperm.xlane v57, v0;
	[tilespmem:$0x18F0] =	vst v25;
	v17 =	vld [tilespmem:$0x18E0]  }
0x2ad: {  	v30 =	vmax.f32 v21, v18;
	[tilespmem:$0x18B0] =	vst v3;
	v19 =	vld [tilespmem:$0x18F0]  }
0x2ae: {  	[tilespmem:$0x18A0] =	vst v1;
	v1 =	vmax.f32 v61, v27;
	v3 =	vmax.f32 v62, v28;
	v33 =	vld [tilespmem:$0x18B0];
	v2 =	vmax.f32 v63, v2  }
0x2af: {  	v31 =	vld [tilespmem:$0x18A0];
	v32 =	vmin.f32 v1, v2;
	v1 =	vmax.f32 v1, v2;
	v2 =	vmin.f32 v3, v30  }
0x2b0: {  	v3 =	vmax.f32 v3, v30;
	v34 =	vmin.f32 v32, v2;
	v2 =	vmax.f32 v32, v2  }
0x2b1: {  	v35 =	vmin.f32 v1, v3;
	v37 =	vperm.xlane v26, v0;
	v9 =	vperm.xlane v29, v0  }
0x2b2: {  	(xrf1) =	vsort.ascd.msk.f32 $0xffff, v34, v34;
	v17 =	vperm.xlane v17, v0;
	v36 =	vperm.xlane v19, v0  }
0x2b3: {  	v1 =	vmax.f32 v1, v3;
	(xrf1) =	vsort.ascd.msk.f32 $0xffff, v2, v2;
	v39 =	vmax.f32 v33, v37  }
0x2b4: {  	v38 =	vmax.f32 v31, v9;
	v3 =	vmax.f32 v24, v17;
	v2 =	vmax.f32 v22, v36  }
0x2b5: {  	(xrf1) =	vsort.ascd.msk.f32 $0xffff, v35, v35;
	v41 =	vmin.f32 v3, v39;
	v40 =	vmin.f32 v2, v38  }
0x2b6: {  	(xrf1) =	vsort.ascd.msk.f32 $0xffff, v1, v1;
	v1 =	vmax.f32 v2, v38;
	v2 =	vmin.f32 v40, v41  }
0x2b7: {  	v3 =	vmax.f32 v3, v39;
	v42 =	vmax.f32 v40, v41;
	(xrf1) =	vsort.ascd.msk.f32 $0xffff, v2, v2  }
0x2b8: {  	v2 =	vmin.f32 v1, v3;
	(xrf1) =	vsort.ascd.msk.f32 $0xffff, v42, v42  }
0x2b9: {  	v1 =	vmax.f32 v1, v3;
	(xrf1) =	vsort.ascd.msk.f32 $0xffff, v2, v2  }
0x2ba: {  	(xrf1) =	vsort.ascd.msk.f32 $0xffff, v1, v1;
	_ =	sdelay $0x6  }
0x2bb: {  	v1, _, _ =	vpop (xrf1)  }
0x2bc: {  	v2, _, _ =	vpop (xrf1)  }
0x2bd: {  	v3, _, _ =	vpop (xrf1)  }
0x2be: {  	v43, _, _ =	vpop (xrf1)  }
0x2bf: {  	v44, _, _ =	vpop (xrf1)  }
0x2c0: {  	v45, _, _ =	vpop (xrf1)  }
0x2c1: {  	v46, _, _ =	vpop (xrf1)  }
0x2c2: {  	v51 =	vperm.xlane v44, v0;
	v50 =	vperm.xlane v45, v0;
	v47, _, _ =	vpop (xrf1)  }
0x2c3: {  	v49 =	vperm.xlane v46, v0;
	v48 =	vperm.xlane v47, v0  }
0x2c4: {  	v16 =	vmax.f32 v43, v51  }
0x2c5: {  	v15 =	vmax.f32 v3, v50;
	v14 =	vmax.f32 v2, v49;
	v13 =	vmax.f32 v1, v48  }
0x2c6: {  	v53 =	vmin.f32 v14, v16;
	v52 =	vmin.f32 v13, v15  }
0x2c7: {  	v14 =	vmax.f32 v14, v16;
	v54 =	vmin.f32 v52, v53  }
0x2c8: {  	v13 =	vmax.f32 v13, v15;
	v55 =	vmax.f32 v52, v53;
	(xrf1) =	vsort.ascd.msk.f32 $0xffff, v54, v54  }
0x2c9: {  	v56 =	vmin.f32 v13, v14;
	(xrf1) =	vsort.ascd.msk.f32 $0xffff, v55, v55  }
0x2ca: {  	v13 =	vmax.f32 v13, v14;
	(xrf1) =	vsort.ascd.msk.f32 $0xffff, v56, v56  }
0x2cb: {  	(xrf1) =	vsort.ascd.msk.f32 $0xffff, v13, v13;
	_ =	sdelay $0x6  }
0x2cc: {  	[tilespmem:$0x1840] =	vst v5  }
0x2cd: {  	[tilespmem:$0x1850] =	vst v57  }
0x2ce: {  	[tilespmem:$0x1860] =	vst v58  }
0x2cf: {  	[tilespmem:$0x1870] =	vst v59  }
0x2d0: {  	[tilespmem:$0x1000] =	vst v1;
	v1, _, _ =	vpop (xrf1)  }
0x2d1: {  	[tilespmem:$0x1010] =	vst v2;
	v2, _, _ =	vpop (xrf1)  }
0x2d2: {  	v57, _, _ =	vpop (xrf1);
	[tilespmem:$0x1810] =	vst v2  }
0x2d3: {  	v2, _, _ =	vpop (xrf1);
	[tilespmem:$0x1820] =	vst v57;
	v58 =	vld [tilespmem:$0x1810]  }
0x2d4: {  	[tilespmem:$0x1830] =	vst v2;
	v2 =	vld [tilespmem:$0x1820]  }
0x2d5: {  	[tilespmem:$0x1020] =	vst v3;
	v3 =	vld [tilespmem:$0x1830]  }
0x2d6: {  	[tilespmem:$0x1030] =	vst v43  }
0x2d7: {  	[tilespmem:$0x1040] =	vst v44;
	v59 =	vadd.f32 $5.000000000e-01, v1  }
0x2d8: {  	[tilespmem:$0x1050] =	vst v45;
	v60 =	vadd.f32 $5.000000000e-01, v58  }
0x2d9: {  	[tilespmem:$0x1060] =	vst v46;
	v4 =	vmul.f32 $8.656169890e+00, v59;
	v61 =	vadd.f32 $5.000000000e-01, v2  }
0x2da: {  	[tilespmem:$0x1070] =	vst v47;
	vm0 =	veq.f32 v1, $-Inf;
	v6 =	vmul.f32 $8.656169890e+00, v60;
	v62 =	vadd.f32 $5.000000000e-01, v3  }
0x2db: {  	[tilespmem:$0x1800] =	vst v1;
	v1 =	vsel vm0, $0x7FC00000, v4;
	vm13 =	veq.f32 v58, $-Inf;
	v63 =	vmul.f32 $8.656169890e+00, v61  }
0x2dc: {  	[tilespmem:$0x1C00] =	vst v1;
	vm14 =	veq.f32 v2, $-Inf;
	v1 =	vsel vm13, $0x7FC00000, v6;
	v2 =	vmul.f32 $8.656169890e+00, v62  }
0x2dd: {  	s16 =	sadd.s32 $0x1, s16;
	vm15 =	veq.f32 v3, $-Inf;
	[tilespmem:$0x1C10] =	vst v1;
	v1 =	vsel vm14, $0x7FC00000, v63  }
0x2de: {  	p0 =	sne.s32 s16, s9;
	[tilespmem:$0x1C20] =	vst v1;
	v1 =	vsel vm15, $0x7FC00000, v2  }
.Ltmp6:
0x2df: {  	[tilespmem:$0x1C30] =	vst v1;
	(pc) =	sbr.rel @p0 .LBB2_1-.Ltmp6, $4  }
0x2e0: {  	[hbm4b:s8+s2] =	stream.linear.scatter [tilespmem:s15], [sflag:$0x1], $0x80, $0x38;
	[tilespmem:$0x1C80] =	vst v63  }
0x2e1: {  	_ =	swait.ge [sflag:s12], $0x80  }
0x2e2: {  	[sflag:s12] =	ssyncset.done $0x0  }
0x2e3: {  	[sflag:s12] =	ssyncadd.s32 $0xFFFFFF80  }
0x2e4: {  	_ =	sfence.sel $0x180000  }
0x2e5: {  	[bflag:$0x0] =	sbarrier.arrive $0xFFFF  }
0x2e6: {  	p0 =	sne.s32 s0, $0x0;
	_ =	strace $0x90000047  }
0x2e7: {  	s0 =	sadd.s32 @!p0 $0x100000, s1;
	[bflag:$0x2] =	sbarrier.arrive $0xFFFF  }
0x2e8: {  	[sflag:s0] =	ssyncadd.tile.s32 @!p0 $0x1;
	_ =	shalt  }
.Lfunc_end2:
_tile_overlayer_lowered:
.L_overlay_start_2:
0x2e9: {  	(tag) =	ssettag $0x2  }
0x2ea: {  	s0 =	rddreg [dreg:$0x0];
	s2 =	stileid.u32  }
0x2eb: {  	s1 =	rddreg [dreg:$0x1];
	p0 =	sne.s32 s2, $0x0  }
0x2ec: {  	s3 =	rddreg [dreg:$0x2];
	[bflag:$0x3] =	sbarrier.arrive $0xFFFF;
	s2 =	simm.s32 @!p0 $0x1C01  }
0x2ed: {  	[timem:s3], [sflag:s2] =	dma.local @!p0 [hbm:s0], s1  }
0x2ee: {  	s0 =	simm.s32 @!p0 $0x1  }
0x2ef: {  	_ =	swait.ge @!p0 [sflag:s0], s1  }
0x2f0: {  	s1 =	ssub.s32 @!p0 $0x0, s1;
	[sflag:s0] =	ssyncset.done @!p0 $0x0  }
0x2f1: {  	[sflag:s0] =	ssyncadd.s32 @!p0 s1  }
0x2f2: {  	[bflag:$0x3] =	sbarrier.arrive $0xFFFF  }
0x2f3: {  	_ =	shalt  }

</sc_bundles>
